<compile_context>
chip_gen: v7x
topology: tpu7x:2x2x1
jax: 0.10.2.dev20260603
libtpu: 0.0.44.dev20260713+nightly
codegen_flags: <defaults>
</compile_context>

<pallas_src>
import functools

import jax
import jax.numpy as jnp
from jax import lax
from jax.experimental import pallas as pl
from jax.experimental.pallas import tpu as pltpu
from jax.experimental.pallas import tpu_sc as plsc

B, L, D = 4096, 200, 64
NC, NS = 2, 16
NW = NC * NS
IPW = B // NW
PT_S = 2 * L + 1
OB_S = IPW + 1
PT_N = D * PT_S


def _mo(v):
    return pl.multiple_of(v, 8)


def kernel(x, word_table, pos_table):
    xt = x.T
    pt_tab = jnp.concatenate(
        [jnp.zeros((D, L), jnp.float32), pos_table.T[:, 1:L + 1],
         jnp.zeros((D, 1), jnp.float32)], axis=1
    ).reshape(PT_N)

    mesh = plsc.VectorSubcoreMesh(core_axis_name="c", subcore_axis_name="s")

    @functools.partial(
        pl.kernel,
        out_type=jax.ShapeDtypeStruct((L * (D // 8) * (B // 128), 8, 128),
                                      jnp.float32),
        mesh=mesh,
        compiler_params=pltpu.CompilerParams(
            needs_layout_passes=False, use_tc_tiling_on_sc=False),
        scratch_types=[
            pltpu.VMEM((L, IPW), jnp.int32),
            pltpu.VMEM((IPW,), jnp.int32),
            pltpu.VMEM((2 * IPW, D), jnp.float32),
            pltpu.VMEM((2 * D, OB_S), jnp.float32),
            pltpu.VMEM((PT_N,), jnp.float32),
            pltpu.SemaphoreType.DMA,
            pltpu.SemaphoreType.DMA,
            pltpu.SemaphoreType.DMA,
            pltpu.SemaphoreType.DMA,
        ],
    )
    def run(xt_hbm, wt_hbm, pt_hbm, out_hbm, idx_v, ls_v, gbuf, obuf, pt_v,
            gsem0, gsem1, ssem0, ssem1):
        wid = lax.axis_index("s") * NC + lax.axis_index("c")
        i0 = _mo(wid * IPW)
        pltpu.sync_copy(pt_hbm, pt_v)
        pltpu.sync_copy(xt_hbm.at[:, pl.ds(i0, IPW)], idx_v)

        for gi in range(IPW // 16):
            def cnt_body(j2, acc):
                vals = idx_v[j2, pl.ds(gi * 16, 16)]
                return acc + jnp.where(vals != jnp.int32(0),
                                       jnp.int32(1), jnp.int32(0))
            ls_v[pl.ds(gi * 16, 16)] = lax.fori_loop(
                0, L, cnt_body, jnp.zeros((16,), jnp.int32))

        gsems = (gsem0, gsem1)
        ssems = (ssem0, ssem1)
        iota = lax.iota(jnp.int32, 16)

        def gather_desc(j, s):
            return pltpu.make_async_copy(
                wt_hbm.at[idx_v.at[j]],
                gbuf.at[pl.ds(s * IPW, IPW)], gsems[s])

        def store_descs(j, s):
            return tuple(
                pltpu.make_async_copy(
                    obuf.at[pl.ds(s * D + dg * 8, 8), pl.ds(0, IPW)],
                    out_hbm.at[(j * (D // 8) + dg) * (B // 128) + wid],
                    ssems[s])
                for dg in range(D // 8))

        def add_row(j, s):
            def tg_body(tg, c):
                lsg = ls_v[pl.ds(tg * 16, 16)] + jnp.int32(j)

                @plsc.parallel_loop(0, 16, unroll=4)
                def _(lane):
                    t = tg * 16 + lane
                    lsp = jnp.zeros((16,), jnp.int32) + t
                    pbase = lsg.at[jnp.zeros((16,), jnp.int32) + lane].get(
                        mode="promise_in_bounds")
                    for r in range(D // 16):
                        wv = gbuf[s * IPW + t, pl.ds(r * 16, 16)]
                        pv = plsc.load_gather(
                            pt_v, [(r * 16 + iota) * PT_S + pbase])
                        plsc.store_scatter(
                            obuf, [r * 16 + iota + jnp.int32(s * D), lsp],
                            wv + pv)
                return c
            lax.fori_loop(0, IPW // 16, tg_body, 0)

        for s in range(2):
            gather_desc(s, s).start()

        def pair_body(g, carry):
            for s in range(2):
                j = 2 * g + s

                @pl.when(g > 0)
                def _():
                    for d in store_descs(0, s):
                        d.wait()

                gather_desc(j, s).wait()
                add_row(j, s)
                for d in store_descs(j, s):
                    d.start()

                @pl.when(g < L // 2 - 1)
                def _():
                    gather_desc(j + 2, s).start()
            return carry

        lax.fori_loop(0, L // 2, pair_body, 0)
        for s in range(2):
            for d in store_descs(0, s):
                d.wait()

    out = run(xt, word_table, pt_tab)
    out = out.reshape(L, D // 8, B // 128, 8, 128)
    out = out.transpose(0, 1, 3, 2, 4).reshape(L, D, B)
    return out.transpose(2, 0, 1)

# --- scband reference (transcript-rebuilt; emitter-appended) ---
"""Pipeline reference for scband-word-embedding-44246753084186 (READ-ONLY COPY).

The authoritative reference and input builder live on the scoring server;
editing this copy changes nothing except your own understanding.
"""

import jax, jax.numpy as jnp
import numpy as np

NUM_EMBEDDINGS = 1000000
EMBEDDING_DIM = 64
MAX_LENGTH = 200
PADDING_IDX = 0
BATCH = 4096
SEQ = 200


def setup_inputs(seed: int = 0) -> dict:
    key = jax.random.key(seed)
    k1, k2, k3 = jax.random.split(key, 3)
    x = jax.random.randint(k1, (BATCH, SEQ), 0, NUM_EMBEDDINGS, dtype=jnp.int32)
    word_table = jax.random.normal(k2, (NUM_EMBEDDINGS, EMBEDDING_DIM), dtype=jnp.float32) * 0.02
    word_table = word_table.at[PADDING_IDX].set(0.0)  # padding_idx row is zero
    pos_table = jax.random.normal(k3, (MAX_LENGTH + 1, EMBEDDING_DIM), dtype=jnp.float32) * 0.02
    pos_table = pos_table.at[0].set(0.0)  # pos_embed padding_idx=0 row is zero
    return {"x": x, "word_table": word_table, "pos_table": pos_table}


def reference(x, word_table, pos_table):
    B, L = x.shape
    # number of nonzero (non-padding) tokens per row
    Ls = jnp.count_nonzero(x, axis=1).astype(jnp.int32)
    # torch loop: pos[i, -length:] = arange(1, length+1); left side stays 0
    # vectorized: pos[i, j] = max(j - (L - Ls[i]) + 1, 0)
    pos = jnp.maximum(jnp.arange(L, dtype=jnp.int32)[None, :] - (L - Ls)[:, None] + 1, 0)
    p_e = jnp.take(pos_table, pos, axis=0)
    w_e = jnp.take(word_table, x, axis=0)
    return p_e + w_e

if __name__ == "__main__":
    import jax
    _d = setup_inputs()
    print(jax.jit(kernel)(*tuple(_d.values())))

</pallas_src>

<mosaic_0001>
#map = affine_map<(d0, d1) -> (0, 0)>
#map1 = affine_map<(d0, d1) -> (0)>
#map2 = affine_map<(d0, d1) -> (0, 0, 0)>
module attributes {stable_mosaic.version = 14 : i64} {
  func.func @run(%arg0: i32, %arg1: i32, %arg2: memref<200x4096xi32, #tpu.memory_space<hbm>>, %arg3: memref<1000000x64xf32, #tpu.memory_space<hbm>>, %arg4: memref<25664xf32, #tpu.memory_space<hbm>>, %arg5: memref<51200x8x128xf32, #tpu.memory_space<hbm>>, %arg6: memref<200x128xi32, #tpu.memory_space<vmem>>, %arg7: memref<128xi32, #tpu.memory_space<vmem>>, %arg8: memref<256x64xf32, #tpu.memory_space<vmem>>, %arg9: memref<128x129xf32, #tpu.memory_space<vmem>>, %arg10: memref<25664xf32, #tpu.memory_space<vmem>>, %arg11: memref<!tpu.dma_semaphore, #tpu.memory_space<semaphore_mem>>, %arg12: memref<!tpu.dma_semaphore, #tpu.memory_space<semaphore_mem>>, %arg13: memref<!tpu.dma_semaphore, #tpu.memory_space<semaphore_mem>>, %arg14: memref<!tpu.dma_semaphore, #tpu.memory_space<semaphore_mem>>) attributes {dimension_semantics = [#tpu.dimension_semantics<core_parallel>, #tpu.dimension_semantics<subcore_parallel>], iteration_bounds = array<i64: 2, 16>, scalar_prefetch = 0 : i64, scratch_operands = 9 : i64, tpu.core_type = #tpu.core_type<sc_vector_subcore>, window_params = [{transform_indices = #map}, {transform_indices = #map}, {transform_indices = #map1}, {transform_indices = #map2}]} {
    %mul3A = arith.constant 2 : i32
    %mul3A_0 = arith.muli %arg1, %mul3A : i32
    %add3A = arith.addi %mul3A_0, %arg0 : i32
    %mul3A_1 = arith.constant 128 : i32
    %mul3A_2 = arith.muli %add3A, %mul3A_1 : i32
    %multiple_of3A = tpu.assume_multiple %mul3A_2, 8 : i32
    "tpu.region"() ({
      %run_scoped3A = tpu.sem_alloc : memref<!tpu.dma_semaphore, #tpu.memory_space<semaphore_mem>>
      tpu.enqueue_dma source(%arg4 : memref<25664xf32, #tpu.memory_space<hbm>>) target(%arg10 : memref<25664xf32, #tpu.memory_space<vmem>>) target_semaphore(%run_scoped3A : memref<!tpu.dma_semaphore, #tpu.memory_space<semaphore_mem>>)
      tpu.wait_dma2 semaphore(%run_scoped3A : memref<!tpu.dma_semaphore, #tpu.memory_space<semaphore_mem>>) src(%arg4 : memref<25664xf32, #tpu.memory_space<hbm>>) dst(%arg10 : memref<25664xf32, #tpu.memory_space<vmem>>)
      tpu.yield
    }) : () -> ()
    "tpu.region"() ({
      %run_scoped3A = tpu.sem_alloc : memref<!tpu.dma_semaphore, #tpu.memory_space<semaphore_mem>>
      %dma_start3A_360 = arith.constant 0 : i32
      %dma_start3A_361 = tpu.memref_slice %arg2[%dma_start3A_360, %multiple_of3A] : memref<200x4096xi32, #tpu.memory_space<hbm>> -> memref<200x128xi32, #tpu.memory_space<hbm>>
      %dma_start3A_362 = arith.constant 0 : i32
      %dma_start3A_363 = tpu.memref_slice %arg2[%dma_start3A_362, %multiple_of3A] : memref<200x4096xi32, #tpu.memory_space<hbm>> -> memref<200x128xi32, #tpu.memory_space<hbm>>
      tpu.enqueue_dma source(%dma_start3A_363 : memref<200x128xi32, #tpu.memory_space<hbm>>) target(%arg6 : memref<200x128xi32, #tpu.memory_space<vmem>>) target_semaphore(%run_scoped3A : memref<!tpu.dma_semaphore, #tpu.memory_space<semaphore_mem>>)
      %dma_wait3A_364 = arith.constant 0 : i32
      %dma_wait3A_365 = tpu.memref_slice %arg2[%dma_wait3A_364, %multiple_of3A] : memref<200x4096xi32, #tpu.memory_space<hbm>> -> memref<200x128xi32, #tpu.memory_space<hbm>>
      %dma_wait3A_366 = arith.constant 0 : i32
      %dma_wait3A_367 = tpu.memref_slice %arg2[%dma_wait3A_366, %multiple_of3A] : memref<200x4096xi32, #tpu.memory_space<hbm>> -> memref<200x128xi32, #tpu.memory_space<hbm>>
      tpu.wait_dma2 semaphore(%run_scoped3A : memref<!tpu.dma_semaphore, #tpu.memory_space<semaphore_mem>>) src(%dma_wait3A_367 : memref<200x128xi32, #tpu.memory_space<hbm>>) dst(%arg6 : memref<200x128xi32, #tpu.memory_space<vmem>>)
      tpu.yield
    }) : () -> ()
    %broadcast_in_dim3A = arith.constant 0 : i32
    %broadcast_in_dim3A_3 = vector.broadcast %broadcast_in_dim3A : i32 to vector<16xi32>
    %scan3A = arith.constant 0 : i32
    %scan3A_4 = arith.constant 200 : i32
    %scan3A_5 = arith.addi %scan3A, %scan3A_4 : i32
    %scan3A_6 = arith.constant 1 : i32
    %scan3A_7 = scf.for %scan3A_360 = %scan3A to %scan3A_5 step %scan3A_6 iter_args(%scan3A_361 = %broadcast_in_dim3A_3) -> (vector<16xi32>)  : i32 {
      %get3A = arith.index_cast %scan3A_360 : i32 to index
      %get3A_362 = arith.constant 0 : index
      %get3A_363 = tpu.vector_load %arg6[%get3A, %get3A_362] {strides = array<i32>} : memref<200x128xi32, #tpu.memory_space<vmem>>, vector<16xi32>,
      %ne3A = arith.constant 0 : i32
      %ne3A_364 = vector.broadcast %ne3A : i32 to vector<16xi32>
      %ne3A_365 = arith.cmpi ne, %get3A_363, %ne3A_364 : vector<16xi32>
      %jit3A = arith.constant 1 : i32
      %jit3A_366 = arith.constant 0 : i32
      %broadcast_in_dim3A_367 = vector.broadcast %jit3A : i32 to vector<16xi32>
      %broadcast_in_dim3A_368 = vector.broadcast %jit3A_366 : i32 to vector<16xi32>
      %select_n3A = arith.select %ne3A_365, %broadcast_in_dim3A_367, %broadcast_in_dim3A_368 : vector<16xi1>, vector<16xi32>
      %add3A_369 = arith.addi %scan3A_361, %select_n3A : vector<16xi32>
      scf.yield %add3A_369 : vector<16xi32>
    }
    %scan3A_8 = arith.constant 200 : i32
    %swap3A = arith.constant 0 : index
    %swap3A_9 = tpu.vector_load %arg7[%swap3A] {strides = array<i32>} : memref<128xi32, #tpu.memory_space<vmem>>, vector<16xi32>,
    tpu.vector_store %arg7[%swap3A], %scan3A_7 {strides = array<i32>} : memref<128xi32, #tpu.memory_space<vmem>>, vector<16xi32>,
    %broadcast_in_dim3A_10 = arith.constant 0 : i32
    %broadcast_in_dim3A_11 = vector.broadcast %broadcast_in_dim3A_10 : i32 to vector<16xi32>
    %scan3A_12 = arith.constant 0 : i32
    %scan3A_13 = arith.constant 200 : i32
    %scan3A_14 = arith.addi %scan3A_12, %scan3A_13 : i32
    %scan3A_15 = arith.constant 1 : i32
    %scan3A_16 = scf.for %scan3A_360 = %scan3A_12 to %scan3A_14 step %scan3A_15 iter_args(%scan3A_361 = %broadcast_in_dim3A_11) -> (vector<16xi32>)  : i32 {
      %get3A = arith.index_cast %scan3A_360 : i32 to index
      %get3A_362 = arith.constant 16 : index
      %get3A_363 = tpu.vector_load %arg6[%get3A, %get3A_362] {strides = array<i32>} : memref<200x128xi32, #tpu.memory_space<vmem>>, vector<16xi32>,
      %ne3A = arith.constant 0 : i32
      %ne3A_364 = vector.broadcast %ne3A : i32 to vector<16xi32>
      %ne3A_365 = arith.cmpi ne, %get3A_363, %ne3A_364 : vector<16xi32>
      %jit3A = arith.constant 1 : i32
      %jit3A_366 = arith.constant 0 : i32
      %broadcast_in_dim3A_367 = vector.broadcast %jit3A : i32 to vector<16xi32>
      %broadcast_in_dim3A_368 = vector.broadcast %jit3A_366 : i32 to vector<16xi32>
      %select_n3A = arith.select %ne3A_365, %broadcast_in_dim3A_367, %broadcast_in_dim3A_368 : vector<16xi1>, vector<16xi32>
      %add3A_369 = arith.addi %scan3A_361, %select_n3A : vector<16xi32>
      scf.yield %add3A_369 : vector<16xi32>
    }
    %scan3A_17 = arith.constant 200 : i32
    %swap3A_18 = arith.constant 16 : index
    %swap3A_19 = tpu.vector_load %arg7[%swap3A_18] {strides = array<i32>} : memref<128xi32, #tpu.memory_space<vmem>>, vector<16xi32>,
    tpu.vector_store %arg7[%swap3A_18], %scan3A_16 {strides = array<i32>} : memref<128xi32, #tpu.memory_space<vmem>>, vector<16xi32>,
    %broadcast_in_dim3A_20 = arith.constant 0 : i32
    %broadcast_in_dim3A_21 = vector.broadcast %broadcast_in_dim3A_20 : i32 to vector<16xi32>
    %scan3A_22 = arith.constant 0 : i32
    %scan3A_23 = arith.constant 200 : i32
    %scan3A_24 = arith.addi %scan3A_22, %scan3A_23 : i32
    %scan3A_25 = arith.constant 1 : i32
    %scan3A_26 = scf.for %scan3A_360 = %scan3A_22 to %scan3A_24 step %scan3A_25 iter_args(%scan3A_361 = %broadcast_in_dim3A_21) -> (vector<16xi32>)  : i32 {
      %get3A = arith.index_cast %scan3A_360 : i32 to index
      %get3A_362 = arith.constant 32 : index
      %get3A_363 = tpu.vector_load %arg6[%get3A, %get3A_362] {strides = array<i32>} : memref<200x128xi32, #tpu.memory_space<vmem>>, vector<16xi32>,
      %ne3A = arith.constant 0 : i32
      %ne3A_364 = vector.broadcast %ne3A : i32 to vector<16xi32>
      %ne3A_365 = arith.cmpi ne, %get3A_363, %ne3A_364 : vector<16xi32>
      %jit3A = arith.constant 1 : i32
      %jit3A_366 = arith.constant 0 : i32
      %broadcast_in_dim3A_367 = vector.broadcast %jit3A : i32 to vector<16xi32>
      %broadcast_in_dim3A_368 = vector.broadcast %jit3A_366 : i32 to vector<16xi32>
      %select_n3A = arith.select %ne3A_365, %broadcast_in_dim3A_367, %broadcast_in_dim3A_368 : vector<16xi1>, vector<16xi32>
      %add3A_369 = arith.addi %scan3A_361, %select_n3A : vector<16xi32>
      scf.yield %add3A_369 : vector<16xi32>
    }
    %scan3A_27 = arith.constant 200 : i32
    %swap3A_28 = arith.constant 32 : index
    %swap3A_29 = tpu.vector_load %arg7[%swap3A_28] {strides = array<i32>} : memref<128xi32, #tpu.memory_space<vmem>>, vector<16xi32>,
    tpu.vector_store %arg7[%swap3A_28], %scan3A_26 {strides = array<i32>} : memref<128xi32, #tpu.memory_space<vmem>>, vector<16xi32>,
    %broadcast_in_dim3A_30 = arith.constant 0 : i32
    %broadcast_in_dim3A_31 = vector.broadcast %broadcast_in_dim3A_30 : i32 to vector<16xi32>
    %scan3A_32 = arith.constant 0 : i32
    %scan3A_33 = arith.constant 200 : i32
    %scan3A_34 = arith.addi %scan3A_32, %scan3A_33 : i32
    %scan3A_35 = arith.constant 1 : i32
    %scan3A_36 = scf.for %scan3A_360 = %scan3A_32 to %scan3A_34 step %scan3A_35 iter_args(%scan3A_361 = %broadcast_in_dim3A_31) -> (vector<16xi32>)  : i32 {
      %get3A = arith.index_cast %scan3A_360 : i32 to index
      %get3A_362 = arith.constant 48 : index
      %get3A_363 = tpu.vector_load %arg6[%get3A, %get3A_362] {strides = array<i32>} : memref<200x128xi32, #tpu.memory_space<vmem>>, vector<16xi32>,
      %ne3A = arith.constant 0 : i32
      %ne3A_364 = vector.broadcast %ne3A : i32 to vector<16xi32>
      %ne3A_365 = arith.cmpi ne, %get3A_363, %ne3A_364 : vector<16xi32>
      %jit3A = arith.constant 1 : i32
      %jit3A_366 = arith.constant 0 : i32
      %broadcast_in_dim3A_367 = vector.broadcast %jit3A : i32 to vector<16xi32>
      %broadcast_in_dim3A_368 = vector.broadcast %jit3A_366 : i32 to vector<16xi32>
      %select_n3A = arith.select %ne3A_365, %broadcast_in_dim3A_367, %broadcast_in_dim3A_368 : vector<16xi1>, vector<16xi32>
      %add3A_369 = arith.addi %scan3A_361, %select_n3A : vector<16xi32>
      scf.yield %add3A_369 : vector<16xi32>
    }
    %scan3A_37 = arith.constant 200 : i32
    %swap3A_38 = arith.constant 48 : index
    %swap3A_39 = tpu.vector_load %arg7[%swap3A_38] {strides = array<i32>} : memref<128xi32, #tpu.memory_space<vmem>>, vector<16xi32>,
    tpu.vector_store %arg7[%swap3A_38], %scan3A_36 {strides = array<i32>} : memref<128xi32, #tpu.memory_space<vmem>>, vector<16xi32>,
    %broadcast_in_dim3A_40 = arith.constant 0 : i32
    %broadcast_in_dim3A_41 = vector.broadcast %broadcast_in_dim3A_40 : i32 to vector<16xi32>
    %scan3A_42 = arith.constant 0 : i32
    %scan3A_43 = arith.constant 200 : i32
    %scan3A_44 = arith.addi %scan3A_42, %scan3A_43 : i32
    %scan3A_45 = arith.constant 1 : i32
    %scan3A_46 = scf.for %scan3A_360 = %scan3A_42 to %scan3A_44 step %scan3A_45 iter_args(%scan3A_361 = %broadcast_in_dim3A_41) -> (vector<16xi32>)  : i32 {
      %get3A = arith.index_cast %scan3A_360 : i32 to index
      %get3A_362 = arith.constant 64 : index
      %get3A_363 = tpu.vector_load %arg6[%get3A, %get3A_362] {strides = array<i32>} : memref<200x128xi32, #tpu.memory_space<vmem>>, vector<16xi32>,
      %ne3A = arith.constant 0 : i32
      %ne3A_364 = vector.broadcast %ne3A : i32 to vector<16xi32>
      %ne3A_365 = arith.cmpi ne, %get3A_363, %ne3A_364 : vector<16xi32>
      %jit3A = arith.constant 1 : i32
      %jit3A_366 = arith.constant 0 : i32
      %broadcast_in_dim3A_367 = vector.broadcast %jit3A : i32 to vector<16xi32>
      %broadcast_in_dim3A_368 = vector.broadcast %jit3A_366 : i32 to vector<16xi32>
      %select_n3A = arith.select %ne3A_365, %broadcast_in_dim3A_367, %broadcast_in_dim3A_368 : vector<16xi1>, vector<16xi32>
      %add3A_369 = arith.addi %scan3A_361, %select_n3A : vector<16xi32>
      scf.yield %add3A_369 : vector<16xi32>
    }
    %scan3A_47 = arith.constant 200 : i32
    %swap3A_48 = arith.constant 64 : index
    %swap3A_49 = tpu.vector_load %arg7[%swap3A_48] {strides = array<i32>} : memref<128xi32, #tpu.memory_space<vmem>>, vector<16xi32>,
    tpu.vector_store %arg7[%swap3A_48], %scan3A_46 {strides = array<i32>} : memref<128xi32, #tpu.memory_space<vmem>>, vector<16xi32>,
    %broadcast_in_dim3A_50 = arith.constant 0 : i32
    %broadcast_in_dim3A_51 = vector.broadcast %broadcast_in_dim3A_50 : i32 to vector<16xi32>
    %scan3A_52 = arith.constant 0 : i32
    %scan3A_53 = arith.constant 200 : i32
    %scan3A_54 = arith.addi %scan3A_52, %scan3A_53 : i32
    %scan3A_55 = arith.constant 1 : i32
    %scan3A_56 = scf.for %scan3A_360 = %scan3A_52 to %scan3A_54 step %scan3A_55 iter_args(%scan3A_361 = %broadcast_in_dim3A_51) -> (vector<16xi32>)  : i32 {
      %get3A = arith.index_cast %scan3A_360 : i32 to index
      %get3A_362 = arith.constant 80 : index
      %get3A_363 = tpu.vector_load %arg6[%get3A, %get3A_362] {strides = array<i32>} : memref<200x128xi32, #tpu.memory_space<vmem>>, vector<16xi32>,
      %ne3A = arith.constant 0 : i32
      %ne3A_364 = vector.broadcast %ne3A : i32 to vector<16xi32>
      %ne3A_365 = arith.cmpi ne, %get3A_363, %ne3A_364 : vector<16xi32>
      %jit3A = arith.constant 1 : i32
      %jit3A_366 = arith.constant 0 : i32
      %broadcast_in_dim3A_367 = vector.broadcast %jit3A : i32 to vector<16xi32>
      %broadcast_in_dim3A_368 = vector.broadcast %jit3A_366 : i32 to vector<16xi32>
      %select_n3A = arith.select %ne3A_365, %broadcast_in_dim3A_367, %broadcast_in_dim3A_368 : vector<16xi1>, vector<16xi32>
      %add3A_369 = arith.addi %scan3A_361, %select_n3A : vector<16xi32>
      scf.yield %add3A_369 : vector<16xi32>
    }
    %scan3A_57 = arith.constant 200 : i32
    %swap3A_58 = arith.constant 80 : index
    %swap3A_59 = tpu.vector_load %arg7[%swap3A_58] {strides = array<i32>} : memref<128xi32, #tpu.memory_space<vmem>>, vector<16xi32>,
    tpu.vector_store %arg7[%swap3A_58], %scan3A_56 {strides = array<i32>} : memref<128xi32, #tpu.memory_space<vmem>>, vector<16xi32>,
    %broadcast_in_dim3A_60 = arith.constant 0 : i32
    %broadcast_in_dim3A_61 = vector.broadcast %broadcast_in_dim3A_60 : i32 to vector<16xi32>
    %scan3A_62 = arith.constant 0 : i32
    %scan3A_63 = arith.constant 200 : i32
    %scan3A_64 = arith.addi %scan3A_62, %scan3A_63 : i32
    %scan3A_65 = arith.constant 1 : i32
    %scan3A_66 = scf.for %scan3A_360 = %scan3A_62 to %scan3A_64 step %scan3A_65 iter_args(%scan3A_361 = %broadcast_in_dim3A_61) -> (vector<16xi32>)  : i32 {
      %get3A = arith.index_cast %scan3A_360 : i32 to index
      %get3A_362 = arith.constant 96 : index
      %get3A_363 = tpu.vector_load %arg6[%get3A, %get3A_362] {strides = array<i32>} : memref<200x128xi32, #tpu.memory_space<vmem>>, vector<16xi32>,
      %ne3A = arith.constant 0 : i32
      %ne3A_364 = vector.broadcast %ne3A : i32 to vector<16xi32>
      %ne3A_365 = arith.cmpi ne, %get3A_363, %ne3A_364 : vector<16xi32>
      %jit3A = arith.constant 1 : i32
      %jit3A_366 = arith.constant 0 : i32
      %broadcast_in_dim3A_367 = vector.broadcast %jit3A : i32 to vector<16xi32>
      %broadcast_in_dim3A_368 = vector.broadcast %jit3A_366 : i32 to vector<16xi32>
      %select_n3A = arith.select %ne3A_365, %broadcast_in_dim3A_367, %broadcast_in_dim3A_368 : vector<16xi1>, vector<16xi32>
      %add3A_369 = arith.addi %scan3A_361, %select_n3A : vector<16xi32>
      scf.yield %add3A_369 : vector<16xi32>
    }
    %scan3A_67 = arith.constant 200 : i32
    %swap3A_68 = arith.constant 96 : index
    %swap3A_69 = tpu.vector_load %arg7[%swap3A_68] {strides = array<i32>} : memref<128xi32, #tpu.memory_space<vmem>>, vector<16xi32>,
    tpu.vector_store %arg7[%swap3A_68], %scan3A_66 {strides = array<i32>} : memref<128xi32, #tpu.memory_space<vmem>>, vector<16xi32>,
    %broadcast_in_dim3A_70 = arith.constant 0 : i32
    %broadcast_in_dim3A_71 = vector.broadcast %broadcast_in_dim3A_70 : i32 to vector<16xi32>
    %scan3A_72 = arith.constant 0 : i32
    %scan3A_73 = arith.constant 200 : i32
    %scan3A_74 = arith.addi %scan3A_72, %scan3A_73 : i32
    %scan3A_75 = arith.constant 1 : i32
    %scan3A_76 = scf.for %scan3A_360 = %scan3A_72 to %scan3A_74 step %scan3A_75 iter_args(%scan3A_361 = %broadcast_in_dim3A_71) -> (vector<16xi32>)  : i32 {
      %get3A = arith.index_cast %scan3A_360 : i32 to index
      %get3A_362 = arith.constant 112 : index
      %get3A_363 = tpu.vector_load %arg6[%get3A, %get3A_362] {strides = array<i32>} : memref<200x128xi32, #tpu.memory_space<vmem>>, vector<16xi32>,
      %ne3A = arith.constant 0 : i32
      %ne3A_364 = vector.broadcast %ne3A : i32 to vector<16xi32>
      %ne3A_365 = arith.cmpi ne, %get3A_363, %ne3A_364 : vector<16xi32>
      %jit3A = arith.constant 1 : i32
      %jit3A_366 = arith.constant 0 : i32
      %broadcast_in_dim3A_367 = vector.broadcast %jit3A : i32 to vector<16xi32>
      %broadcast_in_dim3A_368 = vector.broadcast %jit3A_366 : i32 to vector<16xi32>
      %select_n3A = arith.select %ne3A_365, %broadcast_in_dim3A_367, %broadcast_in_dim3A_368 : vector<16xi1>, vector<16xi32>
      %add3A_369 = arith.addi %scan3A_361, %select_n3A : vector<16xi32>
      scf.yield %add3A_369 : vector<16xi32>
    }
    %scan3A_77 = arith.constant 200 : i32
    %swap3A_78 = arith.constant 112 : index
    %swap3A_79 = tpu.vector_load %arg7[%swap3A_78] {strides = array<i32>} : memref<128xi32, #tpu.memory_space<vmem>>, vector<16xi32>,
    tpu.vector_store %arg7[%swap3A_78], %scan3A_76 {strides = array<i32>} : memref<128xi32, #tpu.memory_space<vmem>>, vector<16xi32>,
    %iota3A = tpu.iota {dimensions = array<i32: 0>} : vector<16xi32>
    %dma_start3A = arith.constant 0 : i32
    %dma_start3A_80 = arith.constant 0 : i32
    %dma_start3A_81 = arith.constant 0 : i32
    %dma_start3A_82 = tpu.memref_slice %arg8[%dma_start3A_80, %dma_start3A_81] : memref<256x64xf32, #tpu.memory_space<vmem>> -> memref<128x64xf32, #tpu.memory_space<vmem>>
    %dma_start3A_83 = arith.constant 0 : i32
    %dma_start3A_84 = tpu.memref_slice %arg6[%dma_start3A, %dma_start3A_83] : memref<200x128xi32, #tpu.memory_space<vmem>> -> memref<1x128xi32, #tpu.memory_space<vmem>>
    %dma_start3A_85 = tpu.memref_squeeze %dma_start3A_84 : memref<1x128xi32, #tpu.memory_space<vmem>> -> memref<128xi32, #tpu.memory_space<vmem>>
    %dma_start3A_86 = arith.constant 0 : i32
    %dma_start3A_87 = arith.constant 0 : i32
    %dma_start3A_88 = tpu.memref_slice %arg3[%dma_start3A_86, %dma_start3A_87] : memref<1000000x64xf32, #tpu.memory_space<hbm>> -> memref<1000000x64xf32, #tpu.memory_space<hbm>>
    tpu.enqueue_indirect_dma source(%dma_start3A_88 : memref<1000000x64xf32, #tpu.memory_space<hbm>>) target(%dma_start3A_82 : memref<128x64xf32, #tpu.memory_space<vmem>>) offsets(%dma_start3A_85 : memref<128xi32, #tpu.memory_space<vmem>>) semaphore(%arg11 : memref<!tpu.dma_semaphore, #tpu.memory_space<semaphore_mem>>)
    %dma_start3A_89 = arith.constant 1 : i32
    %dma_start3A_90 = arith.constant 128 : i32
    %dma_start3A_91 = arith.constant 0 : i32
    %dma_start3A_92 = tpu.memref_slice %arg8[%dma_start3A_90, %dma_start3A_91] : memref<256x64xf32, #tpu.memory_space<vmem>> -> memref<128x64xf32, #tpu.memory_space<vmem>>
    %dma_start3A_93 = arith.constant 0 : i32
    %dma_start3A_94 = tpu.memref_slice %arg6[%dma_start3A_89, %dma_start3A_93] : memref<200x128xi32, #tpu.memory_space<vmem>> -> memref<1x128xi32, #tpu.memory_space<vmem>>
    %dma_start3A_95 = tpu.memref_squeeze %dma_start3A_94 : memref<1x128xi32, #tpu.memory_space<vmem>> -> memref<128xi32, #tpu.memory_space<vmem>>
    %dma_start3A_96 = arith.constant 0 : i32
    %dma_start3A_97 = arith.constant 0 : i32
    %dma_start3A_98 = tpu.memref_slice %arg3[%dma_start3A_96, %dma_start3A_97] : memref<1000000x64xf32, #tpu.memory_space<hbm>> -> memref<1000000x64xf32, #tpu.memory_space<hbm>>
    tpu.enqueue_indirect_dma source(%dma_start3A_98 : memref<1000000x64xf32, #tpu.memory_space<hbm>>) target(%dma_start3A_92 : memref<128x64xf32, #tpu.memory_space<vmem>>) offsets(%dma_start3A_95 : memref<128xi32, #tpu.memory_space<vmem>>) semaphore(%arg12 : memref<!tpu.dma_semaphore, #tpu.memory_space<semaphore_mem>>)
    %scan3A_99 = arith.constant 0 : i32
    %scan3A_100 = arith.constant 0 : i32
    %scan3A_101 = arith.constant 100 : i32
    %scan3A_102 = arith.addi %scan3A_100, %scan3A_101 : i32
    %scan3A_103 = arith.constant 1 : i32
    scf.for %scan3A_360 = %scan3A_100 to %scan3A_102 step %scan3A_103  : i32 {
      %mul3A_361 = arith.constant 2 : i32
      %mul3A_362 = arith.muli %mul3A_361, %scan3A_360 : i32
      %add3A_363 = arith.constant 0 : i32
      %add3A_364 = arith.addi %mul3A_362, %add3A_363 : i32
      %gt3A = arith.constant 0 : i32
      %gt3A_365 = arith.cmpi sgt, %scan3A_360, %gt3A : i32
      %convert_element_type3A = arith.extui %gt3A_365 : i1 to i32
      %cond3A = arith.constant 0 : i32
      %cond3A_366 = arith.cmpi ne, %convert_element_type3A, %cond3A : i32
      scf.if %cond3A_366 {
        %add3A_751 = arith.constant 0 : i32
        %add3A_752 = arith.addi %add3A_751, %add3A : i32
        %add3A_753 = arith.constant 32 : i32
        %add3A_754 = arith.addi %add3A_753, %add3A : i32
        %add3A_755 = arith.constant 64 : i32
        %add3A_756 = arith.addi %add3A_755, %add3A : i32
        %add3A_757 = arith.constant 96 : i32
        %add3A_758 = arith.addi %add3A_757, %add3A : i32
        %add3A_759 = arith.constant 128 : i32
        %add3A_760 = arith.addi %add3A_759, %add3A : i32
        %add3A_761 = arith.constant 160 : i32
        %add3A_762 = arith.addi %add3A_761, %add3A : i32
        %add3A_763 = arith.constant 192 : i32
        %add3A_764 = arith.addi %add3A_763, %add3A : i32
        %add3A_765 = arith.constant 224 : i32
        %add3A_766 = arith.addi %add3A_765, %add3A : i32
        %dma_wait3A_767 = arith.constant 0 : i32
        %dma_wait3A_768 = arith.constant 0 : i32
        %dma_wait3A_769 = tpu.memref_slice %arg9[%dma_wait3A_767, %dma_wait3A_768] : memref<128x129xf32, #tpu.memory_space<vmem>> -> memref<8x128xf32, #tpu.memory_space<vmem>>
        %dma_wait3A_770 = arith.constant 0 : i32
        %dma_wait3A_771 = arith.constant 0 : i32
        %dma_wait3A_772 = tpu.memref_slice %arg5[%add3A_752, %dma_wait3A_770, %dma_wait3A_771] : memref<51200x8x128xf32, #tpu.memory_space<hbm>> -> memref<1x8x128xf32, #tpu.memory_space<hbm>>
        %dma_wait3A_773 = tpu.memref_squeeze %dma_wait3A_772 : memref<1x8x128xf32, #tpu.memory_space<hbm>> -> memref<8x128xf32, #tpu.memory_space<hbm>>
        %dma_wait3A_774 = arith.constant 0 : i32
        %dma_wait3A_775 = arith.constant 0 : i32
        %dma_wait3A_776 = tpu.memref_slice %arg5[%add3A_752, %dma_wait3A_774, %dma_wait3A_775] : memref<51200x8x128xf32, #tpu.memory_space<hbm>> -> memref<1x8x128xf32, #tpu.memory_space<hbm>>
        %dma_wait3A_777 = tpu.memref_squeeze %dma_wait3A_776 : memref<1x8x128xf32, #tpu.memory_space<hbm>> -> memref<8x128xf32, #tpu.memory_space<hbm>>
        %dma_wait3A_778 = arith.constant 0 : i32
        %dma_wait3A_779 = arith.constant 0 : i32
        %dma_wait3A_780 = tpu.memref_slice %arg9[%dma_wait3A_778, %dma_wait3A_779] : memref<128x129xf32, #tpu.memory_space<vmem>> -> memref<8x128xf32, #tpu.memory_space<vmem>>
        tpu.wait_dma2 semaphore(%arg13 : memref<!tpu.dma_semaphore, #tpu.memory_space<semaphore_mem>>) src(%dma_wait3A_780 : memref<8x128xf32, #tpu.memory_space<vmem>>) dst(%dma_wait3A_777 : memref<8x128xf32, #tpu.memory_space<hbm>>)
        %dma_wait3A_781 = arith.constant 8 : i32
        %dma_wait3A_782 = arith.constant 0 : i32
        %dma_wait3A_783 = tpu.memref_slice %arg9[%dma_wait3A_781, %dma_wait3A_782] : memref<128x129xf32, #tpu.memory_space<vmem>> -> memref<8x128xf32, #tpu.memory_space<vmem>>
        %dma_wait3A_784 = arith.constant 0 : i32
        %dma_wait3A_785 = arith.constant 0 : i32
        %dma_wait3A_786 = tpu.memref_slice %arg5[%add3A_754, %dma_wait3A_784, %dma_wait3A_785] : memref<51200x8x128xf32, #tpu.memory_space<hbm>> -> memref<1x8x128xf32, #tpu.memory_space<hbm>>
        %dma_wait3A_787 = tpu.memref_squeeze %dma_wait3A_786 : memref<1x8x128xf32, #tpu.memory_space<hbm>> -> memref<8x128xf32, #tpu.memory_space<hbm>>
        %dma_wait3A_788 = arith.constant 0 : i32
        %dma_wait3A_789 = arith.constant 0 : i32
        %dma_wait3A_790 = tpu.memref_slice %arg5[%add3A_754, %dma_wait3A_788, %dma_wait3A_789] : memref<51200x8x128xf32, #tpu.memory_space<hbm>> -> memref<1x8x128xf32, #tpu.memory_space<hbm>>
        %dma_wait3A_791 = tpu.memref_squeeze %dma_wait3A_790 : memref<1x8x128xf32, #tpu.memory_space<hbm>> -> memref<8x128xf32, #tpu.memory_space<hbm>>
        %dma_wait3A_792 = arith.constant 8 : i32
        %dma_wait3A_793 = arith.constant 0 : i32
        %dma_wait3A_794 = tpu.memref_slice %arg9[%dma_wait3A_792, %dma_wait3A_793] : memref<128x129xf32, #tpu.memory_space<vmem>> -> memref<8x128xf32, #tpu.memory_space<vmem>>
        tpu.wait_dma2 semaphore(%arg13 : memref<!tpu.dma_semaphore, #tpu.memory_space<semaphore_mem>>) src(%dma_wait3A_794 : memref<8x128xf32, #tpu.memory_space<vmem>>) dst(%dma_wait3A_791 : memref<8x128xf32, #tpu.memory_space<hbm>>)
        %dma_wait3A_795 = arith.constant 16 : i32
        %dma_wait3A_796 = arith.constant 0 : i32
        %dma_wait3A_797 = tpu.memref_slice %arg9[%dma_wait3A_795, %dma_wait3A_796] : memref<128x129xf32, #tpu.memory_space<vmem>> -> memref<8x128xf32, #tpu.memory_space<vmem>>
        %dma_wait3A_798 = arith.constant 0 : i32
        %dma_wait3A_799 = arith.constant 0 : i32
        %dma_wait3A_800 = tpu.memref_slice %arg5[%add3A_756, %dma_wait3A_798, %dma_wait3A_799] : memref<51200x8x128xf32, #tpu.memory_space<hbm>> -> memref<1x8x128xf32, #tpu.memory_space<hbm>>
        %dma_wait3A_801 = tpu.memref_squeeze %dma_wait3A_800 : memref<1x8x128xf32, #tpu.memory_space<hbm>> -> memref<8x128xf32, #tpu.memory_space<hbm>>
        %dma_wait3A_802 = arith.constant 0 : i32
        %dma_wait3A_803 = arith.constant 0 : i32
        %dma_wait3A_804 = tpu.memref_slice %arg5[%add3A_756, %dma_wait3A_802, %dma_wait3A_803] : memref<51200x8x128xf32, #tpu.memory_space<hbm>> -> memref<1x8x128xf32, #tpu.memory_space<hbm>>
        %dma_wait3A_805 = tpu.memref_squeeze %dma_wait3A_804 : memref<1x8x128xf32, #tpu.memory_space<hbm>> -> memref<8x128xf32, #tpu.memory_space<hbm>>
        %dma_wait3A_806 = arith.constant 16 : i32
        %dma_wait3A_807 = arith.constant 0 : i32
        %dma_wait3A_808 = tpu.memref_slice %arg9[%dma_wait3A_806, %dma_wait3A_807] : memref<128x129xf32, #tpu.memory_space<vmem>> -> memref<8x128xf32, #tpu.memory_space<vmem>>
        tpu.wait_dma2 semaphore(%arg13 : memref<!tpu.dma_semaphore, #tpu.memory_space<semaphore_mem>>) src(%dma_wait3A_808 : memref<8x128xf32, #tpu.memory_space<vmem>>) dst(%dma_wait3A_805 : memref<8x128xf32, #tpu.memory_space<hbm>>)
        %dma_wait3A_809 = arith.constant 24 : i32
        %dma_wait3A_810 = arith.constant 0 : i32
        %dma_wait3A_811 = tpu.memref_slice %arg9[%dma_wait3A_809, %dma_wait3A_810] : memref<128x129xf32, #tpu.memory_space<vmem>> -> memref<8x128xf32, #tpu.memory_space<vmem>>
        %dma_wait3A_812 = arith.constant 0 : i32
        %dma_wait3A_813 = arith.constant 0 : i32
        %dma_wait3A_814 = tpu.memref_slice %arg5[%add3A_758, %dma_wait3A_812, %dma_wait3A_813] : memref<51200x8x128xf32, #tpu.memory_space<hbm>> -> memref<1x8x128xf32, #tpu.memory_space<hbm>>
        %dma_wait3A_815 = tpu.memref_squeeze %dma_wait3A_814 : memref<1x8x128xf32, #tpu.memory_space<hbm>> -> memref<8x128xf32, #tpu.memory_space<hbm>>
        %dma_wait3A_816 = arith.constant 0 : i32
        %dma_wait3A_817 = arith.constant 0 : i32
        %dma_wait3A_818 = tpu.memref_slice %arg5[%add3A_758, %dma_wait3A_816, %dma_wait3A_817] : memref<51200x8x128xf32, #tpu.memory_space<hbm>> -> memref<1x8x128xf32, #tpu.memory_space<hbm>>
        %dma_wait3A_819 = tpu.memref_squeeze %dma_wait3A_818 : memref<1x8x128xf32, #tpu.memory_space<hbm>> -> memref<8x128xf32, #tpu.memory_space<hbm>>
        %dma_wait3A_820 = arith.constant 24 : i32
        %dma_wait3A_821 = arith.constant 0 : i32
        %dma_wait3A_822 = tpu.memref_slice %arg9[%dma_wait3A_820, %dma_wait3A_821] : memref<128x129xf32, #tpu.memory_space<vmem>> -> memref<8x128xf32, #tpu.memory_space<vmem>>
        tpu.wait_dma2 semaphore(%arg13 : memref<!tpu.dma_semaphore, #tpu.memory_space<semaphore_mem>>) src(%dma_wait3A_822 : memref<8x128xf32, #tpu.memory_space<vmem>>) dst(%dma_wait3A_819 : memref<8x128xf32, #tpu.memory_space<hbm>>)
        %dma_wait3A_823 = arith.constant 32 : i32
        %dma_wait3A_824 = arith.constant 0 : i32
        %dma_wait3A_825 = tpu.memref_slice %arg9[%dma_wait3A_823, %dma_wait3A_824] : memref<128x129xf32, #tpu.memory_space<vmem>> -> memref<8x128xf32, #tpu.memory_space<vmem>>
        %dma_wait3A_826 = arith.constant 0 : i32
        %dma_wait3A_827 = arith.constant 0 : i32
        %dma_wait3A_828 = tpu.memref_slice %arg5[%add3A_760, %dma_wait3A_826, %dma_wait3A_827] : memref<51200x8x128xf32, #tpu.memory_space<hbm>> -> memref<1x8x128xf32, #tpu.memory_space<hbm>>
        %dma_wait3A_829 = tpu.memref_squeeze %dma_wait3A_828 : memref<1x8x128xf32, #tpu.memory_space<hbm>> -> memref<8x128xf32, #tpu.memory_space<hbm>>
        %dma_wait3A_830 = arith.constant 0 : i32
        %dma_wait3A_831 = arith.constant 0 : i32
        %dma_wait3A_832 = tpu.memref_slice %arg5[%add3A_760, %dma_wait3A_830, %dma_wait3A_831] : memref<51200x8x128xf32, #tpu.memory_space<hbm>> -> memref<1x8x128xf32, #tpu.memory_space<hbm>>
        %dma_wait3A_833 = tpu.memref_squeeze %dma_wait3A_832 : memref<1x8x128xf32, #tpu.memory_space<hbm>> -> memref<8x128xf32, #tpu.memory_space<hbm>>
        %dma_wait3A_834 = arith.constant 32 : i32
        %dma_wait3A_835 = arith.constant 0 : i32
        %dma_wait3A_836 = tpu.memref_slice %arg9[%dma_wait3A_834, %dma_wait3A_835] : memref<128x129xf32, #tpu.memory_space<vmem>> -> memref<8x128xf32, #tpu.memory_space<vmem>>
        tpu.wait_dma2 semaphore(%arg13 : memref<!tpu.dma_semaphore, #tpu.memory_space<semaphore_mem>>) src(%dma_wait3A_836 : memref<8x128xf32, #tpu.memory_space<vmem>>) dst(%dma_wait3A_833 : memref<8x128xf32, #tpu.memory_space<hbm>>)
        %dma_wait3A_837 = arith.constant 40 : i32
        %dma_wait3A_838 = arith.constant 0 : i32
        %dma_wait3A_839 = tpu.memref_slice %arg9[%dma_wait3A_837, %dma_wait3A_838] : memref<128x129xf32, #tpu.memory_space<vmem>> -> memref<8x128xf32, #tpu.memory_space<vmem>>
        %dma_wait3A_840 = arith.constant 0 : i32
        %dma_wait3A_841 = arith.constant 0 : i32
        %dma_wait3A_842 = tpu.memref_slice %arg5[%add3A_762, %dma_wait3A_840, %dma_wait3A_841] : memref<51200x8x128xf32, #tpu.memory_space<hbm>> -> memref<1x8x128xf32, #tpu.memory_space<hbm>>
        %dma_wait3A_843 = tpu.memref_squeeze %dma_wait3A_842 : memref<1x8x128xf32, #tpu.memory_space<hbm>> -> memref<8x128xf32, #tpu.memory_space<hbm>>
        %dma_wait3A_844 = arith.constant 0 : i32
        %dma_wait3A_845 = arith.constant 0 : i32
        %dma_wait3A_846 = tpu.memref_slice %arg5[%add3A_762, %dma_wait3A_844, %dma_wait3A_845] : memref<51200x8x128xf32, #tpu.memory_space<hbm>> -> memref<1x8x128xf32, #tpu.memory_space<hbm>>
        %dma_wait3A_847 = tpu.memref_squeeze %dma_wait3A_846 : memref<1x8x128xf32, #tpu.memory_space<hbm>> -> memref<8x128xf32, #tpu.memory_space<hbm>>
        %dma_wait3A_848 = arith.constant 40 : i32
        %dma_wait3A_849 = arith.constant 0 : i32
        %dma_wait3A_850 = tpu.memref_slice %arg9[%dma_wait3A_848, %dma_wait3A_849] : memref<128x129xf32, #tpu.memory_space<vmem>> -> memref<8x128xf32, #tpu.memory_space<vmem>>
        tpu.wait_dma2 semaphore(%arg13 : memref<!tpu.dma_semaphore, #tpu.memory_space<semaphore_mem>>) src(%dma_wait3A_850 : memref<8x128xf32, #tpu.memory_space<vmem>>) dst(%dma_wait3A_847 : memref<8x128xf32, #tpu.memory_space<hbm>>)
        %dma_wait3A_851 = arith.constant 48 : i32
        %dma_wait3A_852 = arith.constant 0 : i32
        %dma_wait3A_853 = tpu.memref_slice %arg9[%dma_wait3A_851, %dma_wait3A_852] : memref<128x129xf32, #tpu.memory_space<vmem>> -> memref<8x128xf32, #tpu.memory_space<vmem>>
        %dma_wait3A_854 = arith.constant 0 : i32
        %dma_wait3A_855 = arith.constant 0 : i32
        %dma_wait3A_856 = tpu.memref_slice %arg5[%add3A_764, %dma_wait3A_854, %dma_wait3A_855] : memref<51200x8x128xf32, #tpu.memory_space<hbm>> -> memref<1x8x128xf32, #tpu.memory_space<hbm>>
        %dma_wait3A_857 = tpu.memref_squeeze %dma_wait3A_856 : memref<1x8x128xf32, #tpu.memory_space<hbm>> -> memref<8x128xf32, #tpu.memory_space<hbm>>
        %dma_wait3A_858 = arith.constant 0 : i32
        %dma_wait3A_859 = arith.constant 0 : i32
        %dma_wait3A_860 = tpu.memref_slice %arg5[%add3A_764, %dma_wait3A_858, %dma_wait3A_859] : memref<51200x8x128xf32, #tpu.memory_space<hbm>> -> memref<1x8x128xf32, #tpu.memory_space<hbm>>
        %dma_wait3A_861 = tpu.memref_squeeze %dma_wait3A_860 : memref<1x8x128xf32, #tpu.memory_space<hbm>> -> memref<8x128xf32, #tpu.memory_space<hbm>>
        %dma_wait3A_862 = arith.constant 48 : i32
        %dma_wait3A_863 = arith.constant 0 : i32
        %dma_wait3A_864 = tpu.memref_slice %arg9[%dma_wait3A_862, %dma_wait3A_863] : memref<128x129xf32, #tpu.memory_space<vmem>> -> memref<8x128xf32, #tpu.memory_space<vmem>>
        tpu.wait_dma2 semaphore(%arg13 : memref<!tpu.dma_semaphore, #tpu.memory_space<semaphore_mem>>) src(%dma_wait3A_864 : memref<8x128xf32, #tpu.memory_space<vmem>>) dst(%dma_wait3A_861 : memref<8x128xf32, #tpu.memory_space<hbm>>)
        %dma_wait3A_865 = arith.constant 56 : i32
        %dma_wait3A_866 = arith.constant 0 : i32
        %dma_wait3A_867 = tpu.memref_slice %arg9[%dma_wait3A_865, %dma_wait3A_866] : memref<128x129xf32, #tpu.memory_space<vmem>> -> memref<8x128xf32, #tpu.memory_space<vmem>>
        %dma_wait3A_868 = arith.constant 0 : i32
        %dma_wait3A_869 = arith.constant 0 : i32
        %dma_wait3A_870 = tpu.memref_slice %arg5[%add3A_766, %dma_wait3A_868, %dma_wait3A_869] : memref<51200x8x128xf32, #tpu.memory_space<hbm>> -> memref<1x8x128xf32, #tpu.memory_space<hbm>>
        %dma_wait3A_871 = tpu.memref_squeeze %dma_wait3A_870 : memref<1x8x128xf32, #tpu.memory_space<hbm>> -> memref<8x128xf32, #tpu.memory_space<hbm>>
        %dma_wait3A_872 = arith.constant 0 : i32
        %dma_wait3A_873 = arith.constant 0 : i32
        %dma_wait3A_874 = tpu.memref_slice %arg5[%add3A_766, %dma_wait3A_872, %dma_wait3A_873] : memref<51200x8x128xf32, #tpu.memory_space<hbm>> -> memref<1x8x128xf32, #tpu.memory_space<hbm>>
        %dma_wait3A_875 = tpu.memref_squeeze %dma_wait3A_874 : memref<1x8x128xf32, #tpu.memory_space<hbm>> -> memref<8x128xf32, #tpu.memory_space<hbm>>
        %dma_wait3A_876 = arith.constant 56 : i32
        %dma_wait3A_877 = arith.constant 0 : i32
        %dma_wait3A_878 = tpu.memref_slice %arg9[%dma_wait3A_876, %dma_wait3A_877] : memref<128x129xf32, #tpu.memory_space<vmem>> -> memref<8x128xf32, #tpu.memory_space<vmem>>
        tpu.wait_dma2 semaphore(%arg13 : memref<!tpu.dma_semaphore, #tpu.memory_space<semaphore_mem>>) src(%dma_wait3A_878 : memref<8x128xf32, #tpu.memory_space<vmem>>) dst(%dma_wait3A_875 : memref<8x128xf32, #tpu.memory_space<hbm>>)
      } else {
      }
      %dma_wait3A_367 = arith.constant 0 : i32
      %dma_wait3A_368 = arith.constant 0 : i32
      %dma_wait3A_369 = tpu.memref_slice %arg8[%dma_wait3A_367, %dma_wait3A_368] : memref<256x64xf32, #tpu.memory_space<vmem>> -> memref<128x64xf32, #tpu.memory_space<vmem>>
      %dma_wait3A_370 = arith.constant 0 : i32
      %dma_wait3A_371 = tpu.memref_slice %arg6[%add3A_364, %dma_wait3A_370] : memref<200x128xi32, #tpu.memory_space<vmem>> -> memref<1x128xi32, #tpu.memory_space<vmem>>
      %dma_wait3A_372 = tpu.memref_squeeze %dma_wait3A_371 : memref<1x128xi32, #tpu.memory_space<vmem>> -> memref<128xi32, #tpu.memory_space<vmem>>
      %dma_wait3A_373 = arith.constant 0 : i32
      %dma_wait3A_374 = arith.constant 0 : i32
      %dma_wait3A_375 = tpu.memref_slice %arg3[%dma_wait3A_373, %dma_wait3A_374] : memref<1000000x64xf32, #tpu.memory_space<hbm>> -> memref<1000000x64xf32, #tpu.memory_space<hbm>>
      tpu.wait_indirect_dma semaphore(%arg11 : memref<!tpu.dma_semaphore, #tpu.memory_space<semaphore_mem>>) src(%dma_wait3A_375 : memref<1000000x64xf32, #tpu.memory_space<hbm>>) dst(%dma_wait3A_369 : memref<128x64xf32, #tpu.memory_space<vmem>>)
      %scan3A_376 = arith.constant 0 : i32
      %scan3A_377 = arith.constant 0 : i32
      %scan3A_378 = arith.constant 8 : i32
      %scan3A_379 = arith.addi %scan3A_377, %scan3A_378 : i32
      %scan3A_380 = arith.constant 1 : i32
      scf.for %scan3A_751 = %scan3A_377 to %scan3A_379 step %scan3A_380  : i32 {
        %mul3A_752 = arith.constant 16 : i32
        %mul3A_753 = arith.muli %scan3A_751, %mul3A_752 : i32
        %get3A = arith.index_cast %mul3A_753 : i32 to index
        %get3A_754 = tpu.vector_load %arg7[%get3A] {strides = array<i32>} : memref<128xi32, #tpu.memory_space<vmem>>, vector<16xi32>,
        %add3A_755 = vector.broadcast %add3A_364 : i32 to vector<16xi32>
        %add3A_756 = arith.addi %get3A_754, %add3A_755 : vector<16xi32>
        %parallel_loop3A = arith.constant 0 : i32
        %parallel_loop3A_757 = arith.constant 16 : i32
        %parallel_loop3A_758 = arith.constant 1 : i32
        scf.for %parallel_loop3A_759 = %parallel_loop3A to %parallel_loop3A_757 step %parallel_loop3A_758  : i32 {
          %parallel_loop3A_760 = arith.constant 16 : i32
          %parallel_loop3A_761 = arith.muli %scan3A_751, %parallel_loop3A_760 : i32
          %parallel_loop3A_762 = arith.addi %parallel_loop3A_761, %parallel_loop3A_759 : i32
          %parallel_loop3A_763 = arith.constant 0 : i32
          %parallel_loop3A_764 = vector.broadcast %parallel_loop3A_763 : i32 to vector<16xi32>
          %parallel_loop3A_765 = vector.broadcast %parallel_loop3A_762 : i32 to vector<16xi32>
          %parallel_loop3A_766 = arith.addi %parallel_loop3A_764, %parallel_loop3A_765 : vector<16xi32>
          %parallel_loop3A_767 = arith.constant 0 : i32
          %parallel_loop3A_768 = vector.broadcast %parallel_loop3A_767 : i32 to vector<16xi32>
          %parallel_loop3A_769 = vector.broadcast %parallel_loop3A_759 : i32 to vector<16xi32>
          %parallel_loop3A_770 = arith.addi %parallel_loop3A_768, %parallel_loop3A_769 : vector<16xi32>
          %parallel_loop3A_771 = arith.constant 0 : i32
          %parallel_loop3A_772 = vector.broadcast %parallel_loop3A_771 : i32 to vector<16xi32>
          %parallel_loop3A_773 = arith.cmpi slt, %parallel_loop3A_770, %parallel_loop3A_772 : vector<16xi32>
          %parallel_loop3A_774 = arith.constant 16 : i32
          %parallel_loop3A_775 = vector.broadcast %parallel_loop3A_774 : i32 to vector<16xi32>
          %parallel_loop3A_776 = arith.addi %parallel_loop3A_770, %parallel_loop3A_775 : vector<16xi32>
          %parallel_loop3A_777 = arith.select %parallel_loop3A_773, %parallel_loop3A_776, %parallel_loop3A_770 : vector<16xi1>, vector<16xi32>
          %parallel_loop3A_778 = vector.shape_cast %parallel_loop3A_777 : vector<16xi32> to vector<16x1xi32>
          %parallel_loop3A_779 = vector.shape_cast %parallel_loop3A_778 : vector<16x1xi32> to vector<16xi32>
          %parallel_loop3A_780 = tpu.dynamic_gather %add3A_756[%parallel_loop3A_779] in [0] : vector<16xi32>, vector<16xi32> -> vector<16xi32>
          %parallel_loop3A_781 = arith.constant 0 : i32
          %parallel_loop3A_782 = arith.addi %parallel_loop3A_781, %parallel_loop3A_762 : i32
          %parallel_loop3A_783 = arith.index_cast %parallel_loop3A_782 : i32 to index
          %parallel_loop3A_784 = arith.constant 0 : index
          %parallel_loop3A_785 = tpu.vector_load %arg8[%parallel_loop3A_783, %parallel_loop3A_784] {strides = array<i32>} : memref<256x64xf32, #tpu.memory_space<vmem>>, vector<16xf32>,
          %parallel_loop3A_786 = arith.constant 0 : i32
          %parallel_loop3A_787 = vector.broadcast %parallel_loop3A_786 : i32 to vector<16xi32>
          %parallel_loop3A_788 = arith.addi %parallel_loop3A_787, %iota3A : vector<16xi32>
          %parallel_loop3A_789 = arith.constant 401 : i32
          %parallel_loop3A_790 = vector.broadcast %parallel_loop3A_789 : i32 to vector<16xi32>
          %parallel_loop3A_791 = arith.muli %parallel_loop3A_788, %parallel_loop3A_790 : vector<16xi32>
          %parallel_loop3A_792 = arith.addi %parallel_loop3A_791, %parallel_loop3A_780 : vector<16xi32>
          %parallel_loop3A_793 = tpu.vector_load_idx %arg10[%parallel_loop3A_792] : memref<25664xf32, #tpu.memory_space<vmem>>[vector<16xi32>], vector<16xf32>,
          %parallel_loop3A_794 = arith.constant 0 : i32
          %parallel_loop3A_795 = vector.broadcast %parallel_loop3A_794 : i32 to vector<16xi32>
          %parallel_loop3A_796 = arith.addi %parallel_loop3A_795, %iota3A : vector<16xi32>
          %parallel_loop3A_797 = arith.constant 0 : i32
          %parallel_loop3A_798 = vector.broadcast %parallel_loop3A_797 : i32 to vector<16xi32>
          %parallel_loop3A_799 = arith.addi %parallel_loop3A_796, %parallel_loop3A_798 : vector<16xi32>
          %parallel_loop3A_800 = arith.addf %parallel_loop3A_785, %parallel_loop3A_793 : vector<16xf32>
          tpu.vector_store_idx %arg9[%parallel_loop3A_799, %parallel_loop3A_766], %parallel_loop3A_800 : memref<128x129xf32, #tpu.memory_space<vmem>>[vector<16xi32>, vector<16xi32>], vector<16xf32>,
          %parallel_loop3A_801 = arith.constant 0 : i32
          %parallel_loop3A_802 = arith.addi %parallel_loop3A_801, %parallel_loop3A_762 : i32
          %parallel_loop3A_803 = arith.index_cast %parallel_loop3A_802 : i32 to index
          %parallel_loop3A_804 = arith.constant 16 : index
          %parallel_loop3A_805 = tpu.vector_load %arg8[%parallel_loop3A_803, %parallel_loop3A_804] {strides = array<i32>} : memref<256x64xf32, #tpu.memory_space<vmem>>, vector<16xf32>,
          %parallel_loop3A_806 = arith.constant 16 : i32
          %parallel_loop3A_807 = vector.broadcast %parallel_loop3A_806 : i32 to vector<16xi32>
          %parallel_loop3A_808 = arith.addi %parallel_loop3A_807, %iota3A : vector<16xi32>
          %parallel_loop3A_809 = arith.constant 401 : i32
          %parallel_loop3A_810 = vector.broadcast %parallel_loop3A_809 : i32 to vector<16xi32>
          %parallel_loop3A_811 = arith.muli %parallel_loop3A_808, %parallel_loop3A_810 : vector<16xi32>
          %parallel_loop3A_812 = arith.addi %parallel_loop3A_811, %parallel_loop3A_780 : vector<16xi32>
          %parallel_loop3A_813 = tpu.vector_load_idx %arg10[%parallel_loop3A_812] : memref<25664xf32, #tpu.memory_space<vmem>>[vector<16xi32>], vector<16xf32>,
          %parallel_loop3A_814 = arith.constant 16 : i32
          %parallel_loop3A_815 = vector.broadcast %parallel_loop3A_814 : i32 to vector<16xi32>
          %parallel_loop3A_816 = arith.addi %parallel_loop3A_815, %iota3A : vector<16xi32>
          %parallel_loop3A_817 = arith.constant 0 : i32
          %parallel_loop3A_818 = vector.broadcast %parallel_loop3A_817 : i32 to vector<16xi32>
          %parallel_loop3A_819 = arith.addi %parallel_loop3A_816, %parallel_loop3A_818 : vector<16xi32>
          %parallel_loop3A_820 = arith.addf %parallel_loop3A_805, %parallel_loop3A_813 : vector<16xf32>
          tpu.vector_store_idx %arg9[%parallel_loop3A_819, %parallel_loop3A_766], %parallel_loop3A_820 : memref<128x129xf32, #tpu.memory_space<vmem>>[vector<16xi32>, vector<16xi32>], vector<16xf32>,
          %parallel_loop3A_821 = arith.constant 0 : i32
          %parallel_loop3A_822 = arith.addi %parallel_loop3A_821, %parallel_loop3A_762 : i32
          %parallel_loop3A_823 = arith.index_cast %parallel_loop3A_822 : i32 to index
          %parallel_loop3A_824 = arith.constant 32 : index
          %parallel_loop3A_825 = tpu.vector_load %arg8[%parallel_loop3A_823, %parallel_loop3A_824] {strides = array<i32>} : memref<256x64xf32, #tpu.memory_space<vmem>>, vector<16xf32>,
          %parallel_loop3A_826 = arith.constant 32 : i32
          %parallel_loop3A_827 = vector.broadcast %parallel_loop3A_826 : i32 to vector<16xi32>
          %parallel_loop3A_828 = arith.addi %parallel_loop3A_827, %iota3A : vector<16xi32>
          %parallel_loop3A_829 = arith.constant 401 : i32
          %parallel_loop3A_830 = vector.broadcast %parallel_loop3A_829 : i32 to vector<16xi32>
          %parallel_loop3A_831 = arith.muli %parallel_loop3A_828, %parallel_loop3A_830 : vector<16xi32>
          %parallel_loop3A_832 = arith.addi %parallel_loop3A_831, %parallel_loop3A_780 : vector<16xi32>
          %parallel_loop3A_833 = tpu.vector_load_idx %arg10[%parallel_loop3A_832] : memref<25664xf32, #tpu.memory_space<vmem>>[vector<16xi32>], vector<16xf32>,
          %parallel_loop3A_834 = arith.constant 32 : i32
          %parallel_loop3A_835 = vector.broadcast %parallel_loop3A_834 : i32 to vector<16xi32>
          %parallel_loop3A_836 = arith.addi %parallel_loop3A_835, %iota3A : vector<16xi32>
          %parallel_loop3A_837 = arith.constant 0 : i32
          %parallel_loop3A_838 = vector.broadcast %parallel_loop3A_837 : i32 to vector<16xi32>
          %parallel_loop3A_839 = arith.addi %parallel_loop3A_836, %parallel_loop3A_838 : vector<16xi32>
          %parallel_loop3A_840 = arith.addf %parallel_loop3A_825, %parallel_loop3A_833 : vector<16xf32>
          tpu.vector_store_idx %arg9[%parallel_loop3A_839, %parallel_loop3A_766], %parallel_loop3A_840 : memref<128x129xf32, #tpu.memory_space<vmem>>[vector<16xi32>, vector<16xi32>], vector<16xf32>,
          %parallel_loop3A_841 = arith.constant 0 : i32
          %parallel_loop3A_842 = arith.addi %parallel_loop3A_841, %parallel_loop3A_762 : i32
          %parallel_loop3A_843 = arith.index_cast %parallel_loop3A_842 : i32 to index
          %parallel_loop3A_844 = arith.constant 48 : index
          %parallel_loop3A_845 = tpu.vector_load %arg8[%parallel_loop3A_843, %parallel_loop3A_844] {strides = array<i32>} : memref<256x64xf32, #tpu.memory_space<vmem>>, vector<16xf32>,
          %parallel_loop3A_846 = arith.constant 48 : i32
          %parallel_loop3A_847 = vector.broadcast %parallel_loop3A_846 : i32 to vector<16xi32>
          %parallel_loop3A_848 = arith.addi %parallel_loop3A_847, %iota3A : vector<16xi32>
          %parallel_loop3A_849 = arith.constant 401 : i32
          %parallel_loop3A_850 = vector.broadcast %parallel_loop3A_849 : i32 to vector<16xi32>
          %parallel_loop3A_851 = arith.muli %parallel_loop3A_848, %parallel_loop3A_850 : vector<16xi32>
          %parallel_loop3A_852 = arith.addi %parallel_loop3A_851, %parallel_loop3A_780 : vector<16xi32>
          %parallel_loop3A_853 = tpu.vector_load_idx %arg10[%parallel_loop3A_852] : memref<25664xf32, #tpu.memory_space<vmem>>[vector<16xi32>], vector<16xf32>,
          %parallel_loop3A_854 = arith.constant 48 : i32
          %parallel_loop3A_855 = vector.broadcast %parallel_loop3A_854 : i32 to vector<16xi32>
          %parallel_loop3A_856 = arith.addi %parallel_loop3A_855, %iota3A : vector<16xi32>
          %parallel_loop3A_857 = arith.constant 0 : i32
          %parallel_loop3A_858 = vector.broadcast %parallel_loop3A_857 : i32 to vector<16xi32>
          %parallel_loop3A_859 = arith.addi %parallel_loop3A_856, %parallel_loop3A_858 : vector<16xi32>
          %parallel_loop3A_860 = arith.addf %parallel_loop3A_845, %parallel_loop3A_853 : vector<16xf32>
          tpu.vector_store_idx %arg9[%parallel_loop3A_859, %parallel_loop3A_766], %parallel_loop3A_860 : memref<128x129xf32, #tpu.memory_space<vmem>>[vector<16xi32>, vector<16xi32>], vector<16xf32>,
        } {sc.loop_unroll_factor = 4 : i64, sc.parallel_access}
      }
      %scan3A_381 = arith.constant 8 : i32
      %mul3A_382 = arith.constant 8 : i32
      %mul3A_383 = arith.muli %add3A_364, %mul3A_382 : i32
      %add3A_384 = arith.constant 0 : i32
      %add3A_385 = arith.addi %mul3A_383, %add3A_384 : i32
      %mul3A_386 = arith.constant 32 : i32
      %mul3A_387 = arith.muli %add3A_385, %mul3A_386 : i32
      %add3A_388 = arith.addi %mul3A_387, %add3A : i32
      %mul3A_389 = arith.constant 8 : i32
      %mul3A_390 = arith.muli %add3A_364, %mul3A_389 : i32
      %add3A_391 = arith.constant 1 : i32
      %add3A_392 = arith.addi %mul3A_390, %add3A_391 : i32
      %mul3A_393 = arith.constant 32 : i32
      %mul3A_394 = arith.muli %add3A_392, %mul3A_393 : i32
      %add3A_395 = arith.addi %mul3A_394, %add3A : i32
      %mul3A_396 = arith.constant 8 : i32
      %mul3A_397 = arith.muli %add3A_364, %mul3A_396 : i32
      %add3A_398 = arith.constant 2 : i32
      %add3A_399 = arith.addi %mul3A_397, %add3A_398 : i32
      %mul3A_400 = arith.constant 32 : i32
      %mul3A_401 = arith.muli %add3A_399, %mul3A_400 : i32
      %add3A_402 = arith.addi %mul3A_401, %add3A : i32
      %mul3A_403 = arith.constant 8 : i32
      %mul3A_404 = arith.muli %add3A_364, %mul3A_403 : i32
      %add3A_405 = arith.constant 3 : i32
      %add3A_406 = arith.addi %mul3A_404, %add3A_405 : i32
      %mul3A_407 = arith.constant 32 : i32
      %mul3A_408 = arith.muli %add3A_406, %mul3A_407 : i32
      %add3A_409 = arith.addi %mul3A_408, %add3A : i32
      %mul3A_410 = arith.constant 8 : i32
      %mul3A_411 = arith.muli %add3A_364, %mul3A_410 : i32
      %add3A_412 = arith.constant 4 : i32
      %add3A_413 = arith.addi %mul3A_411, %add3A_412 : i32
      %mul3A_414 = arith.constant 32 : i32
      %mul3A_415 = arith.muli %add3A_413, %mul3A_414 : i32
      %add3A_416 = arith.addi %mul3A_415, %add3A : i32
      %mul3A_417 = arith.constant 8 : i32
      %mul3A_418 = arith.muli %add3A_364, %mul3A_417 : i32
      %add3A_419 = arith.constant 5 : i32
      %add3A_420 = arith.addi %mul3A_418, %add3A_419 : i32
      %mul3A_421 = arith.constant 32 : i32
      %mul3A_422 = arith.muli %add3A_420, %mul3A_421 : i32
      %add3A_423 = arith.addi %mul3A_422, %add3A : i32
      %mul3A_424 = arith.constant 8 : i32
      %mul3A_425 = arith.muli %add3A_364, %mul3A_424 : i32
      %add3A_426 = arith.constant 6 : i32
      %add3A_427 = arith.addi %mul3A_425, %add3A_426 : i32
      %mul3A_428 = arith.constant 32 : i32
      %mul3A_429 = arith.muli %add3A_427, %mul3A_428 : i32
      %add3A_430 = arith.addi %mul3A_429, %add3A : i32
      %mul3A_431 = arith.constant 8 : i32
      %mul3A_432 = arith.muli %add3A_364, %mul3A_431 : i32
      %add3A_433 = arith.constant 7 : i32
      %add3A_434 = arith.addi %mul3A_432, %add3A_433 : i32
      %mul3A_435 = arith.constant 32 : i32
      %mul3A_436 = arith.muli %add3A_434, %mul3A_435 : i32
      %add3A_437 = arith.addi %mul3A_436, %add3A : i32
      %dma_start3A_438 = arith.constant 0 : i32
      %dma_start3A_439 = arith.constant 0 : i32
      %dma_start3A_440 = tpu.memref_slice %arg9[%dma_start3A_438, %dma_start3A_439] : memref<128x129xf32, #tpu.memory_space<vmem>> -> memref<8x128xf32, #tpu.memory_space<vmem>>
      %dma_start3A_441 = arith.constant 0 : i32
      %dma_start3A_442 = arith.constant 0 : i32
      %dma_start3A_443 = tpu.memref_slice %arg5[%add3A_388, %dma_start3A_441, %dma_start3A_442] : memref<51200x8x128xf32, #tpu.memory_space<hbm>> -> memref<1x8x128xf32, #tpu.memory_space<hbm>>
      %dma_start3A_444 = tpu.memref_squeeze %dma_start3A_443 : memref<1x8x128xf32, #tpu.memory_space<hbm>> -> memref<8x128xf32, #tpu.memory_space<hbm>>
      %dma_start3A_445 = arith.constant 0 : i32
      %dma_start3A_446 = arith.constant 0 : i32
      %dma_start3A_447 = tpu.memref_slice %arg5[%add3A_388, %dma_start3A_445, %dma_start3A_446] : memref<51200x8x128xf32, #tpu.memory_space<hbm>> -> memref<1x8x128xf32, #tpu.memory_space<hbm>>
      %dma_start3A_448 = tpu.memref_squeeze %dma_start3A_447 : memref<1x8x128xf32, #tpu.memory_space<hbm>> -> memref<8x128xf32, #tpu.memory_space<hbm>>
      %dma_start3A_449 = arith.constant 0 : i32
      %dma_start3A_450 = arith.constant 0 : i32
      %dma_start3A_451 = tpu.memref_slice %arg9[%dma_start3A_449, %dma_start3A_450] : memref<128x129xf32, #tpu.memory_space<vmem>> -> memref<8x128xf32, #tpu.memory_space<vmem>>
      tpu.enqueue_dma source(%dma_start3A_451 : memref<8x128xf32, #tpu.memory_space<vmem>>) target(%dma_start3A_448 : memref<8x128xf32, #tpu.memory_space<hbm>>) target_semaphore(%arg13 : memref<!tpu.dma_semaphore, #tpu.memory_space<semaphore_mem>>)
      %dma_start3A_452 = arith.constant 8 : i32
      %dma_start3A_453 = arith.constant 0 : i32
      %dma_start3A_454 = tpu.memref_slice %arg9[%dma_start3A_452, %dma_start3A_453] : memref<128x129xf32, #tpu.memory_space<vmem>> -> memref<8x128xf32, #tpu.memory_space<vmem>>
      %dma_start3A_455 = arith.constant 0 : i32
      %dma_start3A_456 = arith.constant 0 : i32
      %dma_start3A_457 = tpu.memref_slice %arg5[%add3A_395, %dma_start3A_455, %dma_start3A_456] : memref<51200x8x128xf32, #tpu.memory_space<hbm>> -> memref<1x8x128xf32, #tpu.memory_space<hbm>>
      %dma_start3A_458 = tpu.memref_squeeze %dma_start3A_457 : memref<1x8x128xf32, #tpu.memory_space<hbm>> -> memref<8x128xf32, #tpu.memory_space<hbm>>
      %dma_start3A_459 = arith.constant 0 : i32
      %dma_start3A_460 = arith.constant 0 : i32
      %dma_start3A_461 = tpu.memref_slice %arg5[%add3A_395, %dma_start3A_459, %dma_start3A_460] : memref<51200x8x128xf32, #tpu.memory_space<hbm>> -> memref<1x8x128xf32, #tpu.memory_space<hbm>>
      %dma_start3A_462 = tpu.memref_squeeze %dma_start3A_461 : memref<1x8x128xf32, #tpu.memory_space<hbm>> -> memref<8x128xf32, #tpu.memory_space<hbm>>
      %dma_start3A_463 = arith.constant 8 : i32
      %dma_start3A_464 = arith.constant 0 : i32
      %dma_start3A_465 = tpu.memref_slice %arg9[%dma_start3A_463, %dma_start3A_464] : memref<128x129xf32, #tpu.memory_space<vmem>> -> memref<8x128xf32, #tpu.memory_space<vmem>>
      tpu.enqueue_dma source(%dma_start3A_465 : memref<8x128xf32, #tpu.memory_space<vmem>>) target(%dma_start3A_462 : memref<8x128xf32, #tpu.memory_space<hbm>>) target_semaphore(%arg13 : memref<!tpu.dma_semaphore, #tpu.memory_space<semaphore_mem>>)
      %dma_start3A_466 = arith.constant 16 : i32
      %dma_start3A_467 = arith.constant 0 : i32
      %dma_start3A_468 = tpu.memref_slice %arg9[%dma_start3A_466, %dma_start3A_467] : memref<128x129xf32, #tpu.memory_space<vmem>> -> memref<8x128xf32, #tpu.memory_space<vmem>>
      %dma_start3A_469 = arith.constant 0 : i32
      %dma_start3A_470 = arith.constant 0 : i32
      %dma_start3A_471 = tpu.memref_slice %arg5[%add3A_402, %dma_start3A_469, %dma_start3A_470] : memref<51200x8x128xf32, #tpu.memory_space<hbm>> -> memref<1x8x128xf32, #tpu.memory_space<hbm>>
      %dma_start3A_472 = tpu.memref_squeeze %dma_start3A_471 : memref<1x8x128xf32, #tpu.memory_space<hbm>> -> memref<8x128xf32, #tpu.memory_space<hbm>>
      %dma_start3A_473 = arith.constant 0 : i32
      %dma_start3A_474 = arith.constant 0 : i32
      %dma_start3A_475 = tpu.memref_slice %arg5[%add3A_402, %dma_start3A_473, %dma_start3A_474] : memref<51200x8x128xf32, #tpu.memory_space<hbm>> -> memref<1x8x128xf32, #tpu.memory_space<hbm>>
      %dma_start3A_476 = tpu.memref_squeeze %dma_start3A_475 : memref<1x8x128xf32, #tpu.memory_space<hbm>> -> memref<8x128xf32, #tpu.memory_space<hbm>>
      %dma_start3A_477 = arith.constant 16 : i32
      %dma_start3A_478 = arith.constant 0 : i32
      %dma_start3A_479 = tpu.memref_slice %arg9[%dma_start3A_477, %dma_start3A_478] : memref<128x129xf32, #tpu.memory_space<vmem>> -> memref<8x128xf32, #tpu.memory_space<vmem>>
      tpu.enqueue_dma source(%dma_start3A_479 : memref<8x128xf32, #tpu.memory_space<vmem>>) target(%dma_start3A_476 : memref<8x128xf32, #tpu.memory_space<hbm>>) target_semaphore(%arg13 : memref<!tpu.dma_semaphore, #tpu.memory_space<semaphore_mem>>)
      %dma_start3A_480 = arith.constant 24 : i32
      %dma_start3A_481 = arith.constant 0 : i32
      %dma_start3A_482 = tpu.memref_slice %arg9[%dma_start3A_480, %dma_start3A_481] : memref<128x129xf32, #tpu.memory_space<vmem>> -> memref<8x128xf32, #tpu.memory_space<vmem>>
      %dma_start3A_483 = arith.constant 0 : i32
      %dma_start3A_484 = arith.constant 0 : i32
      %dma_start3A_485 = tpu.memref_slice %arg5[%add3A_409, %dma_start3A_483, %dma_start3A_484] : memref<51200x8x128xf32, #tpu.memory_space<hbm>> -> memref<1x8x128xf32, #tpu.memory_space<hbm>>
      %dma_start3A_486 = tpu.memref_squeeze %dma_start3A_485 : memref<1x8x128xf32, #tpu.memory_space<hbm>> -> memref<8x128xf32, #tpu.memory_space<hbm>>
      %dma_start3A_487 = arith.constant 0 : i32
      %dma_start3A_488 = arith.constant 0 : i32
      %dma_start3A_489 = tpu.memref_slice %arg5[%add3A_409, %dma_start3A_487, %dma_start3A_488] : memref<51200x8x128xf32, #tpu.memory_space<hbm>> -> memref<1x8x128xf32, #tpu.memory_space<hbm>>
      %dma_start3A_490 = tpu.memref_squeeze %dma_start3A_489 : memref<1x8x128xf32, #tpu.memory_space<hbm>> -> memref<8x128xf32, #tpu.memory_space<hbm>>
      %dma_start3A_491 = arith.constant 24 : i32
      %dma_start3A_492 = arith.constant 0 : i32
      %dma_start3A_493 = tpu.memref_slice %arg9[%dma_start3A_491, %dma_start3A_492] : memref<128x129xf32, #tpu.memory_space<vmem>> -> memref<8x128xf32, #tpu.memory_space<vmem>>
      tpu.enqueue_dma source(%dma_start3A_493 : memref<8x128xf32, #tpu.memory_space<vmem>>) target(%dma_start3A_490 : memref<8x128xf32, #tpu.memory_space<hbm>>) target_semaphore(%arg13 : memref<!tpu.dma_semaphore, #tpu.memory_space<semaphore_mem>>)
      %dma_start3A_494 = arith.constant 32 : i32
      %dma_start3A_495 = arith.constant 0 : i32
      %dma_start3A_496 = tpu.memref_slice %arg9[%dma_start3A_494, %dma_start3A_495] : memref<128x129xf32, #tpu.memory_space<vmem>> -> memref<8x128xf32, #tpu.memory_space<vmem>>
      %dma_start3A_497 = arith.constant 0 : i32
      %dma_start3A_498 = arith.constant 0 : i32
      %dma_start3A_499 = tpu.memref_slice %arg5[%add3A_416, %dma_start3A_497, %dma_start3A_498] : memref<51200x8x128xf32, #tpu.memory_space<hbm>> -> memref<1x8x128xf32, #tpu.memory_space<hbm>>
      %dma_start3A_500 = tpu.memref_squeeze %dma_start3A_499 : memref<1x8x128xf32, #tpu.memory_space<hbm>> -> memref<8x128xf32, #tpu.memory_space<hbm>>
      %dma_start3A_501 = arith.constant 0 : i32
      %dma_start3A_502 = arith.constant 0 : i32
      %dma_start3A_503 = tpu.memref_slice %arg5[%add3A_416, %dma_start3A_501, %dma_start3A_502] : memref<51200x8x128xf32, #tpu.memory_space<hbm>> -> memref<1x8x128xf32, #tpu.memory_space<hbm>>
      %dma_start3A_504 = tpu.memref_squeeze %dma_start3A_503 : memref<1x8x128xf32, #tpu.memory_space<hbm>> -> memref<8x128xf32, #tpu.memory_space<hbm>>
      %dma_start3A_505 = arith.constant 32 : i32
      %dma_start3A_506 = arith.constant 0 : i32
      %dma_start3A_507 = tpu.memref_slice %arg9[%dma_start3A_505, %dma_start3A_506] : memref<128x129xf32, #tpu.memory_space<vmem>> -> memref<8x128xf32, #tpu.memory_space<vmem>>
      tpu.enqueue_dma source(%dma_start3A_507 : memref<8x128xf32, #tpu.memory_space<vmem>>) target(%dma_start3A_504 : memref<8x128xf32, #tpu.memory_space<hbm>>) target_semaphore(%arg13 : memref<!tpu.dma_semaphore, #tpu.memory_space<semaphore_mem>>)
      %dma_start3A_508 = arith.constant 40 : i32
      %dma_start3A_509 = arith.constant 0 : i32
      %dma_start3A_510 = tpu.memref_slice %arg9[%dma_start3A_508, %dma_start3A_509] : memref<128x129xf32, #tpu.memory_space<vmem>> -> memref<8x128xf32, #tpu.memory_space<vmem>>
      %dma_start3A_511 = arith.constant 0 : i32
      %dma_start3A_512 = arith.constant 0 : i32
      %dma_start3A_513 = tpu.memref_slice %arg5[%add3A_423, %dma_start3A_511, %dma_start3A_512] : memref<51200x8x128xf32, #tpu.memory_space<hbm>> -> memref<1x8x128xf32, #tpu.memory_space<hbm>>
      %dma_start3A_514 = tpu.memref_squeeze %dma_start3A_513 : memref<1x8x128xf32, #tpu.memory_space<hbm>> -> memref<8x128xf32, #tpu.memory_space<hbm>>
      %dma_start3A_515 = arith.constant 0 : i32
      %dma_start3A_516 = arith.constant 0 : i32
      %dma_start3A_517 = tpu.memref_slice %arg5[%add3A_423, %dma_start3A_515, %dma_start3A_516] : memref<51200x8x128xf32, #tpu.memory_space<hbm>> -> memref<1x8x128xf32, #tpu.memory_space<hbm>>
      %dma_start3A_518 = tpu.memref_squeeze %dma_start3A_517 : memref<1x8x128xf32, #tpu.memory_space<hbm>> -> memref<8x128xf32, #tpu.memory_space<hbm>>
      %dma_start3A_519 = arith.constant 40 : i32
      %dma_start3A_520 = arith.constant 0 : i32
      %dma_start3A_521 = tpu.memref_slice %arg9[%dma_start3A_519, %dma_start3A_520] : memref<128x129xf32, #tpu.memory_space<vmem>> -> memref<8x128xf32, #tpu.memory_space<vmem>>
      tpu.enqueue_dma source(%dma_start3A_521 : memref<8x128xf32, #tpu.memory_space<vmem>>) target(%dma_start3A_518 : memref<8x128xf32, #tpu.memory_space<hbm>>) target_semaphore(%arg13 : memref<!tpu.dma_semaphore, #tpu.memory_space<semaphore_mem>>)
      %dma_start3A_522 = arith.constant 48 : i32
      %dma_start3A_523 = arith.constant 0 : i32
      %dma_start3A_524 = tpu.memref_slice %arg9[%dma_start3A_522, %dma_start3A_523] : memref<128x129xf32, #tpu.memory_space<vmem>> -> memref<8x128xf32, #tpu.memory_space<vmem>>
      %dma_start3A_525 = arith.constant 0 : i32
      %dma_start3A_526 = arith.constant 0 : i32
      %dma_start3A_527 = tpu.memref_slice %arg5[%add3A_430, %dma_start3A_525, %dma_start3A_526] : memref<51200x8x128xf32, #tpu.memory_space<hbm>> -> memref<1x8x128xf32, #tpu.memory_space<hbm>>
      %dma_start3A_528 = tpu.memref_squeeze %dma_start3A_527 : memref<1x8x128xf32, #tpu.memory_space<hbm>> -> memref<8x128xf32, #tpu.memory_space<hbm>>
      %dma_start3A_529 = arith.constant 0 : i32
      %dma_start3A_530 = arith.constant 0 : i32
      %dma_start3A_531 = tpu.memref_slice %arg5[%add3A_430, %dma_start3A_529, %dma_start3A_530] : memref<51200x8x128xf32, #tpu.memory_space<hbm>> -> memref<1x8x128xf32, #tpu.memory_space<hbm>>
      %dma_start3A_532 = tpu.memref_squeeze %dma_start3A_531 : memref<1x8x128xf32, #tpu.memory_space<hbm>> -> memref<8x128xf32, #tpu.memory_space<hbm>>
      %dma_start3A_533 = arith.constant 48 : i32
      %dma_start3A_534 = arith.constant 0 : i32
      %dma_start3A_535 = tpu.memref_slice %arg9[%dma_start3A_533, %dma_start3A_534] : memref<128x129xf32, #tpu.memory_space<vmem>> -> memref<8x128xf32, #tpu.memory_space<vmem>>
      tpu.enqueue_dma source(%dma_start3A_535 : memref<8x128xf32, #tpu.memory_space<vmem>>) target(%dma_start3A_532 : memref<8x128xf32, #tpu.memory_space<hbm>>) target_semaphore(%arg13 : memref<!tpu.dma_semaphore, #tpu.memory_space<semaphore_mem>>)
      %dma_start3A_536 = arith.constant 56 : i32
      %dma_start3A_537 = arith.constant 0 : i32
      %dma_start3A_538 = tpu.memref_slice %arg9[%dma_start3A_536, %dma_start3A_537] : memref<128x129xf32, #tpu.memory_space<vmem>> -> memref<8x128xf32, #tpu.memory_space<vmem>>
      %dma_start3A_539 = arith.constant 0 : i32
      %dma_start3A_540 = arith.constant 0 : i32
      %dma_start3A_541 = tpu.memref_slice %arg5[%add3A_437, %dma_start3A_539, %dma_start3A_540] : memref<51200x8x128xf32, #tpu.memory_space<hbm>> -> memref<1x8x128xf32, #tpu.memory_space<hbm>>
      %dma_start3A_542 = tpu.memref_squeeze %dma_start3A_541 : memref<1x8x128xf32, #tpu.memory_space<hbm>> -> memref<8x128xf32, #tpu.memory_space<hbm>>
      %dma_start3A_543 = arith.constant 0 : i32
      %dma_start3A_544 = arith.constant 0 : i32
      %dma_start3A_545 = tpu.memref_slice %arg5[%add3A_437, %dma_start3A_543, %dma_start3A_544] : memref<51200x8x128xf32, #tpu.memory_space<hbm>> -> memref<1x8x128xf32, #tpu.memory_space<hbm>>
      %dma_start3A_546 = tpu.memref_squeeze %dma_start3A_545 : memref<1x8x128xf32, #tpu.memory_space<hbm>> -> memref<8x128xf32, #tpu.memory_space<hbm>>
      %dma_start3A_547 = arith.constant 56 : i32
      %dma_start3A_548 = arith.constant 0 : i32
      %dma_start3A_549 = tpu.memref_slice %arg9[%dma_start3A_547, %dma_start3A_548] : memref<128x129xf32, #tpu.memory_space<vmem>> -> memref<8x128xf32, #tpu.memory_space<vmem>>
      tpu.enqueue_dma source(%dma_start3A_549 : memref<8x128xf32, #tpu.memory_space<vmem>>) target(%dma_start3A_546 : memref<8x128xf32, #tpu.memory_space<hbm>>) target_semaphore(%arg13 : memref<!tpu.dma_semaphore, #tpu.memory_space<semaphore_mem>>)
      %lt3A = arith.constant 99 : i32
      %lt3A_550 = arith.cmpi slt, %scan3A_360, %lt3A : i32
      %convert_element_type3A_551 = arith.extui %lt3A_550 : i1 to i32
      %cond3A_552 = arith.constant 0 : i32
      %cond3A_553 = arith.cmpi ne, %convert_element_type3A_551, %cond3A_552 : i32
      scf.if %cond3A_553 {
        %add3A_751 = arith.constant 2 : i32
        %add3A_752 = arith.addi %add3A_364, %add3A_751 : i32
        %dma_start3A_753 = arith.constant 0 : i32
        %dma_start3A_754 = arith.constant 0 : i32
        %dma_start3A_755 = tpu.memref_slice %arg8[%dma_start3A_753, %dma_start3A_754] : memref<256x64xf32, #tpu.memory_space<vmem>> -> memref<128x64xf32, #tpu.memory_space<vmem>>
        %dma_start3A_756 = arith.constant 0 : i32
        %dma_start3A_757 = tpu.memref_slice %arg6[%add3A_752, %dma_start3A_756] : memref<200x128xi32, #tpu.memory_space<vmem>> -> memref<1x128xi32, #tpu.memory_space<vmem>>
        %dma_start3A_758 = tpu.memref_squeeze %dma_start3A_757 : memref<1x128xi32, #tpu.memory_space<vmem>> -> memref<128xi32, #tpu.memory_space<vmem>>
        %dma_start3A_759 = arith.constant 0 : i32
        %dma_start3A_760 = arith.constant 0 : i32
        %dma_start3A_761 = tpu.memref_slice %arg3[%dma_start3A_759, %dma_start3A_760] : memref<1000000x64xf32, #tpu.memory_space<hbm>> -> memref<1000000x64xf32, #tpu.memory_space<hbm>>
        tpu.enqueue_indirect_dma source(%dma_start3A_761 : memref<1000000x64xf32, #tpu.memory_space<hbm>>) target(%dma_start3A_755 : memref<128x64xf32, #tpu.memory_space<vmem>>) offsets(%dma_start3A_758 : memref<128xi32, #tpu.memory_space<vmem>>) semaphore(%arg11 : memref<!tpu.dma_semaphore, #tpu.memory_space<semaphore_mem>>)
      } else {
      }
      %mul3A_554 = arith.constant 2 : i32
      %mul3A_555 = arith.muli %mul3A_554, %scan3A_360 : i32
      %add3A_556 = arith.constant 1 : i32
      %add3A_557 = arith.addi %mul3A_555, %add3A_556 : i32
      %gt3A_558 = arith.constant 0 : i32
      %gt3A_559 = arith.cmpi sgt, %scan3A_360, %gt3A_558 : i32
      %convert_element_type3A_560 = arith.extui %gt3A_559 : i1 to i32
      %cond3A_561 = arith.constant 0 : i32
      %cond3A_562 = arith.cmpi ne, %convert_element_type3A_560, %cond3A_561 : i32
      scf.if %cond3A_562 {
        %add3A_751 = arith.constant 0 : i32
        %add3A_752 = arith.addi %add3A_751, %add3A : i32
        %add3A_753 = arith.constant 32 : i32
        %add3A_754 = arith.addi %add3A_753, %add3A : i32
        %add3A_755 = arith.constant 64 : i32
        %add3A_756 = arith.addi %add3A_755, %add3A : i32
        %add3A_757 = arith.constant 96 : i32
        %add3A_758 = arith.addi %add3A_757, %add3A : i32
        %add3A_759 = arith.constant 128 : i32
        %add3A_760 = arith.addi %add3A_759, %add3A : i32
        %add3A_761 = arith.constant 160 : i32
        %add3A_762 = arith.addi %add3A_761, %add3A : i32
        %add3A_763 = arith.constant 192 : i32
        %add3A_764 = arith.addi %add3A_763, %add3A : i32
        %add3A_765 = arith.constant 224 : i32
        %add3A_766 = arith.addi %add3A_765, %add3A : i32
        %dma_wait3A_767 = arith.constant 64 : i32
        %dma_wait3A_768 = arith.constant 0 : i32
        %dma_wait3A_769 = tpu.memref_slice %arg9[%dma_wait3A_767, %dma_wait3A_768] : memref<128x129xf32, #tpu.memory_space<vmem>> -> memref<8x128xf32, #tpu.memory_space<vmem>>
        %dma_wait3A_770 = arith.constant 0 : i32
        %dma_wait3A_771 = arith.constant 0 : i32
        %dma_wait3A_772 = tpu.memref_slice %arg5[%add3A_752, %dma_wait3A_770, %dma_wait3A_771] : memref<51200x8x128xf32, #tpu.memory_space<hbm>> -> memref<1x8x128xf32, #tpu.memory_space<hbm>>
        %dma_wait3A_773 = tpu.memref_squeeze %dma_wait3A_772 : memref<1x8x128xf32, #tpu.memory_space<hbm>> -> memref<8x128xf32, #tpu.memory_space<hbm>>
        %dma_wait3A_774 = arith.constant 0 : i32
        %dma_wait3A_775 = arith.constant 0 : i32
        %dma_wait3A_776 = tpu.memref_slice %arg5[%add3A_752, %dma_wait3A_774, %dma_wait3A_775] : memref<51200x8x128xf32, #tpu.memory_space<hbm>> -> memref<1x8x128xf32, #tpu.memory_space<hbm>>
        %dma_wait3A_777 = tpu.memref_squeeze %dma_wait3A_776 : memref<1x8x128xf32, #tpu.memory_space<hbm>> -> memref<8x128xf32, #tpu.memory_space<hbm>>
        %dma_wait3A_778 = arith.constant 64 : i32
        %dma_wait3A_779 = arith.constant 0 : i32
        %dma_wait3A_780 = tpu.memref_slice %arg9[%dma_wait3A_778, %dma_wait3A_779] : memref<128x129xf32, #tpu.memory_space<vmem>> -> memref<8x128xf32, #tpu.memory_space<vmem>>
        tpu.wait_dma2 semaphore(%arg14 : memref<!tpu.dma_semaphore, #tpu.memory_space<semaphore_mem>>) src(%dma_wait3A_780 : memref<8x128xf32, #tpu.memory_space<vmem>>) dst(%dma_wait3A_777 : memref<8x128xf32, #tpu.memory_space<hbm>>)
        %dma_wait3A_781 = arith.constant 72 : i32
        %dma_wait3A_782 = arith.constant 0 : i32
        %dma_wait3A_783 = tpu.memref_slice %arg9[%dma_wait3A_781, %dma_wait3A_782] : memref<128x129xf32, #tpu.memory_space<vmem>> -> memref<8x128xf32, #tpu.memory_space<vmem>>
        %dma_wait3A_784 = arith.constant 0 : i32
        %dma_wait3A_785 = arith.constant 0 : i32
        %dma_wait3A_786 = tpu.memref_slice %arg5[%add3A_754, %dma_wait3A_784, %dma_wait3A_785] : memref<51200x8x128xf32, #tpu.memory_space<hbm>> -> memref<1x8x128xf32, #tpu.memory_space<hbm>>
        %dma_wait3A_787 = tpu.memref_squeeze %dma_wait3A_786 : memref<1x8x128xf32, #tpu.memory_space<hbm>> -> memref<8x128xf32, #tpu.memory_space<hbm>>
        %dma_wait3A_788 = arith.constant 0 : i32
        %dma_wait3A_789 = arith.constant 0 : i32
        %dma_wait3A_790 = tpu.memref_slice %arg5[%add3A_754, %dma_wait3A_788, %dma_wait3A_789] : memref<51200x8x128xf32, #tpu.memory_space<hbm>> -> memref<1x8x128xf32, #tpu.memory_space<hbm>>
        %dma_wait3A_791 = tpu.memref_squeeze %dma_wait3A_790 : memref<1x8x128xf32, #tpu.memory_space<hbm>> -> memref<8x128xf32, #tpu.memory_space<hbm>>
        %dma_wait3A_792 = arith.constant 72 : i32
        %dma_wait3A_793 = arith.constant 0 : i32
        %dma_wait3A_794 = tpu.memref_slice %arg9[%dma_wait3A_792, %dma_wait3A_793] : memref<128x129xf32, #tpu.memory_space<vmem>> -> memref<8x128xf32, #tpu.memory_space<vmem>>
        tpu.wait_dma2 semaphore(%arg14 : memref<!tpu.dma_semaphore, #tpu.memory_space<semaphore_mem>>) src(%dma_wait3A_794 : memref<8x128xf32, #tpu.memory_space<vmem>>) dst(%dma_wait3A_791 : memref<8x128xf32, #tpu.memory_space<hbm>>)
        %dma_wait3A_795 = arith.constant 80 : i32
        %dma_wait3A_796 = arith.constant 0 : i32
        %dma_wait3A_797 = tpu.memref_slice %arg9[%dma_wait3A_795, %dma_wait3A_796] : memref<128x129xf32, #tpu.memory_space<vmem>> -> memref<8x128xf32, #tpu.memory_space<vmem>>
        %dma_wait3A_798 = arith.constant 0 : i32
        %dma_wait3A_799 = arith.constant 0 : i32
        %dma_wait3A_800 = tpu.memref_slice %arg5[%add3A_756, %dma_wait3A_798, %dma_wait3A_799] : memref<51200x8x128xf32, #tpu.memory_space<hbm>> -> memref<1x8x128xf32, #tpu.memory_space<hbm>>
        %dma_wait3A_801 = tpu.memref_squeeze %dma_wait3A_800 : memref<1x8x128xf32, #tpu.memory_space<hbm>> -> memref<8x128xf32, #tpu.memory_space<hbm>>
        %dma_wait3A_802 = arith.constant 0 : i32
        %dma_wait3A_803 = arith.constant 0 : i32
        %dma_wait3A_804 = tpu.memref_slice %arg5[%add3A_756, %dma_wait3A_802, %dma_wait3A_803] : memref<51200x8x128xf32, #tpu.memory_space<hbm>> -> memref<1x8x128xf32, #tpu.memory_space<hbm>>
        %dma_wait3A_805 = tpu.memref_squeeze %dma_wait3A_804 : memref<1x8x128xf32, #tpu.memory_space<hbm>> -> memref<8x128xf32, #tpu.memory_space<hbm>>
        %dma_wait3A_806 = arith.constant 80 : i32
        %dma_wait3A_807 = arith.constant 0 : i32
        %dma_wait3A_808 = tpu.memref_slice %arg9[%dma_wait3A_806, %dma_wait3A_807] : memref<128x129xf32, #tpu.memory_space<vmem>> -> memref<8x128xf32, #tpu.memory_space<vmem>>
        tpu.wait_dma2 semaphore(%arg14 : memref<!tpu.dma_semaphore, #tpu.memory_space<semaphore_mem>>) src(%dma_wait3A_808 : memref<8x128xf32, #tpu.memory_space<vmem>>) dst(%dma_wait3A_805 : memref<8x128xf32, #tpu.memory_space<hbm>>)
        %dma_wait3A_809 = arith.constant 88 : i32
        %dma_wait3A_810 = arith.constant 0 : i32
        %dma_wait3A_811 = tpu.memref_slice %arg9[%dma_wait3A_809, %dma_wait3A_810] : memref<128x129xf32, #tpu.memory_space<vmem>> -> memref<8x128xf32, #tpu.memory_space<vmem>>
        %dma_wait3A_812 = arith.constant 0 : i32
        %dma_wait3A_813 = arith.constant 0 : i32
        %dma_wait3A_814 = tpu.memref_slice %arg5[%add3A_758, %dma_wait3A_812, %dma_wait3A_813] : memref<51200x8x128xf32, #tpu.memory_space<hbm>> -> memref<1x8x128xf32, #tpu.memory_space<hbm>>
        %dma_wait3A_815 = tpu.memref_squeeze %dma_wait3A_814 : memref<1x8x128xf32, #tpu.memory_space<hbm>> -> memref<8x128xf32, #tpu.memory_space<hbm>>
        %dma_wait3A_816 = arith.constant 0 : i32
        %dma_wait3A_817 = arith.constant 0 : i32
        %dma_wait3A_818 = tpu.memref_slice %arg5[%add3A_758, %dma_wait3A_816, %dma_wait3A_817] : memref<51200x8x128xf32, #tpu.memory_space<hbm>> -> memref<1x8x128xf32, #tpu.memory_space<hbm>>
        %dma_wait3A_819 = tpu.memref_squeeze %dma_wait3A_818 : memref<1x8x128xf32, #tpu.memory_space<hbm>> -> memref<8x128xf32, #tpu.memory_space<hbm>>
        %dma_wait3A_820 = arith.constant 88 : i32
        %dma_wait3A_821 = arith.constant 0 : i32
        %dma_wait3A_822 = tpu.memref_slice %arg9[%dma_wait3A_820, %dma_wait3A_821] : memref<128x129xf32, #tpu.memory_space<vmem>> -> memref<8x128xf32, #tpu.memory_space<vmem>>
        tpu.wait_dma2 semaphore(%arg14 : memref<!tpu.dma_semaphore, #tpu.memory_space<semaphore_mem>>) src(%dma_wait3A_822 : memref<8x128xf32, #tpu.memory_space<vmem>>) dst(%dma_wait3A_819 : memref<8x128xf32, #tpu.memory_space<hbm>>)
        %dma_wait3A_823 = arith.constant 96 : i32
        %dma_wait3A_824 = arith.constant 0 : i32
        %dma_wait3A_825 = tpu.memref_slice %arg9[%dma_wait3A_823, %dma_wait3A_824] : memref<128x129xf32, #tpu.memory_space<vmem>> -> memref<8x128xf32, #tpu.memory_space<vmem>>
        %dma_wait3A_826 = arith.constant 0 : i32
        %dma_wait3A_827 = arith.constant 0 : i32
        %dma_wait3A_828 = tpu.memref_slice %arg5[%add3A_760, %dma_wait3A_826, %dma_wait3A_827] : memref<51200x8x128xf32, #tpu.memory_space<hbm>> -> memref<1x8x128xf32, #tpu.memory_space<hbm>>
        %dma_wait3A_829 = tpu.memref_squeeze %dma_wait3A_828 : memref<1x8x128xf32, #tpu.memory_space<hbm>> -> memref<8x128xf32, #tpu.memory_space<hbm>>
        %dma_wait3A_830 = arith.constant 0 : i32
        %dma_wait3A_831 = arith.constant 0 : i32
        %dma_wait3A_832 = tpu.memref_slice %arg5[%add3A_760, %dma_wait3A_830, %dma_wait3A_831] : memref<51200x8x128xf32, #tpu.memory_space<hbm>> -> memref<1x8x128xf32, #tpu.memory_space<hbm>>
        %dma_wait3A_833 = tpu.memref_squeeze %dma_wait3A_832 : memref<1x8x128xf32, #tpu.memory_space<hbm>> -> memref<8x128xf32, #tpu.memory_space<hbm>>
        %dma_wait3A_834 = arith.constant 96 : i32
        %dma_wait3A_835 = arith.constant 0 : i32
        %dma_wait3A_836 = tpu.memref_slice %arg9[%dma_wait3A_834, %dma_wait3A_835] : memref<128x129xf32, #tpu.memory_space<vmem>> -> memref<8x128xf32, #tpu.memory_space<vmem>>
        tpu.wait_dma2 semaphore(%arg14 : memref<!tpu.dma_semaphore, #tpu.memory_space<semaphore_mem>>) src(%dma_wait3A_836 : memref<8x128xf32, #tpu.memory_space<vmem>>) dst(%dma_wait3A_833 : memref<8x128xf32, #tpu.memory_space<hbm>>)
        %dma_wait3A_837 = arith.constant 104 : i32
        %dma_wait3A_838 = arith.constant 0 : i32
        %dma_wait3A_839 = tpu.memref_slice %arg9[%dma_wait3A_837, %dma_wait3A_838] : memref<128x129xf32, #tpu.memory_space<vmem>> -> memref<8x128xf32, #tpu.memory_space<vmem>>
        %dma_wait3A_840 = arith.constant 0 : i32
        %dma_wait3A_841 = arith.constant 0 : i32
        %dma_wait3A_842 = tpu.memref_slice %arg5[%add3A_762, %dma_wait3A_840, %dma_wait3A_841] : memref<51200x8x128xf32, #tpu.memory_space<hbm>> -> memref<1x8x128xf32, #tpu.memory_space<hbm>>
        %dma_wait3A_843 = tpu.memref_squeeze %dma_wait3A_842 : memref<1x8x128xf32, #tpu.memory_space<hbm>> -> memref<8x128xf32, #tpu.memory_space<hbm>>
        %dma_wait3A_844 = arith.constant 0 : i32
        %dma_wait3A_845 = arith.constant 0 : i32
        %dma_wait3A_846 = tpu.memref_slice %arg5[%add3A_762, %dma_wait3A_844, %dma_wait3A_845] : memref<51200x8x128xf32, #tpu.memory_space<hbm>> -> memref<1x8x128xf32, #tpu.memory_space<hbm>>
        %dma_wait3A_847 = tpu.memref_squeeze %dma_wait3A_846 : memref<1x8x128xf32, #tpu.memory_space<hbm>> -> memref<8x128xf32, #tpu.memory_space<hbm>>
        %dma_wait3A_848 = arith.constant 104 : i32
        %dma_wait3A_849 = arith.constant 0 : i32
        %dma_wait3A_850 = tpu.memref_slice %arg9[%dma_wait3A_848, %dma_wait3A_849] : memref<128x129xf32, #tpu.memory_space<vmem>> -> memref<8x128xf32, #tpu.memory_space<vmem>>
        tpu.wait_dma2 semaphore(%arg14 : memref<!tpu.dma_semaphore, #tpu.memory_space<semaphore_mem>>) src(%dma_wait3A_850 : memref<8x128xf32, #tpu.memory_space<vmem>>) dst(%dma_wait3A_847 : memref<8x128xf32, #tpu.memory_space<hbm>>)
        %dma_wait3A_851 = arith.constant 112 : i32
        %dma_wait3A_852 = arith.constant 0 : i32
        %dma_wait3A_853 = tpu.memref_slice %arg9[%dma_wait3A_851, %dma_wait3A_852] : memref<128x129xf32, #tpu.memory_space<vmem>> -> memref<8x128xf32, #tpu.memory_space<vmem>>
        %dma_wait3A_854 = arith.constant 0 : i32
        %dma_wait3A_855 = arith.constant 0 : i32
        %dma_wait3A_856 = tpu.memref_slice %arg5[%add3A_764, %dma_wait3A_854, %dma_wait3A_855] : memref<51200x8x128xf32, #tpu.memory_space<hbm>> -> memref<1x8x128xf32, #tpu.memory_space<hbm>>
        %dma_wait3A_857 = tpu.memref_squeeze %dma_wait3A_856 : memref<1x8x128xf32, #tpu.memory_space<hbm>> -> memref<8x128xf32, #tpu.memory_space<hbm>>
        %dma_wait3A_858 = arith.constant 0 : i32
        %dma_wait3A_859 = arith.constant 0 : i32
        %dma_wait3A_860 = tpu.memref_slice %arg5[%add3A_764, %dma_wait3A_858, %dma_wait3A_859] : memref<51200x8x128xf32, #tpu.memory_space<hbm>> -> memref<1x8x128xf32, #tpu.memory_space<hbm>>
        %dma_wait3A_861 = tpu.memref_squeeze %dma_wait3A_860 : memref<1x8x128xf32, #tpu.memory_space<hbm>> -> memref<8x128xf32, #tpu.memory_space<hbm>>
        %dma_wait3A_862 = arith.constant 112 : i32
        %dma_wait3A_863 = arith.constant 0 : i32
        %dma_wait3A_864 = tpu.memref_slice %arg9[%dma_wait3A_862, %dma_wait3A_863] : memref<128x129xf32, #tpu.memory_space<vmem>> -> memref<8x128xf32, #tpu.memory_space<vmem>>
        tpu.wait_dma2 semaphore(%arg14 : memref<!tpu.dma_semaphore, #tpu.memory_space<semaphore_mem>>) src(%dma_wait3A_864 : memref<8x128xf32, #tpu.memory_space<vmem>>) dst(%dma_wait3A_861 : memref<8x128xf32, #tpu.memory_space<hbm>>)
        %dma_wait3A_865 = arith.constant 120 : i32
        %dma_wait3A_866 = arith.constant 0 : i32
        %dma_wait3A_867 = tpu.memref_slice %arg9[%dma_wait3A_865, %dma_wait3A_866] : memref<128x129xf32, #tpu.memory_space<vmem>> -> memref<8x128xf32, #tpu.memory_space<vmem>>
        %dma_wait3A_868 = arith.constant 0 : i32
        %dma_wait3A_869 = arith.constant 0 : i32
        %dma_wait3A_870 = tpu.memref_slice %arg5[%add3A_766, %dma_wait3A_868, %dma_wait3A_869] : memref<51200x8x128xf32, #tpu.memory_space<hbm>> -> memref<1x8x128xf32, #tpu.memory_space<hbm>>
        %dma_wait3A_871 = tpu.memref_squeeze %dma_wait3A_870 : memref<1x8x128xf32, #tpu.memory_space<hbm>> -> memref<8x128xf32, #tpu.memory_space<hbm>>
        %dma_wait3A_872 = arith.constant 0 : i32
        %dma_wait3A_873 = arith.constant 0 : i32
        %dma_wait3A_874 = tpu.memref_slice %arg5[%add3A_766, %dma_wait3A_872, %dma_wait3A_873] : memref<51200x8x128xf32, #tpu.memory_space<hbm>> -> memref<1x8x128xf32, #tpu.memory_space<hbm>>
        %dma_wait3A_875 = tpu.memref_squeeze %dma_wait3A_874 : memref<1x8x128xf32, #tpu.memory_space<hbm>> -> memref<8x128xf32, #tpu.memory_space<hbm>>
        %dma_wait3A_876 = arith.constant 120 : i32
        %dma_wait3A_877 = arith.constant 0 : i32
        %dma_wait3A_878 = tpu.memref_slice %arg9[%dma_wait3A_876, %dma_wait3A_877] : memref<128x129xf32, #tpu.memory_space<vmem>> -> memref<8x128xf32, #tpu.memory_space<vmem>>
        tpu.wait_dma2 semaphore(%arg14 : memref<!tpu.dma_semaphore, #tpu.memory_space<semaphore_mem>>) src(%dma_wait3A_878 : memref<8x128xf32, #tpu.memory_space<vmem>>) dst(%dma_wait3A_875 : memref<8x128xf32, #tpu.memory_space<hbm>>)
      } else {
      }
      %dma_wait3A_563 = arith.constant 128 : i32
      %dma_wait3A_564 = arith.constant 0 : i32
      %dma_wait3A_565 = tpu.memref_slice %arg8[%dma_wait3A_563, %dma_wait3A_564] : memref<256x64xf32, #tpu.memory_space<vmem>> -> memref<128x64xf32, #tpu.memory_space<vmem>>
      %dma_wait3A_566 = arith.constant 0 : i32
      %dma_wait3A_567 = tpu.memref_slice %arg6[%add3A_557, %dma_wait3A_566] : memref<200x128xi32, #tpu.memory_space<vmem>> -> memref<1x128xi32, #tpu.memory_space<vmem>>
      %dma_wait3A_568 = tpu.memref_squeeze %dma_wait3A_567 : memref<1x128xi32, #tpu.memory_space<vmem>> -> memref<128xi32, #tpu.memory_space<vmem>>
      %dma_wait3A_569 = arith.constant 0 : i32
      %dma_wait3A_570 = arith.constant 0 : i32
      %dma_wait3A_571 = tpu.memref_slice %arg3[%dma_wait3A_569, %dma_wait3A_570] : memref<1000000x64xf32, #tpu.memory_space<hbm>> -> memref<1000000x64xf32, #tpu.memory_space<hbm>>
      tpu.wait_indirect_dma semaphore(%arg12 : memref<!tpu.dma_semaphore, #tpu.memory_space<semaphore_mem>>) src(%dma_wait3A_571 : memref<1000000x64xf32, #tpu.memory_space<hbm>>) dst(%dma_wait3A_565 : memref<128x64xf32, #tpu.memory_space<vmem>>)
      %scan3A_572 = arith.constant 0 : i32
      %scan3A_573 = arith.constant 0 : i32
      %scan3A_574 = arith.constant 8 : i32
      %scan3A_575 = arith.addi %scan3A_573, %scan3A_574 : i32
      %scan3A_576 = arith.constant 1 : i32
      scf.for %scan3A_751 = %scan3A_573 to %scan3A_575 step %scan3A_576  : i32 {
        %mul3A_752 = arith.constant 16 : i32
        %mul3A_753 = arith.muli %scan3A_751, %mul3A_752 : i32
        %get3A = arith.index_cast %mul3A_753 : i32 to index
        %get3A_754 = tpu.vector_load %arg7[%get3A] {strides = array<i32>} : memref<128xi32, #tpu.memory_space<vmem>>, vector<16xi32>,
        %add3A_755 = vector.broadcast %add3A_557 : i32 to vector<16xi32>
        %add3A_756 = arith.addi %get3A_754, %add3A_755 : vector<16xi32>
        %parallel_loop3A = arith.constant 0 : i32
        %parallel_loop3A_757 = arith.constant 16 : i32
        %parallel_loop3A_758 = arith.constant 1 : i32
        scf.for %parallel_loop3A_759 = %parallel_loop3A to %parallel_loop3A_757 step %parallel_loop3A_758  : i32 {
          %parallel_loop3A_760 = arith.constant 16 : i32
          %parallel_loop3A_761 = arith.muli %scan3A_751, %parallel_loop3A_760 : i32
          %parallel_loop3A_762 = arith.addi %parallel_loop3A_761, %parallel_loop3A_759 : i32
          %parallel_loop3A_763 = arith.constant 0 : i32
          %parallel_loop3A_764 = vector.broadcast %parallel_loop3A_763 : i32 to vector<16xi32>
          %parallel_loop3A_765 = vector.broadcast %parallel_loop3A_762 : i32 to vector<16xi32>
          %parallel_loop3A_766 = arith.addi %parallel_loop3A_764, %parallel_loop3A_765 : vector<16xi32>
          %parallel_loop3A_767 = arith.constant 0 : i32
          %parallel_loop3A_768 = vector.broadcast %parallel_loop3A_767 : i32 to vector<16xi32>
          %parallel_loop3A_769 = vector.broadcast %parallel_loop3A_759 : i32 to vector<16xi32>
          %parallel_loop3A_770 = arith.addi %parallel_loop3A_768, %parallel_loop3A_769 : vector<16xi32>
          %parallel_loop3A_771 = arith.constant 0 : i32
          %parallel_loop3A_772 = vector.broadcast %parallel_loop3A_771 : i32 to vector<16xi32>
          %parallel_loop3A_773 = arith.cmpi slt, %parallel_loop3A_770, %parallel_loop3A_772 : vector<16xi32>
          %parallel_loop3A_774 = arith.constant 16 : i32
          %parallel_loop3A_775 = vector.broadcast %parallel_loop3A_774 : i32 to vector<16xi32>
          %parallel_loop3A_776 = arith.addi %parallel_loop3A_770, %parallel_loop3A_775 : vector<16xi32>
          %parallel_loop3A_777 = arith.select %parallel_loop3A_773, %parallel_loop3A_776, %parallel_loop3A_770 : vector<16xi1>, vector<16xi32>
          %parallel_loop3A_778 = vector.shape_cast %parallel_loop3A_777 : vector<16xi32> to vector<16x1xi32>
          %parallel_loop3A_779 = vector.shape_cast %parallel_loop3A_778 : vector<16x1xi32> to vector<16xi32>
          %parallel_loop3A_780 = tpu.dynamic_gather %add3A_756[%parallel_loop3A_779] in [0] : vector<16xi32>, vector<16xi32> -> vector<16xi32>
          %parallel_loop3A_781 = arith.constant 128 : i32
          %parallel_loop3A_782 = arith.addi %parallel_loop3A_781, %parallel_loop3A_762 : i32
          %parallel_loop3A_783 = arith.index_cast %parallel_loop3A_782 : i32 to index
          %parallel_loop3A_784 = arith.constant 0 : index
          %parallel_loop3A_785 = tpu.vector_load %arg8[%parallel_loop3A_783, %parallel_loop3A_784] {strides = array<i32>} : memref<256x64xf32, #tpu.memory_space<vmem>>, vector<16xf32>,
          %parallel_loop3A_786 = arith.constant 0 : i32
          %parallel_loop3A_787 = vector.broadcast %parallel_loop3A_786 : i32 to vector<16xi32>
          %parallel_loop3A_788 = arith.addi %parallel_loop3A_787, %iota3A : vector<16xi32>
          %parallel_loop3A_789 = arith.constant 401 : i32
          %parallel_loop3A_790 = vector.broadcast %parallel_loop3A_789 : i32 to vector<16xi32>
          %parallel_loop3A_791 = arith.muli %parallel_loop3A_788, %parallel_loop3A_790 : vector<16xi32>
          %parallel_loop3A_792 = arith.addi %parallel_loop3A_791, %parallel_loop3A_780 : vector<16xi32>
          %parallel_loop3A_793 = tpu.vector_load_idx %arg10[%parallel_loop3A_792] : memref<25664xf32, #tpu.memory_space<vmem>>[vector<16xi32>], vector<16xf32>,
          %parallel_loop3A_794 = arith.constant 0 : i32
          %parallel_loop3A_795 = vector.broadcast %parallel_loop3A_794 : i32 to vector<16xi32>
          %parallel_loop3A_796 = arith.addi %parallel_loop3A_795, %iota3A : vector<16xi32>
          %parallel_loop3A_797 = arith.constant 64 : i32
          %parallel_loop3A_798 = vector.broadcast %parallel_loop3A_797 : i32 to vector<16xi32>
          %parallel_loop3A_799 = arith.addi %parallel_loop3A_796, %parallel_loop3A_798 : vector<16xi32>
          %parallel_loop3A_800 = arith.addf %parallel_loop3A_785, %parallel_loop3A_793 : vector<16xf32>
          tpu.vector_store_idx %arg9[%parallel_loop3A_799, %parallel_loop3A_766], %parallel_loop3A_800 : memref<128x129xf32, #tpu.memory_space<vmem>>[vector<16xi32>, vector<16xi32>], vector<16xf32>,
          %parallel_loop3A_801 = arith.constant 128 : i32
          %parallel_loop3A_802 = arith.addi %parallel_loop3A_801, %parallel_loop3A_762 : i32
          %parallel_loop3A_803 = arith.index_cast %parallel_loop3A_802 : i32 to index
          %parallel_loop3A_804 = arith.constant 16 : index
          %parallel_loop3A_805 = tpu.vector_load %arg8[%parallel_loop3A_803, %parallel_loop3A_804] {strides = array<i32>} : memref<256x64xf32, #tpu.memory_space<vmem>>, vector<16xf32>,
          %parallel_loop3A_806 = arith.constant 16 : i32
          %parallel_loop3A_807 = vector.broadcast %parallel_loop3A_806 : i32 to vector<16xi32>
          %parallel_loop3A_808 = arith.addi %parallel_loop3A_807, %iota3A : vector<16xi32>
          %parallel_loop3A_809 = arith.constant 401 : i32
          %parallel_loop3A_810 = vector.broadcast %parallel_loop3A_809 : i32 to vector<16xi32>
          %parallel_loop3A_811 = arith.muli %parallel_loop3A_808, %parallel_loop3A_810 : vector<16xi32>
          %parallel_loop3A_812 = arith.addi %parallel_loop3A_811, %parallel_loop3A_780 : vector<16xi32>
          %parallel_loop3A_813 = tpu.vector_load_idx %arg10[%parallel_loop3A_812] : memref<25664xf32, #tpu.memory_space<vmem>>[vector<16xi32>], vector<16xf32>,
          %parallel_loop3A_814 = arith.constant 16 : i32
          %parallel_loop3A_815 = vector.broadcast %parallel_loop3A_814 : i32 to vector<16xi32>
          %parallel_loop3A_816 = arith.addi %parallel_loop3A_815, %iota3A : vector<16xi32>
          %parallel_loop3A_817 = arith.constant 64 : i32
          %parallel_loop3A_818 = vector.broadcast %parallel_loop3A_817 : i32 to vector<16xi32>
          %parallel_loop3A_819 = arith.addi %parallel_loop3A_816, %parallel_loop3A_818 : vector<16xi32>
          %parallel_loop3A_820 = arith.addf %parallel_loop3A_805, %parallel_loop3A_813 : vector<16xf32>
          tpu.vector_store_idx %arg9[%parallel_loop3A_819, %parallel_loop3A_766], %parallel_loop3A_820 : memref<128x129xf32, #tpu.memory_space<vmem>>[vector<16xi32>, vector<16xi32>], vector<16xf32>,
          %parallel_loop3A_821 = arith.constant 128 : i32
          %parallel_loop3A_822 = arith.addi %parallel_loop3A_821, %parallel_loop3A_762 : i32
          %parallel_loop3A_823 = arith.index_cast %parallel_loop3A_822 : i32 to index
          %parallel_loop3A_824 = arith.constant 32 : index
          %parallel_loop3A_825 = tpu.vector_load %arg8[%parallel_loop3A_823, %parallel_loop3A_824] {strides = array<i32>} : memref<256x64xf32, #tpu.memory_space<vmem>>, vector<16xf32>,
          %parallel_loop3A_826 = arith.constant 32 : i32
          %parallel_loop3A_827 = vector.broadcast %parallel_loop3A_826 : i32 to vector<16xi32>
          %parallel_loop3A_828 = arith.addi %parallel_loop3A_827, %iota3A : vector<16xi32>
          %parallel_loop3A_829 = arith.constant 401 : i32
          %parallel_loop3A_830 = vector.broadcast %parallel_loop3A_829 : i32 to vector<16xi32>
          %parallel_loop3A_831 = arith.muli %parallel_loop3A_828, %parallel_loop3A_830 : vector<16xi32>
          %parallel_loop3A_832 = arith.addi %parallel_loop3A_831, %parallel_loop3A_780 : vector<16xi32>
          %parallel_loop3A_833 = tpu.vector_load_idx %arg10[%parallel_loop3A_832] : memref<25664xf32, #tpu.memory_space<vmem>>[vector<16xi32>], vector<16xf32>,
          %parallel_loop3A_834 = arith.constant 32 : i32
          %parallel_loop3A_835 = vector.broadcast %parallel_loop3A_834 : i32 to vector<16xi32>
          %parallel_loop3A_836 = arith.addi %parallel_loop3A_835, %iota3A : vector<16xi32>
          %parallel_loop3A_837 = arith.constant 64 : i32
          %parallel_loop3A_838 = vector.broadcast %parallel_loop3A_837 : i32 to vector<16xi32>
          %parallel_loop3A_839 = arith.addi %parallel_loop3A_836, %parallel_loop3A_838 : vector<16xi32>
          %parallel_loop3A_840 = arith.addf %parallel_loop3A_825, %parallel_loop3A_833 : vector<16xf32>
          tpu.vector_store_idx %arg9[%parallel_loop3A_839, %parallel_loop3A_766], %parallel_loop3A_840 : memref<128x129xf32, #tpu.memory_space<vmem>>[vector<16xi32>, vector<16xi32>], vector<16xf32>,
          %parallel_loop3A_841 = arith.constant 128 : i32
          %parallel_loop3A_842 = arith.addi %parallel_loop3A_841, %parallel_loop3A_762 : i32
          %parallel_loop3A_843 = arith.index_cast %parallel_loop3A_842 : i32 to index
          %parallel_loop3A_844 = arith.constant 48 : index
          %parallel_loop3A_845 = tpu.vector_load %arg8[%parallel_loop3A_843, %parallel_loop3A_844] {strides = array<i32>} : memref<256x64xf32, #tpu.memory_space<vmem>>, vector<16xf32>,
          %parallel_loop3A_846 = arith.constant 48 : i32
          %parallel_loop3A_847 = vector.broadcast %parallel_loop3A_846 : i32 to vector<16xi32>
          %parallel_loop3A_848 = arith.addi %parallel_loop3A_847, %iota3A : vector<16xi32>
          %parallel_loop3A_849 = arith.constant 401 : i32
          %parallel_loop3A_850 = vector.broadcast %parallel_loop3A_849 : i32 to vector<16xi32>
          %parallel_loop3A_851 = arith.muli %parallel_loop3A_848, %parallel_loop3A_850 : vector<16xi32>
          %parallel_loop3A_852 = arith.addi %parallel_loop3A_851, %parallel_loop3A_780 : vector<16xi32>
          %parallel_loop3A_853 = tpu.vector_load_idx %arg10[%parallel_loop3A_852] : memref<25664xf32, #tpu.memory_space<vmem>>[vector<16xi32>], vector<16xf32>,
          %parallel_loop3A_854 = arith.constant 48 : i32
          %parallel_loop3A_855 = vector.broadcast %parallel_loop3A_854 : i32 to vector<16xi32>
          %parallel_loop3A_856 = arith.addi %parallel_loop3A_855, %iota3A : vector<16xi32>
          %parallel_loop3A_857 = arith.constant 64 : i32
          %parallel_loop3A_858 = vector.broadcast %parallel_loop3A_857 : i32 to vector<16xi32>
          %parallel_loop3A_859 = arith.addi %parallel_loop3A_856, %parallel_loop3A_858 : vector<16xi32>
          %parallel_loop3A_860 = arith.addf %parallel_loop3A_845, %parallel_loop3A_853 : vector<16xf32>
          tpu.vector_store_idx %arg9[%parallel_loop3A_859, %parallel_loop3A_766], %parallel_loop3A_860 : memref<128x129xf32, #tpu.memory_space<vmem>>[vector<16xi32>, vector<16xi32>], vector<16xf32>,
        } {sc.loop_unroll_factor = 4 : i64, sc.parallel_access}
      }
      %scan3A_577 = arith.constant 8 : i32
      %mul3A_578 = arith.constant 8 : i32
      %mul3A_579 = arith.muli %add3A_557, %mul3A_578 : i32
      %add3A_580 = arith.constant 0 : i32
      %add3A_581 = arith.addi %mul3A_579, %add3A_580 : i32
      %mul3A_582 = arith.constant 32 : i32
      %mul3A_583 = arith.muli %add3A_581, %mul3A_582 : i32
      %add3A_584 = arith.addi %mul3A_583, %add3A : i32
      %mul3A_585 = arith.constant 8 : i32
      %mul3A_586 = arith.muli %add3A_557, %mul3A_585 : i32
      %add3A_587 = arith.constant 1 : i32
      %add3A_588 = arith.addi %mul3A_586, %add3A_587 : i32
      %mul3A_589 = arith.constant 32 : i32
      %mul3A_590 = arith.muli %add3A_588, %mul3A_589 : i32
      %add3A_591 = arith.addi %mul3A_590, %add3A : i32
      %mul3A_592 = arith.constant 8 : i32
      %mul3A_593 = arith.muli %add3A_557, %mul3A_592 : i32
      %add3A_594 = arith.constant 2 : i32
      %add3A_595 = arith.addi %mul3A_593, %add3A_594 : i32
      %mul3A_596 = arith.constant 32 : i32
      %mul3A_597 = arith.muli %add3A_595, %mul3A_596 : i32
      %add3A_598 = arith.addi %mul3A_597, %add3A : i32
      %mul3A_599 = arith.constant 8 : i32
      %mul3A_600 = arith.muli %add3A_557, %mul3A_599 : i32
      %add3A_601 = arith.constant 3 : i32
      %add3A_602 = arith.addi %mul3A_600, %add3A_601 : i32
      %mul3A_603 = arith.constant 32 : i32
      %mul3A_604 = arith.muli %add3A_602, %mul3A_603 : i32
      %add3A_605 = arith.addi %mul3A_604, %add3A : i32
      %mul3A_606 = arith.constant 8 : i32
      %mul3A_607 = arith.muli %add3A_557, %mul3A_606 : i32
      %add3A_608 = arith.constant 4 : i32
      %add3A_609 = arith.addi %mul3A_607, %add3A_608 : i32
      %mul3A_610 = arith.constant 32 : i32
      %mul3A_611 = arith.muli %add3A_609, %mul3A_610 : i32
      %add3A_612 = arith.addi %mul3A_611, %add3A : i32
      %mul3A_613 = arith.constant 8 : i32
      %mul3A_614 = arith.muli %add3A_557, %mul3A_613 : i32
      %add3A_615 = arith.constant 5 : i32
      %add3A_616 = arith.addi %mul3A_614, %add3A_615 : i32
      %mul3A_617 = arith.constant 32 : i32
      %mul3A_618 = arith.muli %add3A_616, %mul3A_617 : i32
      %add3A_619 = arith.addi %mul3A_618, %add3A : i32
      %mul3A_620 = arith.constant 8 : i32
      %mul3A_621 = arith.muli %add3A_557, %mul3A_620 : i32
      %add3A_622 = arith.constant 6 : i32
      %add3A_623 = arith.addi %mul3A_621, %add3A_622 : i32
      %mul3A_624 = arith.constant 32 : i32
      %mul3A_625 = arith.muli %add3A_623, %mul3A_624 : i32
      %add3A_626 = arith.addi %mul3A_625, %add3A : i32
      %mul3A_627 = arith.constant 8 : i32
      %mul3A_628 = arith.muli %add3A_557, %mul3A_627 : i32
      %add3A_629 = arith.constant 7 : i32
      %add3A_630 = arith.addi %mul3A_628, %add3A_629 : i32
      %mul3A_631 = arith.constant 32 : i32
      %mul3A_632 = arith.muli %add3A_630, %mul3A_631 : i32
      %add3A_633 = arith.addi %mul3A_632, %add3A : i32
      %dma_start3A_634 = arith.constant 64 : i32
      %dma_start3A_635 = arith.constant 0 : i32
      %dma_start3A_636 = tpu.memref_slice %arg9[%dma_start3A_634, %dma_start3A_635] : memref<128x129xf32, #tpu.memory_space<vmem>> -> memref<8x128xf32, #tpu.memory_space<vmem>>
      %dma_start3A_637 = arith.constant 0 : i32
      %dma_start3A_638 = arith.constant 0 : i32
      %dma_start3A_639 = tpu.memref_slice %arg5[%add3A_584, %dma_start3A_637, %dma_start3A_638] : memref<51200x8x128xf32, #tpu.memory_space<hbm>> -> memref<1x8x128xf32, #tpu.memory_space<hbm>>
      %dma_start3A_640 = tpu.memref_squeeze %dma_start3A_639 : memref<1x8x128xf32, #tpu.memory_space<hbm>> -> memref<8x128xf32, #tpu.memory_space<hbm>>
      %dma_start3A_641 = arith.constant 0 : i32
      %dma_start3A_642 = arith.constant 0 : i32
      %dma_start3A_643 = tpu.memref_slice %arg5[%add3A_584, %dma_start3A_641, %dma_start3A_642] : memref<51200x8x128xf32, #tpu.memory_space<hbm>> -> memref<1x8x128xf32, #tpu.memory_space<hbm>>
      %dma_start3A_644 = tpu.memref_squeeze %dma_start3A_643 : memref<1x8x128xf32, #tpu.memory_space<hbm>> -> memref<8x128xf32, #tpu.memory_space<hbm>>
      %dma_start3A_645 = arith.constant 64 : i32
      %dma_start3A_646 = arith.constant 0 : i32
      %dma_start3A_647 = tpu.memref_slice %arg9[%dma_start3A_645, %dma_start3A_646] : memref<128x129xf32, #tpu.memory_space<vmem>> -> memref<8x128xf32, #tpu.memory_space<vmem>>
      tpu.enqueue_dma source(%dma_start3A_647 : memref<8x128xf32, #tpu.memory_space<vmem>>) target(%dma_start3A_644 : memref<8x128xf32, #tpu.memory_space<hbm>>) target_semaphore(%arg14 : memref<!tpu.dma_semaphore, #tpu.memory_space<semaphore_mem>>)
      %dma_start3A_648 = arith.constant 72 : i32
      %dma_start3A_649 = arith.constant 0 : i32
      %dma_start3A_650 = tpu.memref_slice %arg9[%dma_start3A_648, %dma_start3A_649] : memref<128x129xf32, #tpu.memory_space<vmem>> -> memref<8x128xf32, #tpu.memory_space<vmem>>
      %dma_start3A_651 = arith.constant 0 : i32
      %dma_start3A_652 = arith.constant 0 : i32
      %dma_start3A_653 = tpu.memref_slice %arg5[%add3A_591, %dma_start3A_651, %dma_start3A_652] : memref<51200x8x128xf32, #tpu.memory_space<hbm>> -> memref<1x8x128xf32, #tpu.memory_space<hbm>>
      %dma_start3A_654 = tpu.memref_squeeze %dma_start3A_653 : memref<1x8x128xf32, #tpu.memory_space<hbm>> -> memref<8x128xf32, #tpu.memory_space<hbm>>
      %dma_start3A_655 = arith.constant 0 : i32
      %dma_start3A_656 = arith.constant 0 : i32
      %dma_start3A_657 = tpu.memref_slice %arg5[%add3A_591, %dma_start3A_655, %dma_start3A_656] : memref<51200x8x128xf32, #tpu.memory_space<hbm>> -> memref<1x8x128xf32, #tpu.memory_space<hbm>>
      %dma_start3A_658 = tpu.memref_squeeze %dma_start3A_657 : memref<1x8x128xf32, #tpu.memory_space<hbm>> -> memref<8x128xf32, #tpu.memory_space<hbm>>
      %dma_start3A_659 = arith.constant 72 : i32
      %dma_start3A_660 = arith.constant 0 : i32
      %dma_start3A_661 = tpu.memref_slice %arg9[%dma_start3A_659, %dma_start3A_660] : memref<128x129xf32, #tpu.memory_space<vmem>> -> memref<8x128xf32, #tpu.memory_space<vmem>>
      tpu.enqueue_dma source(%dma_start3A_661 : memref<8x128xf32, #tpu.memory_space<vmem>>) target(%dma_start3A_658 : memref<8x128xf32, #tpu.memory_space<hbm>>) target_semaphore(%arg14 : memref<!tpu.dma_semaphore, #tpu.memory_space<semaphore_mem>>)
      %dma_start3A_662 = arith.constant 80 : i32
      %dma_start3A_663 = arith.constant 0 : i32
      %dma_start3A_664 = tpu.memref_slice %arg9[%dma_start3A_662, %dma_start3A_663] : memref<128x129xf32, #tpu.memory_space<vmem>> -> memref<8x128xf32, #tpu.memory_space<vmem>>
      %dma_start3A_665 = arith.constant 0 : i32
      %dma_start3A_666 = arith.constant 0 : i32
      %dma_start3A_667 = tpu.memref_slice %arg5[%add3A_598, %dma_start3A_665, %dma_start3A_666] : memref<51200x8x128xf32, #tpu.memory_space<hbm>> -> memref<1x8x128xf32, #tpu.memory_space<hbm>>
      %dma_start3A_668 = tpu.memref_squeeze %dma_start3A_667 : memref<1x8x128xf32, #tpu.memory_space<hbm>> -> memref<8x128xf32, #tpu.memory_space<hbm>>
      %dma_start3A_669 = arith.constant 0 : i32
      %dma_start3A_670 = arith.constant 0 : i32
      %dma_start3A_671 = tpu.memref_slice %arg5[%add3A_598, %dma_start3A_669, %dma_start3A_670] : memref<51200x8x128xf32, #tpu.memory_space<hbm>> -> memref<1x8x128xf32, #tpu.memory_space<hbm>>
      %dma_start3A_672 = tpu.memref_squeeze %dma_start3A_671 : memref<1x8x128xf32, #tpu.memory_space<hbm>> -> memref<8x128xf32, #tpu.memory_space<hbm>>
      %dma_start3A_673 = arith.constant 80 : i32
      %dma_start3A_674 = arith.constant 0 : i32
      %dma_start3A_675 = tpu.memref_slice %arg9[%dma_start3A_673, %dma_start3A_674] : memref<128x129xf32, #tpu.memory_space<vmem>> -> memref<8x128xf32, #tpu.memory_space<vmem>>
      tpu.enqueue_dma source(%dma_start3A_675 : memref<8x128xf32, #tpu.memory_space<vmem>>) target(%dma_start3A_672 : memref<8x128xf32, #tpu.memory_space<hbm>>) target_semaphore(%arg14 : memref<!tpu.dma_semaphore, #tpu.memory_space<semaphore_mem>>)
      %dma_start3A_676 = arith.constant 88 : i32
      %dma_start3A_677 = arith.constant 0 : i32
      %dma_start3A_678 = tpu.memref_slice %arg9[%dma_start3A_676, %dma_start3A_677] : memref<128x129xf32, #tpu.memory_space<vmem>> -> memref<8x128xf32, #tpu.memory_space<vmem>>
      %dma_start3A_679 = arith.constant 0 : i32
      %dma_start3A_680 = arith.constant 0 : i32
      %dma_start3A_681 = tpu.memref_slice %arg5[%add3A_605, %dma_start3A_679, %dma_start3A_680] : memref<51200x8x128xf32, #tpu.memory_space<hbm>> -> memref<1x8x128xf32, #tpu.memory_space<hbm>>
      %dma_start3A_682 = tpu.memref_squeeze %dma_start3A_681 : memref<1x8x128xf32, #tpu.memory_space<hbm>> -> memref<8x128xf32, #tpu.memory_space<hbm>>
      %dma_start3A_683 = arith.constant 0 : i32
      %dma_start3A_684 = arith.constant 0 : i32
      %dma_start3A_685 = tpu.memref_slice %arg5[%add3A_605, %dma_start3A_683, %dma_start3A_684] : memref<51200x8x128xf32, #tpu.memory_space<hbm>> -> memref<1x8x128xf32, #tpu.memory_space<hbm>>
      %dma_start3A_686 = tpu.memref_squeeze %dma_start3A_685 : memref<1x8x128xf32, #tpu.memory_space<hbm>> -> memref<8x128xf32, #tpu.memory_space<hbm>>
      %dma_start3A_687 = arith.constant 88 : i32
      %dma_start3A_688 = arith.constant 0 : i32
      %dma_start3A_689 = tpu.memref_slice %arg9[%dma_start3A_687, %dma_start3A_688] : memref<128x129xf32, #tpu.memory_space<vmem>> -> memref<8x128xf32, #tpu.memory_space<vmem>>
      tpu.enqueue_dma source(%dma_start3A_689 : memref<8x128xf32, #tpu.memory_space<vmem>>) target(%dma_start3A_686 : memref<8x128xf32, #tpu.memory_space<hbm>>) target_semaphore(%arg14 : memref<!tpu.dma_semaphore, #tpu.memory_space<semaphore_mem>>)
      %dma_start3A_690 = arith.constant 96 : i32
      %dma_start3A_691 = arith.constant 0 : i32
      %dma_start3A_692 = tpu.memref_slice %arg9[%dma_start3A_690, %dma_start3A_691] : memref<128x129xf32, #tpu.memory_space<vmem>> -> memref<8x128xf32, #tpu.memory_space<vmem>>
      %dma_start3A_693 = arith.constant 0 : i32
      %dma_start3A_694 = arith.constant 0 : i32
      %dma_start3A_695 = tpu.memref_slice %arg5[%add3A_612, %dma_start3A_693, %dma_start3A_694] : memref<51200x8x128xf32, #tpu.memory_space<hbm>> -> memref<1x8x128xf32, #tpu.memory_space<hbm>>
      %dma_start3A_696 = tpu.memref_squeeze %dma_start3A_695 : memref<1x8x128xf32, #tpu.memory_space<hbm>> -> memref<8x128xf32, #tpu.memory_space<hbm>>
      %dma_start3A_697 = arith.constant 0 : i32
      %dma_start3A_698 = arith.constant 0 : i32
      %dma_start3A_699 = tpu.memref_slice %arg5[%add3A_612, %dma_start3A_697, %dma_start3A_698] : memref<51200x8x128xf32, #tpu.memory_space<hbm>> -> memref<1x8x128xf32, #tpu.memory_space<hbm>>
      %dma_start3A_700 = tpu.memref_squeeze %dma_start3A_699 : memref<1x8x128xf32, #tpu.memory_space<hbm>> -> memref<8x128xf32, #tpu.memory_space<hbm>>
      %dma_start3A_701 = arith.constant 96 : i32
      %dma_start3A_702 = arith.constant 0 : i32
      %dma_start3A_703 = tpu.memref_slice %arg9[%dma_start3A_701, %dma_start3A_702] : memref<128x129xf32, #tpu.memory_space<vmem>> -> memref<8x128xf32, #tpu.memory_space<vmem>>
      tpu.enqueue_dma source(%dma_start3A_703 : memref<8x128xf32, #tpu.memory_space<vmem>>) target(%dma_start3A_700 : memref<8x128xf32, #tpu.memory_space<hbm>>) target_semaphore(%arg14 : memref<!tpu.dma_semaphore, #tpu.memory_space<semaphore_mem>>)
      %dma_start3A_704 = arith.constant 104 : i32
      %dma_start3A_705 = arith.constant 0 : i32
      %dma_start3A_706 = tpu.memref_slice %arg9[%dma_start3A_704, %dma_start3A_705] : memref<128x129xf32, #tpu.memory_space<vmem>> -> memref<8x128xf32, #tpu.memory_space<vmem>>
      %dma_start3A_707 = arith.constant 0 : i32
      %dma_start3A_708 = arith.constant 0 : i32
      %dma_start3A_709 = tpu.memref_slice %arg5[%add3A_619, %dma_start3A_707, %dma_start3A_708] : memref<51200x8x128xf32, #tpu.memory_space<hbm>> -> memref<1x8x128xf32, #tpu.memory_space<hbm>>
      %dma_start3A_710 = tpu.memref_squeeze %dma_start3A_709 : memref<1x8x128xf32, #tpu.memory_space<hbm>> -> memref<8x128xf32, #tpu.memory_space<hbm>>
      %dma_start3A_711 = arith.constant 0 : i32
      %dma_start3A_712 = arith.constant 0 : i32
      %dma_start3A_713 = tpu.memref_slice %arg5[%add3A_619, %dma_start3A_711, %dma_start3A_712] : memref<51200x8x128xf32, #tpu.memory_space<hbm>> -> memref<1x8x128xf32, #tpu.memory_space<hbm>>
      %dma_start3A_714 = tpu.memref_squeeze %dma_start3A_713 : memref<1x8x128xf32, #tpu.memory_space<hbm>> -> memref<8x128xf32, #tpu.memory_space<hbm>>
      %dma_start3A_715 = arith.constant 104 : i32
      %dma_start3A_716 = arith.constant 0 : i32
      %dma_start3A_717 = tpu.memref_slice %arg9[%dma_start3A_715, %dma_start3A_716] : memref<128x129xf32, #tpu.memory_space<vmem>> -> memref<8x128xf32, #tpu.memory_space<vmem>>
      tpu.enqueue_dma source(%dma_start3A_717 : memref<8x128xf32, #tpu.memory_space<vmem>>) target(%dma_start3A_714 : memref<8x128xf32, #tpu.memory_space<hbm>>) target_semaphore(%arg14 : memref<!tpu.dma_semaphore, #tpu.memory_space<semaphore_mem>>)
      %dma_start3A_718 = arith.constant 112 : i32
      %dma_start3A_719 = arith.constant 0 : i32
      %dma_start3A_720 = tpu.memref_slice %arg9[%dma_start3A_718, %dma_start3A_719] : memref<128x129xf32, #tpu.memory_space<vmem>> -> memref<8x128xf32, #tpu.memory_space<vmem>>
      %dma_start3A_721 = arith.constant 0 : i32
      %dma_start3A_722 = arith.constant 0 : i32
      %dma_start3A_723 = tpu.memref_slice %arg5[%add3A_626, %dma_start3A_721, %dma_start3A_722] : memref<51200x8x128xf32, #tpu.memory_space<hbm>> -> memref<1x8x128xf32, #tpu.memory_space<hbm>>
      %dma_start3A_724 = tpu.memref_squeeze %dma_start3A_723 : memref<1x8x128xf32, #tpu.memory_space<hbm>> -> memref<8x128xf32, #tpu.memory_space<hbm>>
      %dma_start3A_725 = arith.constant 0 : i32
      %dma_start3A_726 = arith.constant 0 : i32
      %dma_start3A_727 = tpu.memref_slice %arg5[%add3A_626, %dma_start3A_725, %dma_start3A_726] : memref<51200x8x128xf32, #tpu.memory_space<hbm>> -> memref<1x8x128xf32, #tpu.memory_space<hbm>>
      %dma_start3A_728 = tpu.memref_squeeze %dma_start3A_727 : memref<1x8x128xf32, #tpu.memory_space<hbm>> -> memref<8x128xf32, #tpu.memory_space<hbm>>
      %dma_start3A_729 = arith.constant 112 : i32
      %dma_start3A_730 = arith.constant 0 : i32
      %dma_start3A_731 = tpu.memref_slice %arg9[%dma_start3A_729, %dma_start3A_730] : memref<128x129xf32, #tpu.memory_space<vmem>> -> memref<8x128xf32, #tpu.memory_space<vmem>>
      tpu.enqueue_dma source(%dma_start3A_731 : memref<8x128xf32, #tpu.memory_space<vmem>>) target(%dma_start3A_728 : memref<8x128xf32, #tpu.memory_space<hbm>>) target_semaphore(%arg14 : memref<!tpu.dma_semaphore, #tpu.memory_space<semaphore_mem>>)
      %dma_start3A_732 = arith.constant 120 : i32
      %dma_start3A_733 = arith.constant 0 : i32
      %dma_start3A_734 = tpu.memref_slice %arg9[%dma_start3A_732, %dma_start3A_733] : memref<128x129xf32, #tpu.memory_space<vmem>> -> memref<8x128xf32, #tpu.memory_space<vmem>>
      %dma_start3A_735 = arith.constant 0 : i32
      %dma_start3A_736 = arith.constant 0 : i32
      %dma_start3A_737 = tpu.memref_slice %arg5[%add3A_633, %dma_start3A_735, %dma_start3A_736] : memref<51200x8x128xf32, #tpu.memory_space<hbm>> -> memref<1x8x128xf32, #tpu.memory_space<hbm>>
      %dma_start3A_738 = tpu.memref_squeeze %dma_start3A_737 : memref<1x8x128xf32, #tpu.memory_space<hbm>> -> memref<8x128xf32, #tpu.memory_space<hbm>>
      %dma_start3A_739 = arith.constant 0 : i32
      %dma_start3A_740 = arith.constant 0 : i32
      %dma_start3A_741 = tpu.memref_slice %arg5[%add3A_633, %dma_start3A_739, %dma_start3A_740] : memref<51200x8x128xf32, #tpu.memory_space<hbm>> -> memref<1x8x128xf32, #tpu.memory_space<hbm>>
      %dma_start3A_742 = tpu.memref_squeeze %dma_start3A_741 : memref<1x8x128xf32, #tpu.memory_space<hbm>> -> memref<8x128xf32, #tpu.memory_space<hbm>>
      %dma_start3A_743 = arith.constant 120 : i32
      %dma_start3A_744 = arith.constant 0 : i32
      %dma_start3A_745 = tpu.memref_slice %arg9[%dma_start3A_743, %dma_start3A_744] : memref<128x129xf32, #tpu.memory_space<vmem>> -> memref<8x128xf32, #tpu.memory_space<vmem>>
      tpu.enqueue_dma source(%dma_start3A_745 : memref<8x128xf32, #tpu.memory_space<vmem>>) target(%dma_start3A_742 : memref<8x128xf32, #tpu.memory_space<hbm>>) target_semaphore(%arg14 : memref<!tpu.dma_semaphore, #tpu.memory_space<semaphore_mem>>)
      %lt3A_746 = arith.constant 99 : i32
      %lt3A_747 = arith.cmpi slt, %scan3A_360, %lt3A_746 : i32
      %convert_element_type3A_748 = arith.extui %lt3A_747 : i1 to i32
      %cond3A_749 = arith.constant 0 : i32
      %cond3A_750 = arith.cmpi ne, %convert_element_type3A_748, %cond3A_749 : i32
      scf.if %cond3A_750 {
        %add3A_751 = arith.constant 2 : i32
        %add3A_752 = arith.addi %add3A_557, %add3A_751 : i32
        %dma_start3A_753 = arith.constant 128 : i32
        %dma_start3A_754 = arith.constant 0 : i32
        %dma_start3A_755 = tpu.memref_slice %arg8[%dma_start3A_753, %dma_start3A_754] : memref<256x64xf32, #tpu.memory_space<vmem>> -> memref<128x64xf32, #tpu.memory_space<vmem>>
        %dma_start3A_756 = arith.constant 0 : i32
        %dma_start3A_757 = tpu.memref_slice %arg6[%add3A_752, %dma_start3A_756] : memref<200x128xi32, #tpu.memory_space<vmem>> -> memref<1x128xi32, #tpu.memory_space<vmem>>
        %dma_start3A_758 = tpu.memref_squeeze %dma_start3A_757 : memref<1x128xi32, #tpu.memory_space<vmem>> -> memref<128xi32, #tpu.memory_space<vmem>>
        %dma_start3A_759 = arith.constant 0 : i32
        %dma_start3A_760 = arith.constant 0 : i32
        %dma_start3A_761 = tpu.memref_slice %arg3[%dma_start3A_759, %dma_start3A_760] : memref<1000000x64xf32, #tpu.memory_space<hbm>> -> memref<1000000x64xf32, #tpu.memory_space<hbm>>
        tpu.enqueue_indirect_dma source(%dma_start3A_761 : memref<1000000x64xf32, #tpu.memory_space<hbm>>) target(%dma_start3A_755 : memref<128x64xf32, #tpu.memory_space<vmem>>) offsets(%dma_start3A_758 : memref<128xi32, #tpu.memory_space<vmem>>) semaphore(%arg12 : memref<!tpu.dma_semaphore, #tpu.memory_space<semaphore_mem>>)
      } else {
      }
    }
    %scan3A_104 = arith.constant 100 : i32
    %add3A_105 = arith.constant 0 : i32
    %add3A_106 = arith.addi %add3A_105, %add3A : i32
    %add3A_107 = arith.constant 32 : i32
    %add3A_108 = arith.addi %add3A_107, %add3A : i32
    %add3A_109 = arith.constant 64 : i32
    %add3A_110 = arith.addi %add3A_109, %add3A : i32
    %add3A_111 = arith.constant 96 : i32
    %add3A_112 = arith.addi %add3A_111, %add3A : i32
    %add3A_113 = arith.constant 128 : i32
    %add3A_114 = arith.addi %add3A_113, %add3A : i32
    %add3A_115 = arith.constant 160 : i32
    %add3A_116 = arith.addi %add3A_115, %add3A : i32
    %add3A_117 = arith.constant 192 : i32
    %add3A_118 = arith.addi %add3A_117, %add3A : i32
    %add3A_119 = arith.constant 224 : i32
    %add3A_120 = arith.addi %add3A_119, %add3A : i32
    %dma_wait3A = arith.constant 0 : i32
    %dma_wait3A_121 = arith.constant 0 : i32
    %dma_wait3A_122 = tpu.memref_slice %arg9[%dma_wait3A, %dma_wait3A_121] : memref<128x129xf32, #tpu.memory_space<vmem>> -> memref<8x128xf32, #tpu.memory_space<vmem>>
    %dma_wait3A_123 = arith.constant 0 : i32
    %dma_wait3A_124 = arith.constant 0 : i32
    %dma_wait3A_125 = tpu.memref_slice %arg5[%add3A_106, %dma_wait3A_123, %dma_wait3A_124] : memref<51200x8x128xf32, #tpu.memory_space<hbm>> -> memref<1x8x128xf32, #tpu.memory_space<hbm>>
    %dma_wait3A_126 = tpu.memref_squeeze %dma_wait3A_125 : memref<1x8x128xf32, #tpu.memory_space<hbm>> -> memref<8x128xf32, #tpu.memory_space<hbm>>
    %dma_wait3A_127 = arith.constant 0 : i32
    %dma_wait3A_128 = arith.constant 0 : i32
    %dma_wait3A_129 = tpu.memref_slice %arg5[%add3A_106, %dma_wait3A_127, %dma_wait3A_128] : memref<51200x8x128xf32, #tpu.memory_space<hbm>> -> memref<1x8x128xf32, #tpu.memory_space<hbm>>
    %dma_wait3A_130 = tpu.memref_squeeze %dma_wait3A_129 : memref<1x8x128xf32, #tpu.memory_space<hbm>> -> memref<8x128xf32, #tpu.memory_space<hbm>>
    %dma_wait3A_131 = arith.constant 0 : i32
    %dma_wait3A_132 = arith.constant 0 : i32
    %dma_wait3A_133 = tpu.memref_slice %arg9[%dma_wait3A_131, %dma_wait3A_132] : memref<128x129xf32, #tpu.memory_space<vmem>> -> memref<8x128xf32, #tpu.memory_space<vmem>>
    tpu.wait_dma2 semaphore(%arg13 : memref<!tpu.dma_semaphore, #tpu.memory_space<semaphore_mem>>) src(%dma_wait3A_133 : memref<8x128xf32, #tpu.memory_space<vmem>>) dst(%dma_wait3A_130 : memref<8x128xf32, #tpu.memory_space<hbm>>)
    %dma_wait3A_134 = arith.constant 8 : i32
    %dma_wait3A_135 = arith.constant 0 : i32
    %dma_wait3A_136 = tpu.memref_slice %arg9[%dma_wait3A_134, %dma_wait3A_135] : memref<128x129xf32, #tpu.memory_space<vmem>> -> memref<8x128xf32, #tpu.memory_space<vmem>>
    %dma_wait3A_137 = arith.constant 0 : i32
    %dma_wait3A_138 = arith.constant 0 : i32
    %dma_wait3A_139 = tpu.memref_slice %arg5[%add3A_108, %dma_wait3A_137, %dma_wait3A_138] : memref<51200x8x128xf32, #tpu.memory_space<hbm>> -> memref<1x8x128xf32, #tpu.memory_space<hbm>>
    %dma_wait3A_140 = tpu.memref_squeeze %dma_wait3A_139 : memref<1x8x128xf32, #tpu.memory_space<hbm>> -> memref<8x128xf32, #tpu.memory_space<hbm>>
    %dma_wait3A_141 = arith.constant 0 : i32
    %dma_wait3A_142 = arith.constant 0 : i32
    %dma_wait3A_143 = tpu.memref_slice %arg5[%add3A_108, %dma_wait3A_141, %dma_wait3A_142] : memref<51200x8x128xf32, #tpu.memory_space<hbm>> -> memref<1x8x128xf32, #tpu.memory_space<hbm>>
    %dma_wait3A_144 = tpu.memref_squeeze %dma_wait3A_143 : memref<1x8x128xf32, #tpu.memory_space<hbm>> -> memref<8x128xf32, #tpu.memory_space<hbm>>
    %dma_wait3A_145 = arith.constant 8 : i32
    %dma_wait3A_146 = arith.constant 0 : i32
    %dma_wait3A_147 = tpu.memref_slice %arg9[%dma_wait3A_145, %dma_wait3A_146] : memref<128x129xf32, #tpu.memory_space<vmem>> -> memref<8x128xf32, #tpu.memory_space<vmem>>
    tpu.wait_dma2 semaphore(%arg13 : memref<!tpu.dma_semaphore, #tpu.memory_space<semaphore_mem>>) src(%dma_wait3A_147 : memref<8x128xf32, #tpu.memory_space<vmem>>) dst(%dma_wait3A_144 : memref<8x128xf32, #tpu.memory_space<hbm>>)
    %dma_wait3A_148 = arith.constant 16 : i32
    %dma_wait3A_149 = arith.constant 0 : i32
    %dma_wait3A_150 = tpu.memref_slice %arg9[%dma_wait3A_148, %dma_wait3A_149] : memref<128x129xf32, #tpu.memory_space<vmem>> -> memref<8x128xf32, #tpu.memory_space<vmem>>
    %dma_wait3A_151 = arith.constant 0 : i32
    %dma_wait3A_152 = arith.constant 0 : i32
    %dma_wait3A_153 = tpu.memref_slice %arg5[%add3A_110, %dma_wait3A_151, %dma_wait3A_152] : memref<51200x8x128xf32, #tpu.memory_space<hbm>> -> memref<1x8x128xf32, #tpu.memory_space<hbm>>
    %dma_wait3A_154 = tpu.memref_squeeze %dma_wait3A_153 : memref<1x8x128xf32, #tpu.memory_space<hbm>> -> memref<8x128xf32, #tpu.memory_space<hbm>>
    %dma_wait3A_155 = arith.constant 0 : i32
    %dma_wait3A_156 = arith.constant 0 : i32
    %dma_wait3A_157 = tpu.memref_slice %arg5[%add3A_110, %dma_wait3A_155, %dma_wait3A_156] : memref<51200x8x128xf32, #tpu.memory_space<hbm>> -> memref<1x8x128xf32, #tpu.memory_space<hbm>>
    %dma_wait3A_158 = tpu.memref_squeeze %dma_wait3A_157 : memref<1x8x128xf32, #tpu.memory_space<hbm>> -> memref<8x128xf32, #tpu.memory_space<hbm>>
    %dma_wait3A_159 = arith.constant 16 : i32
    %dma_wait3A_160 = arith.constant 0 : i32
    %dma_wait3A_161 = tpu.memref_slice %arg9[%dma_wait3A_159, %dma_wait3A_160] : memref<128x129xf32, #tpu.memory_space<vmem>> -> memref<8x128xf32, #tpu.memory_space<vmem>>
    tpu.wait_dma2 semaphore(%arg13 : memref<!tpu.dma_semaphore, #tpu.memory_space<semaphore_mem>>) src(%dma_wait3A_161 : memref<8x128xf32, #tpu.memory_space<vmem>>) dst(%dma_wait3A_158 : memref<8x128xf32, #tpu.memory_space<hbm>>)
    %dma_wait3A_162 = arith.constant 24 : i32
    %dma_wait3A_163 = arith.constant 0 : i32
    %dma_wait3A_164 = tpu.memref_slice %arg9[%dma_wait3A_162, %dma_wait3A_163] : memref<128x129xf32, #tpu.memory_space<vmem>> -> memref<8x128xf32, #tpu.memory_space<vmem>>
    %dma_wait3A_165 = arith.constant 0 : i32
    %dma_wait3A_166 = arith.constant 0 : i32
    %dma_wait3A_167 = tpu.memref_slice %arg5[%add3A_112, %dma_wait3A_165, %dma_wait3A_166] : memref<51200x8x128xf32, #tpu.memory_space<hbm>> -> memref<1x8x128xf32, #tpu.memory_space<hbm>>
    %dma_wait3A_168 = tpu.memref_squeeze %dma_wait3A_167 : memref<1x8x128xf32, #tpu.memory_space<hbm>> -> memref<8x128xf32, #tpu.memory_space<hbm>>
    %dma_wait3A_169 = arith.constant 0 : i32
    %dma_wait3A_170 = arith.constant 0 : i32
    %dma_wait3A_171 = tpu.memref_slice %arg5[%add3A_112, %dma_wait3A_169, %dma_wait3A_170] : memref<51200x8x128xf32, #tpu.memory_space<hbm>> -> memref<1x8x128xf32, #tpu.memory_space<hbm>>
    %dma_wait3A_172 = tpu.memref_squeeze %dma_wait3A_171 : memref<1x8x128xf32, #tpu.memory_space<hbm>> -> memref<8x128xf32, #tpu.memory_space<hbm>>
    %dma_wait3A_173 = arith.constant 24 : i32
    %dma_wait3A_174 = arith.constant 0 : i32
    %dma_wait3A_175 = tpu.memref_slice %arg9[%dma_wait3A_173, %dma_wait3A_174] : memref<128x129xf32, #tpu.memory_space<vmem>> -> memref<8x128xf32, #tpu.memory_space<vmem>>
    tpu.wait_dma2 semaphore(%arg13 : memref<!tpu.dma_semaphore, #tpu.memory_space<semaphore_mem>>) src(%dma_wait3A_175 : memref<8x128xf32, #tpu.memory_space<vmem>>) dst(%dma_wait3A_172 : memref<8x128xf32, #tpu.memory_space<hbm>>)
    %dma_wait3A_176 = arith.constant 32 : i32
    %dma_wait3A_177 = arith.constant 0 : i32
    %dma_wait3A_178 = tpu.memref_slice %arg9[%dma_wait3A_176, %dma_wait3A_177] : memref<128x129xf32, #tpu.memory_space<vmem>> -> memref<8x128xf32, #tpu.memory_space<vmem>>
    %dma_wait3A_179 = arith.constant 0 : i32
    %dma_wait3A_180 = arith.constant 0 : i32
    %dma_wait3A_181 = tpu.memref_slice %arg5[%add3A_114, %dma_wait3A_179, %dma_wait3A_180] : memref<51200x8x128xf32, #tpu.memory_space<hbm>> -> memref<1x8x128xf32, #tpu.memory_space<hbm>>
    %dma_wait3A_182 = tpu.memref_squeeze %dma_wait3A_181 : memref<1x8x128xf32, #tpu.memory_space<hbm>> -> memref<8x128xf32, #tpu.memory_space<hbm>>
    %dma_wait3A_183 = arith.constant 0 : i32
    %dma_wait3A_184 = arith.constant 0 : i32
    %dma_wait3A_185 = tpu.memref_slice %arg5[%add3A_114, %dma_wait3A_183, %dma_wait3A_184] : memref<51200x8x128xf32, #tpu.memory_space<hbm>> -> memref<1x8x128xf32, #tpu.memory_space<hbm>>
    %dma_wait3A_186 = tpu.memref_squeeze %dma_wait3A_185 : memref<1x8x128xf32, #tpu.memory_space<hbm>> -> memref<8x128xf32, #tpu.memory_space<hbm>>
    %dma_wait3A_187 = arith.constant 32 : i32
    %dma_wait3A_188 = arith.constant 0 : i32
    %dma_wait3A_189 = tpu.memref_slice %arg9[%dma_wait3A_187, %dma_wait3A_188] : memref<128x129xf32, #tpu.memory_space<vmem>> -> memref<8x128xf32, #tpu.memory_space<vmem>>
    tpu.wait_dma2 semaphore(%arg13 : memref<!tpu.dma_semaphore, #tpu.memory_space<semaphore_mem>>) src(%dma_wait3A_189 : memref<8x128xf32, #tpu.memory_space<vmem>>) dst(%dma_wait3A_186 : memref<8x128xf32, #tpu.memory_space<hbm>>)
    %dma_wait3A_190 = arith.constant 40 : i32
    %dma_wait3A_191 = arith.constant 0 : i32
    %dma_wait3A_192 = tpu.memref_slice %arg9[%dma_wait3A_190, %dma_wait3A_191] : memref<128x129xf32, #tpu.memory_space<vmem>> -> memref<8x128xf32, #tpu.memory_space<vmem>>
    %dma_wait3A_193 = arith.constant 0 : i32
    %dma_wait3A_194 = arith.constant 0 : i32
    %dma_wait3A_195 = tpu.memref_slice %arg5[%add3A_116, %dma_wait3A_193, %dma_wait3A_194] : memref<51200x8x128xf32, #tpu.memory_space<hbm>> -> memref<1x8x128xf32, #tpu.memory_space<hbm>>
    %dma_wait3A_196 = tpu.memref_squeeze %dma_wait3A_195 : memref<1x8x128xf32, #tpu.memory_space<hbm>> -> memref<8x128xf32, #tpu.memory_space<hbm>>
    %dma_wait3A_197 = arith.constant 0 : i32
    %dma_wait3A_198 = arith.constant 0 : i32
    %dma_wait3A_199 = tpu.memref_slice %arg5[%add3A_116, %dma_wait3A_197, %dma_wait3A_198] : memref<51200x8x128xf32, #tpu.memory_space<hbm>> -> memref<1x8x128xf32, #tpu.memory_space<hbm>>
    %dma_wait3A_200 = tpu.memref_squeeze %dma_wait3A_199 : memref<1x8x128xf32, #tpu.memory_space<hbm>> -> memref<8x128xf32, #tpu.memory_space<hbm>>
    %dma_wait3A_201 = arith.constant 40 : i32
    %dma_wait3A_202 = arith.constant 0 : i32
    %dma_wait3A_203 = tpu.memref_slice %arg9[%dma_wait3A_201, %dma_wait3A_202] : memref<128x129xf32, #tpu.memory_space<vmem>> -> memref<8x128xf32, #tpu.memory_space<vmem>>
    tpu.wait_dma2 semaphore(%arg13 : memref<!tpu.dma_semaphore, #tpu.memory_space<semaphore_mem>>) src(%dma_wait3A_203 : memref<8x128xf32, #tpu.memory_space<vmem>>) dst(%dma_wait3A_200 : memref<8x128xf32, #tpu.memory_space<hbm>>)
    %dma_wait3A_204 = arith.constant 48 : i32
    %dma_wait3A_205 = arith.constant 0 : i32
    %dma_wait3A_206 = tpu.memref_slice %arg9[%dma_wait3A_204, %dma_wait3A_205] : memref<128x129xf32, #tpu.memory_space<vmem>> -> memref<8x128xf32, #tpu.memory_space<vmem>>
    %dma_wait3A_207 = arith.constant 0 : i32
    %dma_wait3A_208 = arith.constant 0 : i32
    %dma_wait3A_209 = tpu.memref_slice %arg5[%add3A_118, %dma_wait3A_207, %dma_wait3A_208] : memref<51200x8x128xf32, #tpu.memory_space<hbm>> -> memref<1x8x128xf32, #tpu.memory_space<hbm>>
    %dma_wait3A_210 = tpu.memref_squeeze %dma_wait3A_209 : memref<1x8x128xf32, #tpu.memory_space<hbm>> -> memref<8x128xf32, #tpu.memory_space<hbm>>
    %dma_wait3A_211 = arith.constant 0 : i32
    %dma_wait3A_212 = arith.constant 0 : i32
    %dma_wait3A_213 = tpu.memref_slice %arg5[%add3A_118, %dma_wait3A_211, %dma_wait3A_212] : memref<51200x8x128xf32, #tpu.memory_space<hbm>> -> memref<1x8x128xf32, #tpu.memory_space<hbm>>
    %dma_wait3A_214 = tpu.memref_squeeze %dma_wait3A_213 : memref<1x8x128xf32, #tpu.memory_space<hbm>> -> memref<8x128xf32, #tpu.memory_space<hbm>>
    %dma_wait3A_215 = arith.constant 48 : i32
    %dma_wait3A_216 = arith.constant 0 : i32
    %dma_wait3A_217 = tpu.memref_slice %arg9[%dma_wait3A_215, %dma_wait3A_216] : memref<128x129xf32, #tpu.memory_space<vmem>> -> memref<8x128xf32, #tpu.memory_space<vmem>>
    tpu.wait_dma2 semaphore(%arg13 : memref<!tpu.dma_semaphore, #tpu.memory_space<semaphore_mem>>) src(%dma_wait3A_217 : memref<8x128xf32, #tpu.memory_space<vmem>>) dst(%dma_wait3A_214 : memref<8x128xf32, #tpu.memory_space<hbm>>)
    %dma_wait3A_218 = arith.constant 56 : i32
    %dma_wait3A_219 = arith.constant 0 : i32
    %dma_wait3A_220 = tpu.memref_slice %arg9[%dma_wait3A_218, %dma_wait3A_219] : memref<128x129xf32, #tpu.memory_space<vmem>> -> memref<8x128xf32, #tpu.memory_space<vmem>>
    %dma_wait3A_221 = arith.constant 0 : i32
    %dma_wait3A_222 = arith.constant 0 : i32
    %dma_wait3A_223 = tpu.memref_slice %arg5[%add3A_120, %dma_wait3A_221, %dma_wait3A_222] : memref<51200x8x128xf32, #tpu.memory_space<hbm>> -> memref<1x8x128xf32, #tpu.memory_space<hbm>>
    %dma_wait3A_224 = tpu.memref_squeeze %dma_wait3A_223 : memref<1x8x128xf32, #tpu.memory_space<hbm>> -> memref<8x128xf32, #tpu.memory_space<hbm>>
    %dma_wait3A_225 = arith.constant 0 : i32
    %dma_wait3A_226 = arith.constant 0 : i32
    %dma_wait3A_227 = tpu.memref_slice %arg5[%add3A_120, %dma_wait3A_225, %dma_wait3A_226] : memref<51200x8x128xf32, #tpu.memory_space<hbm>> -> memref<1x8x128xf32, #tpu.memory_space<hbm>>
    %dma_wait3A_228 = tpu.memref_squeeze %dma_wait3A_227 : memref<1x8x128xf32, #tpu.memory_space<hbm>> -> memref<8x128xf32, #tpu.memory_space<hbm>>
    %dma_wait3A_229 = arith.constant 56 : i32
    %dma_wait3A_230 = arith.constant 0 : i32
    %dma_wait3A_231 = tpu.memref_slice %arg9[%dma_wait3A_229, %dma_wait3A_230] : memref<128x129xf32, #tpu.memory_space<vmem>> -> memref<8x128xf32, #tpu.memory_space<vmem>>
    tpu.wait_dma2 semaphore(%arg13 : memref<!tpu.dma_semaphore, #tpu.memory_space<semaphore_mem>>) src(%dma_wait3A_231 : memref<8x128xf32, #tpu.memory_space<vmem>>) dst(%dma_wait3A_228 : memref<8x128xf32, #tpu.memory_space<hbm>>)
    %add3A_232 = arith.constant 0 : i32
    %add3A_233 = arith.addi %add3A_232, %add3A : i32
    %add3A_234 = arith.constant 32 : i32
    %add3A_235 = arith.addi %add3A_234, %add3A : i32
    %add3A_236 = arith.constant 64 : i32
    %add3A_237 = arith.addi %add3A_236, %add3A : i32
    %add3A_238 = arith.constant 96 : i32
    %add3A_239 = arith.addi %add3A_238, %add3A : i32
    %add3A_240 = arith.constant 128 : i32
    %add3A_241 = arith.addi %add3A_240, %add3A : i32
    %add3A_242 = arith.constant 160 : i32
    %add3A_243 = arith.addi %add3A_242, %add3A : i32
    %add3A_244 = arith.constant 192 : i32
    %add3A_245 = arith.addi %add3A_244, %add3A : i32
    %add3A_246 = arith.constant 224 : i32
    %add3A_247 = arith.addi %add3A_246, %add3A : i32
    %dma_wait3A_248 = arith.constant 64 : i32
    %dma_wait3A_249 = arith.constant 0 : i32
    %dma_wait3A_250 = tpu.memref_slice %arg9[%dma_wait3A_248, %dma_wait3A_249] : memref<128x129xf32, #tpu.memory_space<vmem>> -> memref<8x128xf32, #tpu.memory_space<vmem>>
    %dma_wait3A_251 = arith.constant 0 : i32
    %dma_wait3A_252 = arith.constant 0 : i32
    %dma_wait3A_253 = tpu.memref_slice %arg5[%add3A_233, %dma_wait3A_251, %dma_wait3A_252] : memref<51200x8x128xf32, #tpu.memory_space<hbm>> -> memref<1x8x128xf32, #tpu.memory_space<hbm>>
    %dma_wait3A_254 = tpu.memref_squeeze %dma_wait3A_253 : memref<1x8x128xf32, #tpu.memory_space<hbm>> -> memref<8x128xf32, #tpu.memory_space<hbm>>
    %dma_wait3A_255 = arith.constant 0 : i32
    %dma_wait3A_256 = arith.constant 0 : i32
    %dma_wait3A_257 = tpu.memref_slice %arg5[%add3A_233, %dma_wait3A_255, %dma_wait3A_256] : memref<51200x8x128xf32, #tpu.memory_space<hbm>> -> memref<1x8x128xf32, #tpu.memory_space<hbm>>
    %dma_wait3A_258 = tpu.memref_squeeze %dma_wait3A_257 : memref<1x8x128xf32, #tpu.memory_space<hbm>> -> memref<8x128xf32, #tpu.memory_space<hbm>>
    %dma_wait3A_259 = arith.constant 64 : i32
    %dma_wait3A_260 = arith.constant 0 : i32
    %dma_wait3A_261 = tpu.memref_slice %arg9[%dma_wait3A_259, %dma_wait3A_260] : memref<128x129xf32, #tpu.memory_space<vmem>> -> memref<8x128xf32, #tpu.memory_space<vmem>>
    tpu.wait_dma2 semaphore(%arg14 : memref<!tpu.dma_semaphore, #tpu.memory_space<semaphore_mem>>) src(%dma_wait3A_261 : memref<8x128xf32, #tpu.memory_space<vmem>>) dst(%dma_wait3A_258 : memref<8x128xf32, #tpu.memory_space<hbm>>)
    %dma_wait3A_262 = arith.constant 72 : i32
    %dma_wait3A_263 = arith.constant 0 : i32
    %dma_wait3A_264 = tpu.memref_slice %arg9[%dma_wait3A_262, %dma_wait3A_263] : memref<128x129xf32, #tpu.memory_space<vmem>> -> memref<8x128xf32, #tpu.memory_space<vmem>>
    %dma_wait3A_265 = arith.constant 0 : i32
    %dma_wait3A_266 = arith.constant 0 : i32
    %dma_wait3A_267 = tpu.memref_slice %arg5[%add3A_235, %dma_wait3A_265, %dma_wait3A_266] : memref<51200x8x128xf32, #tpu.memory_space<hbm>> -> memref<1x8x128xf32, #tpu.memory_space<hbm>>
    %dma_wait3A_268 = tpu.memref_squeeze %dma_wait3A_267 : memref<1x8x128xf32, #tpu.memory_space<hbm>> -> memref<8x128xf32, #tpu.memory_space<hbm>>
    %dma_wait3A_269 = arith.constant 0 : i32
    %dma_wait3A_270 = arith.constant 0 : i32
    %dma_wait3A_271 = tpu.memref_slice %arg5[%add3A_235, %dma_wait3A_269, %dma_wait3A_270] : memref<51200x8x128xf32, #tpu.memory_space<hbm>> -> memref<1x8x128xf32, #tpu.memory_space<hbm>>
    %dma_wait3A_272 = tpu.memref_squeeze %dma_wait3A_271 : memref<1x8x128xf32, #tpu.memory_space<hbm>> -> memref<8x128xf32, #tpu.memory_space<hbm>>
    %dma_wait3A_273 = arith.constant 72 : i32
    %dma_wait3A_274 = arith.constant 0 : i32
    %dma_wait3A_275 = tpu.memref_slice %arg9[%dma_wait3A_273, %dma_wait3A_274] : memref<128x129xf32, #tpu.memory_space<vmem>> -> memref<8x128xf32, #tpu.memory_space<vmem>>
    tpu.wait_dma2 semaphore(%arg14 : memref<!tpu.dma_semaphore, #tpu.memory_space<semaphore_mem>>) src(%dma_wait3A_275 : memref<8x128xf32, #tpu.memory_space<vmem>>) dst(%dma_wait3A_272 : memref<8x128xf32, #tpu.memory_space<hbm>>)
    %dma_wait3A_276 = arith.constant 80 : i32
    %dma_wait3A_277 = arith.constant 0 : i32
    %dma_wait3A_278 = tpu.memref_slice %arg9[%dma_wait3A_276, %dma_wait3A_277] : memref<128x129xf32, #tpu.memory_space<vmem>> -> memref<8x128xf32, #tpu.memory_space<vmem>>
    %dma_wait3A_279 = arith.constant 0 : i32
    %dma_wait3A_280 = arith.constant 0 : i32
    %dma_wait3A_281 = tpu.memref_slice %arg5[%add3A_237, %dma_wait3A_279, %dma_wait3A_280] : memref<51200x8x128xf32, #tpu.memory_space<hbm>> -> memref<1x8x128xf32, #tpu.memory_space<hbm>>
    %dma_wait3A_282 = tpu.memref_squeeze %dma_wait3A_281 : memref<1x8x128xf32, #tpu.memory_space<hbm>> -> memref<8x128xf32, #tpu.memory_space<hbm>>
    %dma_wait3A_283 = arith.constant 0 : i32
    %dma_wait3A_284 = arith.constant 0 : i32
    %dma_wait3A_285 = tpu.memref_slice %arg5[%add3A_237, %dma_wait3A_283, %dma_wait3A_284] : memref<51200x8x128xf32, #tpu.memory_space<hbm>> -> memref<1x8x128xf32, #tpu.memory_space<hbm>>
    %dma_wait3A_286 = tpu.memref_squeeze %dma_wait3A_285 : memref<1x8x128xf32, #tpu.memory_space<hbm>> -> memref<8x128xf32, #tpu.memory_space<hbm>>
    %dma_wait3A_287 = arith.constant 80 : i32
    %dma_wait3A_288 = arith.constant 0 : i32
    %dma_wait3A_289 = tpu.memref_slice %arg9[%dma_wait3A_287, %dma_wait3A_288] : memref<128x129xf32, #tpu.memory_space<vmem>> -> memref<8x128xf32, #tpu.memory_space<vmem>>
    tpu.wait_dma2 semaphore(%arg14 : memref<!tpu.dma_semaphore, #tpu.memory_space<semaphore_mem>>) src(%dma_wait3A_289 : memref<8x128xf32, #tpu.memory_space<vmem>>) dst(%dma_wait3A_286 : memref<8x128xf32, #tpu.memory_space<hbm>>)
    %dma_wait3A_290 = arith.constant 88 : i32
    %dma_wait3A_291 = arith.constant 0 : i32
    %dma_wait3A_292 = tpu.memref_slice %arg9[%dma_wait3A_290, %dma_wait3A_291] : memref<128x129xf32, #tpu.memory_space<vmem>> -> memref<8x128xf32, #tpu.memory_space<vmem>>
    %dma_wait3A_293 = arith.constant 0 : i32
    %dma_wait3A_294 = arith.constant 0 : i32
    %dma_wait3A_295 = tpu.memref_slice %arg5[%add3A_239, %dma_wait3A_293, %dma_wait3A_294] : memref<51200x8x128xf32, #tpu.memory_space<hbm>> -> memref<1x8x128xf32, #tpu.memory_space<hbm>>
    %dma_wait3A_296 = tpu.memref_squeeze %dma_wait3A_295 : memref<1x8x128xf32, #tpu.memory_space<hbm>> -> memref<8x128xf32, #tpu.memory_space<hbm>>
    %dma_wait3A_297 = arith.constant 0 : i32
    %dma_wait3A_298 = arith.constant 0 : i32
    %dma_wait3A_299 = tpu.memref_slice %arg5[%add3A_239, %dma_wait3A_297, %dma_wait3A_298] : memref<51200x8x128xf32, #tpu.memory_space<hbm>> -> memref<1x8x128xf32, #tpu.memory_space<hbm>>
    %dma_wait3A_300 = tpu.memref_squeeze %dma_wait3A_299 : memref<1x8x128xf32, #tpu.memory_space<hbm>> -> memref<8x128xf32, #tpu.memory_space<hbm>>
    %dma_wait3A_301 = arith.constant 88 : i32
    %dma_wait3A_302 = arith.constant 0 : i32
    %dma_wait3A_303 = tpu.memref_slice %arg9[%dma_wait3A_301, %dma_wait3A_302] : memref<128x129xf32, #tpu.memory_space<vmem>> -> memref<8x128xf32, #tpu.memory_space<vmem>>
    tpu.wait_dma2 semaphore(%arg14 : memref<!tpu.dma_semaphore, #tpu.memory_space<semaphore_mem>>) src(%dma_wait3A_303 : memref<8x128xf32, #tpu.memory_space<vmem>>) dst(%dma_wait3A_300 : memref<8x128xf32, #tpu.memory_space<hbm>>)
    %dma_wait3A_304 = arith.constant 96 : i32
    %dma_wait3A_305 = arith.constant 0 : i32
    %dma_wait3A_306 = tpu.memref_slice %arg9[%dma_wait3A_304, %dma_wait3A_305] : memref<128x129xf32, #tpu.memory_space<vmem>> -> memref<8x128xf32, #tpu.memory_space<vmem>>
    %dma_wait3A_307 = arith.constant 0 : i32
    %dma_wait3A_308 = arith.constant 0 : i32
    %dma_wait3A_309 = tpu.memref_slice %arg5[%add3A_241, %dma_wait3A_307, %dma_wait3A_308] : memref<51200x8x128xf32, #tpu.memory_space<hbm>> -> memref<1x8x128xf32, #tpu.memory_space<hbm>>
    %dma_wait3A_310 = tpu.memref_squeeze %dma_wait3A_309 : memref<1x8x128xf32, #tpu.memory_space<hbm>> -> memref<8x128xf32, #tpu.memory_space<hbm>>
    %dma_wait3A_311 = arith.constant 0 : i32
    %dma_wait3A_312 = arith.constant 0 : i32
    %dma_wait3A_313 = tpu.memref_slice %arg5[%add3A_241, %dma_wait3A_311, %dma_wait3A_312] : memref<51200x8x128xf32, #tpu.memory_space<hbm>> -> memref<1x8x128xf32, #tpu.memory_space<hbm>>
    %dma_wait3A_314 = tpu.memref_squeeze %dma_wait3A_313 : memref<1x8x128xf32, #tpu.memory_space<hbm>> -> memref<8x128xf32, #tpu.memory_space<hbm>>
    %dma_wait3A_315 = arith.constant 96 : i32
    %dma_wait3A_316 = arith.constant 0 : i32
    %dma_wait3A_317 = tpu.memref_slice %arg9[%dma_wait3A_315, %dma_wait3A_316] : memref<128x129xf32, #tpu.memory_space<vmem>> -> memref<8x128xf32, #tpu.memory_space<vmem>>
    tpu.wait_dma2 semaphore(%arg14 : memref<!tpu.dma_semaphore, #tpu.memory_space<semaphore_mem>>) src(%dma_wait3A_317 : memref<8x128xf32, #tpu.memory_space<vmem>>) dst(%dma_wait3A_314 : memref<8x128xf32, #tpu.memory_space<hbm>>)
    %dma_wait3A_318 = arith.constant 104 : i32
    %dma_wait3A_319 = arith.constant 0 : i32
    %dma_wait3A_320 = tpu.memref_slice %arg9[%dma_wait3A_318, %dma_wait3A_319] : memref<128x129xf32, #tpu.memory_space<vmem>> -> memref<8x128xf32, #tpu.memory_space<vmem>>
    %dma_wait3A_321 = arith.constant 0 : i32
    %dma_wait3A_322 = arith.constant 0 : i32
    %dma_wait3A_323 = tpu.memref_slice %arg5[%add3A_243, %dma_wait3A_321, %dma_wait3A_322] : memref<51200x8x128xf32, #tpu.memory_space<hbm>> -> memref<1x8x128xf32, #tpu.memory_space<hbm>>
    %dma_wait3A_324 = tpu.memref_squeeze %dma_wait3A_323 : memref<1x8x128xf32, #tpu.memory_space<hbm>> -> memref<8x128xf32, #tpu.memory_space<hbm>>
    %dma_wait3A_325 = arith.constant 0 : i32
    %dma_wait3A_326 = arith.constant 0 : i32
    %dma_wait3A_327 = tpu.memref_slice %arg5[%add3A_243, %dma_wait3A_325, %dma_wait3A_326] : memref<51200x8x128xf32, #tpu.memory_space<hbm>> -> memref<1x8x128xf32, #tpu.memory_space<hbm>>
    %dma_wait3A_328 = tpu.memref_squeeze %dma_wait3A_327 : memref<1x8x128xf32, #tpu.memory_space<hbm>> -> memref<8x128xf32, #tpu.memory_space<hbm>>
    %dma_wait3A_329 = arith.constant 104 : i32
    %dma_wait3A_330 = arith.constant 0 : i32
    %dma_wait3A_331 = tpu.memref_slice %arg9[%dma_wait3A_329, %dma_wait3A_330] : memref<128x129xf32, #tpu.memory_space<vmem>> -> memref<8x128xf32, #tpu.memory_space<vmem>>
    tpu.wait_dma2 semaphore(%arg14 : memref<!tpu.dma_semaphore, #tpu.memory_space<semaphore_mem>>) src(%dma_wait3A_331 : memref<8x128xf32, #tpu.memory_space<vmem>>) dst(%dma_wait3A_328 : memref<8x128xf32, #tpu.memory_space<hbm>>)
    %dma_wait3A_332 = arith.constant 112 : i32
    %dma_wait3A_333 = arith.constant 0 : i32
    %dma_wait3A_334 = tpu.memref_slice %arg9[%dma_wait3A_332, %dma_wait3A_333] : memref<128x129xf32, #tpu.memory_space<vmem>> -> memref<8x128xf32, #tpu.memory_space<vmem>>
    %dma_wait3A_335 = arith.constant 0 : i32
    %dma_wait3A_336 = arith.constant 0 : i32
    %dma_wait3A_337 = tpu.memref_slice %arg5[%add3A_245, %dma_wait3A_335, %dma_wait3A_336] : memref<51200x8x128xf32, #tpu.memory_space<hbm>> -> memref<1x8x128xf32, #tpu.memory_space<hbm>>
    %dma_wait3A_338 = tpu.memref_squeeze %dma_wait3A_337 : memref<1x8x128xf32, #tpu.memory_space<hbm>> -> memref<8x128xf32, #tpu.memory_space<hbm>>
    %dma_wait3A_339 = arith.constant 0 : i32
    %dma_wait3A_340 = arith.constant 0 : i32
    %dma_wait3A_341 = tpu.memref_slice %arg5[%add3A_245, %dma_wait3A_339, %dma_wait3A_340] : memref<51200x8x128xf32, #tpu.memory_space<hbm>> -> memref<1x8x128xf32, #tpu.memory_space<hbm>>
    %dma_wait3A_342 = tpu.memref_squeeze %dma_wait3A_341 : memref<1x8x128xf32, #tpu.memory_space<hbm>> -> memref<8x128xf32, #tpu.memory_space<hbm>>
    %dma_wait3A_343 = arith.constant 112 : i32
    %dma_wait3A_344 = arith.constant 0 : i32
    %dma_wait3A_345 = tpu.memref_slice %arg9[%dma_wait3A_343, %dma_wait3A_344] : memref<128x129xf32, #tpu.memory_space<vmem>> -> memref<8x128xf32, #tpu.memory_space<vmem>>
    tpu.wait_dma2 semaphore(%arg14 : memref<!tpu.dma_semaphore, #tpu.memory_space<semaphore_mem>>) src(%dma_wait3A_345 : memref<8x128xf32, #tpu.memory_space<vmem>>) dst(%dma_wait3A_342 : memref<8x128xf32, #tpu.memory_space<hbm>>)
    %dma_wait3A_346 = arith.constant 120 : i32
    %dma_wait3A_347 = arith.constant 0 : i32
    %dma_wait3A_348 = tpu.memref_slice %arg9[%dma_wait3A_346, %dma_wait3A_347] : memref<128x129xf32, #tpu.memory_space<vmem>> -> memref<8x128xf32, #tpu.memory_space<vmem>>
    %dma_wait3A_349 = arith.constant 0 : i32
    %dma_wait3A_350 = arith.constant 0 : i32
    %dma_wait3A_351 = tpu.memref_slice %arg5[%add3A_247, %dma_wait3A_349, %dma_wait3A_350] : memref<51200x8x128xf32, #tpu.memory_space<hbm>> -> memref<1x8x128xf32, #tpu.memory_space<hbm>>
    %dma_wait3A_352 = tpu.memref_squeeze %dma_wait3A_351 : memref<1x8x128xf32, #tpu.memory_space<hbm>> -> memref<8x128xf32, #tpu.memory_space<hbm>>
    %dma_wait3A_353 = arith.constant 0 : i32
    %dma_wait3A_354 = arith.constant 0 : i32
    %dma_wait3A_355 = tpu.memref_slice %arg5[%add3A_247, %dma_wait3A_353, %dma_wait3A_354] : memref<51200x8x128xf32, #tpu.memory_space<hbm>> -> memref<1x8x128xf32, #tpu.memory_space<hbm>>
    %dma_wait3A_356 = tpu.memref_squeeze %dma_wait3A_355 : memref<1x8x128xf32, #tpu.memory_space<hbm>> -> memref<8x128xf32, #tpu.memory_space<hbm>>
    %dma_wait3A_357 = arith.constant 120 : i32
    %dma_wait3A_358 = arith.constant 0 : i32
    %dma_wait3A_359 = tpu.memref_slice %arg9[%dma_wait3A_357, %dma_wait3A_358] : memref<128x129xf32, #tpu.memory_space<vmem>> -> memref<8x128xf32, #tpu.memory_space<vmem>>
    tpu.wait_dma2 semaphore(%arg14 : memref<!tpu.dma_semaphore, #tpu.memory_space<semaphore_mem>>) src(%dma_wait3A_359 : memref<8x128xf32, #tpu.memory_space<vmem>>) dst(%dma_wait3A_356 : memref<8x128xf32, #tpu.memory_space<hbm>>)
    return
  }
}

</mosaic_0001>

<sc_bundles>
// kernel: kernel.3.cloned.1.call-start
scs
__scs_entry_jumppad:
0x0: {  	(pc) =	sbr.rel $0x88, $3  }
0x1: {  	(tag) =	ssettag $0x0;
	lr =	simm.s32 $0x1  }
0x2: {  	[smem:$0x3F9E] =	sst lr;
	_ =	strace $0xD0000000  }
0x3: {  	_ = 	snop  }
0x4: {  	_ = 	snop  }
0x5: {  	_ = 	snop  }
0x6: {  	_ = 	snop  }
0x7: {  	_ = 	snop  }
__scs_overlays_trampoline_lowered:
0x8: {  	[smem:$0x3FAD] =	sst s0  }
0x9: {  	[smem:$0x3FAE] =	sst s1  }
0xa: {  	[smem:$0x3FAF] =	sst s2  }
0xb: {  	[smem:$0x3FB0] =	sst s3  }
0xc: {  	[smem:$0x3FB1] =	sst s4  }
0xd: {  	[smem:$0x3FB2] =	sst s5  }
0xe: {  	[smem:$0x3FB3] =	sst s6  }
0xf: {  	[smem:$0x3FB4] =	sst s7  }
0x10: {  	[smem:$0x3FB5] =	sst s8  }
0x11: {  	[smem:$0x3FB6] =	sst s9;
	s0 =	simm.s32 @!p0 $0x0  }
0x12: {  	s1 =	sld [smem:$0x3F9C];
	s0 =	simm.s32 @p0 $0x1  }
0x13: {  	[smem:$0x3FB7] =	sst s0;
	s0 =	simm.s32 @!p1 $0x0  }
0x14: {  	s2 =	sld [smem:$0x3F9B];
	s0 =	simm.s32 @p1 $0x1  }
0x15: {  	[smem:$0x3FB8] =	sst s0;
	s0 =	simm.s32 @!p2 $0x0  }
0x16: {  	s3 =	sld [smem:$0x3FDB];
	s0 =	simm.s32 @p2 $0x1  }
0x17: {  	s4 =	simm.s32 $0x1BF5;
	[smem:$0x3FBA] =	sst s0  }
0x18: {  	s0 =	sld [smem:$0x3F9D];
	_ =	swait.ge [sflag:s4], $0x0  }
0x19: {  	s7 =	sld [smem:$0x3F9E]  }
0x1a: {  	s8 =	sadd.s32 $0xFFFFE003, lr  }
0x1b: {  	s9 =	sadd.s32 $0xFFFFFEF7, lr;
	s5 =	simm.s32 $0xFFFFFFFF;
	p2 =	slt.u32 s8, $0xFFFFF086  }
0x1c: {  	p1 =	slt.u32 s9, $0xF7A;
	s5 =	simm.s32 @!p2 $0x0  }
0x1d: {  	s5 =	simm.s32 @p1 $0x1;
	p0 =	seq.s32 s7, s2  }
0x1e: {  	s7 =	smul.u32 @!p0 $0xF7A, s2;
	p2 =	seq.s32 @!p0 s5, $0x0  }
0x1f: {  	s9 =	smul.u32 $0xF7A, s1;
	s8 =	simm.s32 @!p0 $0x1BF5;
	p2 =	por !p2, p0  }
0x20: {  	[sflag:s8] =	ssyncset.s32 @!p0 $0xFFFFF086;
	s6 =	sadd.s32 @!p0 s3, s7;
	s7 =	simm.s32 @!p0 $0x108  }
0x21: {  	s3 =	sadd.s32 s3, s9;
	s6 =	sadd.s32 @!p0 $0x88, s6;
	s7 =	simm.s32 @p2 $0x1082  }
0x22: {  	[simem:s7], [sflag:s8] =	dma.local @!p0 [hbm:s6], $0xF7A  }
0x23: {  	s9 =	sor.u32 $0xD0000000, s2;
	s6 =	simm.s32 $0x108;
	_ =	swait.ge @!p0 [sflag:s8], $0x0  }
0x24: {  	s3 =	sadd.s32 $0x88, s3;
	s6 =	simm.s32 @!p1 $0x1082;
	[sflag:s4] =	ssyncset.s32 $0xFFFFF086  }
0x25: {  	[simem:s6], [sflag:s4] =	dma.local [hbm:s3], $0xF7A  }
0x26: {  	[smem:$0x3F9E] =	sst s1;
	(tag) =	ssettag s2;
	_ =	strace s9  }
0x27: {  	s1 =	sld [smem:$0x3FAE]  }
0x28: {  	s2 =	sld [smem:$0x3FAF]  }
0x29: {  	s4 =	sld [smem:$0x3FB1]  }
0x2a: {  	p0 =	seq.s32 s5, $0x0;
	s5 =	sld [smem:$0x3FB2]  }
0x2b: {  	s6 =	sld [smem:$0x3FB3]  }
0x2c: {  	s7 =	sld [smem:$0x3FB4]  }
0x2d: {  	s3 =	simm.s32 $0x108;
	s8 =	sld [smem:$0x3FB5]  }
0x2e: {  	s3 =	simm.s32 @!p0 $0x1082;
	s9 =	sld [smem:$0x3FB6]  }
0x2f: {  	lr =	sadd.s32 s0, s3;
	s0 =	sld [smem:$0x3FAD]  }
0x30: {  	s3 =	sld [smem:$0x3FB0]  }
0x31: {  	[smem:$0x3FB9] =	sst s10  }
0x32: {  	s10 =	sld [smem:$0x3FB7];
	_ =	sdelay $0x3  }
0x33: {  	p0 =	seq.s32 s10, $0x1;
	s10 =	sld [smem:$0x3FB9];
	_ =	sdelay $0x3  }
0x34: {  	[smem:$0x3FB9] =	sst s10  }
0x35: {  	s10 =	sld [smem:$0x3FB8];
	_ =	sdelay $0x3  }
0x36: {  	p1 =	seq.s32 s10, $0x1;
	s10 =	sld [smem:$0x3FB9];
	_ =	sdelay $0x3  }
0x37: {  	[smem:$0x3FB9] =	sst s10  }
0x38: {  	s10 =	sld [smem:$0x3FBA]  }
0x39: {  	_ = 	snop;
	(pc) =	sbr.ind lr, $3  }
0x3a: {  	_ = 	snop  }
0x3b: {  	_ = 	snop  }
0x3c: {  	p2 =	seq.s32 s10, $0x1;
	s10 =	sld [smem:$0x3FB9]  }
0x3d: {  	_ =	shalt  }
0x3e: {  	_ =	shalt  }
0x3f: {  	_ =	shalt  }
0x40: {  	_ =	shalt  }
0x41: {  	_ =	shalt  }
0x42: {  	_ =	shalt  }
0x43: {  	_ =	shalt  }
0x44: {  	_ =	shalt  }
0x45: {  	_ =	shalt  }
0x46: {  	_ =	shalt  }
0x47: {  	_ =	shalt  }
0x48: {  	_ =	shalt  }
0x49: {  	_ =	shalt  }
0x4a: {  	_ =	shalt  }
0x4b: {  	_ =	shalt  }
0x4c: {  	_ =	shalt  }
0x4d: {  	_ =	shalt  }
0x4e: {  	_ =	shalt  }
0x4f: {  	_ =	shalt  }
0x50: {  	_ =	shalt  }
0x51: {  	_ =	shalt  }
0x52: {  	_ =	shalt  }
0x53: {  	_ =	shalt  }
0x54: {  	_ =	shalt  }
0x55: {  	_ =	shalt  }
0x56: {  	_ =	shalt  }
0x57: {  	_ =	shalt  }
0x58: {  	_ =	shalt  }
0x59: {  	_ =	shalt  }
0x5a: {  	_ =	shalt  }
0x5b: {  	_ =	shalt  }
0x5c: {  	_ =	shalt  }
0x5d: {  	_ =	shalt  }
0x5e: {  	_ =	shalt  }
0x5f: {  	_ =	shalt  }
0x60: {  	_ =	shalt  }
0x61: {  	_ =	shalt  }
0x62: {  	_ =	shalt  }
0x63: {  	_ =	shalt  }
0x64: {  	_ =	shalt  }
0x65: {  	_ =	shalt  }
0x66: {  	_ =	shalt  }
0x67: {  	_ =	shalt  }
0x68: {  	_ =	shalt  }
0x69: {  	_ =	shalt  }
0x6a: {  	_ =	shalt  }
0x6b: {  	_ =	shalt  }
0x6c: {  	_ =	shalt  }
0x6d: {  	_ =	shalt  }
0x6e: {  	_ =	shalt  }
0x6f: {  	_ =	shalt  }
0x70: {  	_ =	shalt  }
0x71: {  	_ =	shalt  }
0x72: {  	_ =	shalt  }
0x73: {  	_ =	shalt  }
0x74: {  	_ =	shalt  }
0x75: {  	_ =	shalt  }
0x76: {  	_ =	shalt  }
0x77: {  	_ =	shalt  }
0x78: {  	_ =	shalt  }
0x79: {  	_ =	shalt  }
0x7a: {  	_ =	shalt  }
0x7b: {  	_ =	shalt  }
0x7c: {  	_ =	shalt  }
0x7d: {  	_ =	shalt  }
0x7e: {  	_ =	shalt  }
0x7f: {  	_ =	shalt  }
0x80: {  	_ =	shalt  }
0x81: {  	_ =	shalt  }
0x82: {  	_ =	shalt  }
0x83: {  	_ =	shalt  }
0x84: {  	_ =	shalt  }
0x85: {  	_ =	shalt  }
0x86: {  	_ =	shalt  }
0x87: {  	_ =	shalt  }
.Lfunc_end0:
.L_simem_size_0:
called_computation_lowered:
.L_overlay_start_0:
0x88: {  	s2 =	sld [smem:$0x3FD9]  }
0x89: {  	s3 =	sld [smem:$0x3FFE];
	_ =	sdelay $0x1  }
0x8a: {  	s1 =	srdreg.scid  }
0x8b: {  	s0 =	sand.u32 $0x1, s1  }
0x8c: {  	s17 =	sshll.u32 s0, $0xA;
	s2 =	sadd.s32 s3, s2  }
0x8d: {  	s2 =	sadd.s32 s2, s17  }
0x8e: {  	[smem:$0x3FC5] =	sst s2  }
0x8f: {  	_ = 	snop  }
0x90: {  	s2 =	sld [smem:$0x3FD0];
	(tm) =	ssettm $0x1  }
0x91: {  	s18 =	sld [smem:$0x3FFB];
	_ =	sdelay $0x3  }
0x92: {  	_ =	strace s18  }
0x93: {  	s3 =	sld [smem:$0x3FFC];
	_ =	sdelay $0x3  }
0x94: {  	_ =	strace s3  }
0x95: {  	s3 =	sld [smem:$0x3FFD];
	_ =	sdelay $0x3  }
0x96: {  	_ =	strace s3  }
0x97: {  	_ =	strace $0x8FFFFFFF  }
0x98: {  	s19 =	sld [smem:$0x3FDB];
	_ =	sdelay $0x1  }
0x99: {  	s4 =	simm.s32 $_scs_section_size  }
0x9a: {  	s5 =	simm.s32 $_size__tile_overlayer_lowered;
	s6 =	simm.s32 $_tile_overlayer_lowered  }
0x9b: {  	s22 =	simm.s32 $0x1BFF;
	s21 =	sshll.u32 s6, $0x1;
	s3 =	sadd.s32 s4, s19  }
0x9c: {  	s7 =	simm.s32 $0x0;
	s20 =	sshll.u32 s5, $0x1;
	s5 =	sadd.s32 s21, s3  }
0x9d: {  	[timem:s7], [sflag:s22] =	dma.local [hbm:s5], s20  }
0x9e: {  	_ =	swait.ge [sflag:s22], s20  }
0x9f: {  	s4 =	ssub.s32 $0x0, s20;
	[sflag:s22] =	ssyncset.done $0x0  }
0xa0: {  	[sflag:s22] =	ssyncadd.s32 s4;
	_ =	sdelay $0x1  }
0xa1: {  	s23 =	simm.s32 $0x1B8B  }
0xa2: {  	_ =	swait.ge [sflag:s23], $0x1  }
0xa3: {  	[sflag:s23] =	ssyncset.done $0x0  }
0xa4: {  	s25 =	simm.s32 $0x1B8E;
	s24 =	sld [smem:$0x3FFE];
	[sflag:s23] =	ssyncadd.s32 $0xFFFFFFFF  }
0xa5: {  	s26 =	simm.s32 $execute0_lowered;
	[smem:$0x3FD2] =	sst s25  }
0xa6: {  	s5 =	sshll.u32 s26, $0x1;
	_ =	strace $0x80000046;
	[dreg:$0x1] =	wrdreg $0xFFFFFFFF  }
0xa7: {  	s28 =	simm.s32 $_size_execute0_lowered;
	s3 =	sadd.s32 s3, s5;
	[dreg:$0x0] =	wrdreg $0x0  }
0xa8: {  	s5 =	sshll.u32 s28, $0x1;
	[dreg:$0x2] =	wrdreg s3  }
0xa9: {  	[dreg:$0x3] =	wrdreg s5  }
0xaa: {  	[dreg:$0x4] =	wrdreg $0xC0  }
0xab: {  	_ =	task [dreg:s7], $0x5FFFF  }
0xac: {  	[dreg:$0x1] =	wrdreg $0xFFFFFFFF  }
0xad: {  	[dreg:$0x0] =	wrdreg $0x60  }
0xae: {  	[dreg:$0x2] =	wrdreg s24  }
0xaf: {  	[dreg:$0x3] =	wrdreg s2  }
0xb0: {  	[dreg:$0x4] =	wrdreg $0x9  }
0xb1: {  	_ =	task.clear_ibuf [dreg:s7], $0x5FFFF;
	_ =	strace $0x90000046  }
0xb2: {  	s29 =	simm.s32 $0x9;
	_ =	strace $0x80000048  }
0xb3: {  	_ =	swait.ge [sflag:s29], $0x1  }
0xb4: {  	[sflag:s29] =	ssyncadd.s32 $0xFFFFFFFF  }
0xb5: {  	_ =	strace $0x90000048  }
0xb6: {  	_ =	sfence  }
0xb7: {  	s30 =	sld [smem:$0x0];
	_ =	sdelay $0x2  }
0xb8: {  	s31 =	sshll.u32 s1, $0xD;
	s1 =	sshrl.u32 s1, $0x2  }
0xb9: {  	s3 =	sand.u32 $0x4000, s31;
	s1 =	sadd.s32 s1, s30  }
0xba: {  	s0 =	sor.u32 s3, s0;
	s1 =	sshll.u32 s1, $0x11  }
0xbb: {  	s0 =	sor.u32 s1, s0  }
0xbc: {  	s0 =	sadd.s32 $0x8F2B, s0  }
0xbd: {  	[sflag:s0] =	ssyncadd.remote.s32 $0x1  }
0xbe: {  	_ =	sfence.sel $0xFFFF  }
0xbf: {  	[dreg:$0x0] =	wrdreg $0xFFFFFFFF;
	(pc) =	sbr.abs _section_cstart, $3  }
0xc0: {  	[dreg:$0x1] =	wrdreg $0xFFFFFFFF  }
0xc1: {  	_ =	task.clear_ibuf [dreg:s7], $0x2FFFF;
	_ =	strace $0x9FFFFFFF  }
0xc2: {  	(tm) =	ssettm $0x7FFFFFFF  }
0xc3: {  	_ =	shalt  }
tec
execute0_lowered:
.L_overlay_start_1:
0x0: {  	(tag) =	ssettag $0x1  }
0x1: {  	s0 =	rddreg [dreg:$0x0];
	s1 =	srdreg.scid  }
0x2: {  	s3 =	stileid.u32;
	s2 =	rddreg [dreg:$0x1]  }
0x3: {  	s16 =	simm.s32 $0xE880;
	s17 =	simm.s32 $0x80;
	s22 =	simm.s32 $0x1  }
0x4: {  	s23 =	simm.s32 $0xA480;
	s21 =	simm.s32 $0x2;
	s24 =	simm.s32 $0xE770  }
0x5: {  	s25 =	simm.s32 $0xE7F8;
	s26 =	simm.s32 $0x4;
	s1 =	sand.u32 $0x1, s1  }
0x6: {  	s4 =	sshll.u32 s3, $0x1;
	s3 =	simm.s32 $0x0;
	s8 =	sadd.s32 $0x1000, s2  }
0x7: {  	s9 =	sadd.s32 $0x2000, s2;
	s10 =	sadd.s32 $0x3000, s2;
	s11 =	sadd.s32 $0x4000, s2  }
0x8: {  	v1 =	vlaneseq.u32;
	s12 =	sadd.s32 $0x5000, s2;
	s13 =	sadd.s32 $0x6000, s2;
	s5 =	sor.u32 s1, s4  }
0x9: {  	v0 =	vmul.u32 $0x191, v1;
	[smem:$0x7FF] =	sst s3;
	s1 =	ssub.s32 $0x2, s1;
	s4 =	sshll.u32 s5, $0x4  }
.Ltmp0:
0xa: {  	v1 =	vmul.u32 $0x88, v1;
	_ =	strace $0x80000047;
	s30 =	sshrl.u32 s1, $0x1;
	(pc) =	sbr.rel .LBB2_1-.Ltmp0, $4  }
0xb: {  	v2 =	vimm.s32 $0x0;
	v3 =	vadd.s32 $0x1910, v0;
	s6 =	sadd.s32 s4, s0;
	s4 =	sadd.s32 $0xF42C00, s0;
	s0 =	sadd.s32 $0x19800, s0  }
0xc: {  	v4 =	vadd.s32 $0x880, v1;
	v5 =	vadd.s32 $0x3220, v0;
	v6 =	vadd.s32 $0x1100, v1;
	[dreg:$0x3] =	wrdreg s0;
	s0 =	ssub.s32 s1, s30;
	s31 =	sadd.s32 $0x800, s6  }
0xd: {  	s14 =	sadd.s32 $0x7000, s2;
	v7 =	vadd.s32 $0x4B30, v0;
	v8 =	vadd.s32 $0x1980, v1;
	v9 =	vadd.s32 $0x2200, v1;
	[dreg:$0x4] =	wrdreg s31;
	s0 =	smax.u32 s0, $0x1  }
0xe: {  	s7 =	sshll.u32 s5, $0x7;
	v10 =	vadd.s32 $0x2A80, v1;
	v11 =	vadd.s32 $0x3300, v1;
	v12 =	vadd.s32 $0x3B80, v1;
	s1 =	simm.s32 $0x0;
	[dreg:$0x5] =	wrdreg s0  }
.LBB2_30:
0xf: {  	s0 =	simm.s32 $0x3  }
0x10: {  	_ =	swait.ge [sflag:s0], $0x400  }
0x11: {  	[sflag:s0] =	ssyncset.done $0x0  }
0x12: {  	[sflag:s0] =	ssyncadd.s32 $0xFFFFFC00  }
0x13: {  	_ =	swait.ge [sflag:s0], $0x400  }
0x14: {  	[sflag:s0] =	ssyncset.done $0x0  }
0x15: {  	[sflag:s0] =	ssyncadd.s32 $0xFFFFFC00  }
0x16: {  	_ =	swait.ge [sflag:s0], $0x400  }
0x17: {  	[sflag:s0] =	ssyncset.done $0x0  }
0x18: {  	[sflag:s0] =	ssyncadd.s32 $0xFFFFFC00  }
0x19: {  	_ =	swait.ge [sflag:s0], $0x400  }
0x1a: {  	[sflag:s0] =	ssyncset.done $0x0  }
0x1b: {  	[sflag:s0] =	ssyncadd.s32 $0xFFFFFC00  }
0x1c: {  	_ =	swait.ge [sflag:s0], $0x400  }
0x1d: {  	[sflag:s0] =	ssyncset.done $0x0  }
0x1e: {  	[sflag:s0] =	ssyncadd.s32 $0xFFFFFC00  }
0x1f: {  	_ =	swait.ge [sflag:s0], $0x400  }
0x20: {  	[sflag:s0] =	ssyncset.done $0x0  }
0x21: {  	[sflag:s0] =	ssyncadd.s32 $0xFFFFFC00  }
0x22: {  	_ =	swait.ge [sflag:s0], $0x400  }
0x23: {  	[sflag:s0] =	ssyncset.done $0x0  }
0x24: {  	[sflag:s0] =	ssyncadd.s32 $0xFFFFFC00  }
0x25: {  	_ =	swait.ge [sflag:s0], $0x400  }
0x26: {  	[sflag:s0] =	ssyncset.done $0x0  }
0x27: {  	[sflag:s0] =	ssyncadd.s32 $0xFFFFFC00  }
0x28: {  	_ =	swait.ge [sflag:s26], $0x400  }
0x29: {  	[sflag:s26] =	ssyncset.done $0x0  }
0x2a: {  	[sflag:s26] =	ssyncadd.s32 $0xFFFFFC00  }
0x2b: {  	_ =	swait.ge [sflag:s26], $0x400  }
0x2c: {  	[sflag:s26] =	ssyncset.done $0x0  }
0x2d: {  	[sflag:s26] =	ssyncadd.s32 $0xFFFFFC00  }
0x2e: {  	_ =	swait.ge [sflag:s26], $0x400  }
0x2f: {  	[sflag:s26] =	ssyncset.done $0x0  }
0x30: {  	[sflag:s26] =	ssyncadd.s32 $0xFFFFFC00  }
0x31: {  	_ =	swait.ge [sflag:s26], $0x400  }
0x32: {  	[sflag:s26] =	ssyncset.done $0x0  }
0x33: {  	[sflag:s26] =	ssyncadd.s32 $0xFFFFFC00  }
0x34: {  	_ =	swait.ge [sflag:s26], $0x400  }
0x35: {  	[sflag:s26] =	ssyncset.done $0x0  }
0x36: {  	[sflag:s26] =	ssyncadd.s32 $0xFFFFFC00  }
0x37: {  	_ =	swait.ge [sflag:s26], $0x400  }
0x38: {  	[sflag:s26] =	ssyncset.done $0x0  }
0x39: {  	[sflag:s26] =	ssyncadd.s32 $0xFFFFFC00  }
0x3a: {  	_ =	swait.ge [sflag:s26], $0x400  }
0x3b: {  	[sflag:s26] =	ssyncset.done $0x0  }
0x3c: {  	[sflag:s26] =	ssyncadd.s32 $0xFFFFFC00  }
0x3d: {  	_ =	swait.ge [sflag:s26], $0x400  }
0x3e: {  	s1 =	rddreg [dreg:$0x6]  }
0x3f: {  	s31 =	rddreg [dreg:$0x5];
	s1 =	sadd.s32 $0x1, s1  }
0x40: {  	p0 =	sne.s32 s1, s31  }
.Ltmp1:
0x41: {  	_ = 	snop;
	(pc) =	sbr.rel @!p0 .LBB2_31-.Ltmp1, $3  }
0x42: {  	_ =	sdelay $0x1  }
0x43: {  	[sflag:s26] =	ssyncset.done $0x0  }
0x44: {  	[sflag:s26] =	ssyncadd.s32 $0xFFFFFC00  }
.LBB2_1:
0x45: {  	[dreg:$0x6] =	wrdreg s1  }
0x46: {  	s0 =	rddreg [dreg:$0x3];
	s29 =	simm.s32 $0x5  }
0x47: {  	[tilespmem:s16], [sflag:$0x5] =	stream.linear.gather [hbm4b:s0+s3], $0x6440, $0x38;
	[tilespmem:$0x14CC0] =	vst v63  }
0x48: {  	_ =	swait.ge [sflag:s29], $0x6440  }
0x49: {  	[sflag:s29] =	ssyncset.done $0x0  }
0x4a: {  	s5 =	simm.s32 $0x1000;
	s30 =	rddreg [dreg:$0x4];
	[sflag:s29] =	ssyncadd.s32 $0xFFFF9BC0  }
0x4b: {  	[tilespmem:s3], [sflag:$0x5] =	stream.strided.gather [hbm4b:s30+s17], $0x6400, s5, s17, $0x38;
	[tilespmem:$0x14CC0] =	vst v63  }
0x4c: {  	_ =	swait.ge [sflag:s29], $0x6400  }
0x4d: {  	[sflag:s29] =	ssyncset.done $0x0  }
0x4e: {  	s31 =	simm.s32 $0x0;
	[sflag:s29] =	ssyncadd.s32 $0xFFFF9C00  }
0x4f: {  	v14 =	vld [tilespmem:s31+$0x0]  }
0x50: {  	v13 =	vimm.s32 $0x0;
	s0 =	simm.s32 $0x200  }
.LBB2_2:
0x51: {  	p0 =	sne.s32 s0, $0x18E00  }
.Ltmp2:
0x52: {  	_ = 	snop;
	(pc) =	sbr.rel @p0 .LBB2_2-.Ltmp2, $4  }
0x53: {  	_ = 	snop  }
0x54: {  	s1 =	sshra.s32 s0, $0x2;
	s0 =	sadd.s32 $0x200, s0;
	vm0 =	vne.s32 v14, $0x0  }
0x55: {  	v14 =	vld [tilespmem:s1+$0x0];
	v15 =	vsel vm0, $0x1, v2  }
0x56: {  	v13 =	vadd.s32 v15, v13  }
0x57: {  	_ =	sdelay $0x2  }
0x58: {  	vm0 =	vne.s32 v14, $0x0  }
0x59: {  	v14 =	vsel vm0, $0x1, v2  }
0x5a: {  	v13 =	vadd.s32 v14, v13  }
0x5b: {  	s1 =	simm.s32 $0x10;
	[tilespmem:$0x6400] =	vst v13  }
0x5c: {  	v14 =	vld [tilespmem:s1+$0x0]  }
0x5d: {  	s0 =	simm.s32 $0x240;
	v13 =	vimm.s32 $0x0  }
.LBB2_4:
0x5e: {  	p0 =	sne.s32 s0, $0x18E40  }
.Ltmp3:
0x5f: {  	_ = 	snop;
	(pc) =	sbr.rel @p0 .LBB2_4-.Ltmp3, $4  }
0x60: {  	_ = 	snop  }
0x61: {  	s1 =	sshra.s32 s0, $0x2;
	s0 =	sadd.s32 $0x200, s0;
	vm0 =	vne.s32 v14, $0x0  }
0x62: {  	v14 =	vld [tilespmem:s1+$0x0];
	v15 =	vsel vm0, $0x1, v2  }
0x63: {  	v13 =	vadd.s32 v15, v13  }
0x64: {  	_ =	sdelay $0x2  }
0x65: {  	vm0 =	vne.s32 v14, $0x0  }
0x66: {  	v14 =	vsel vm0, $0x1, v2  }
0x67: {  	v13 =	vadd.s32 v14, v13  }
0x68: {  	s1 =	simm.s32 $0x20;
	[tilespmem:$0x6410] =	vst v13  }
0x69: {  	v14 =	vld [tilespmem:s1+$0x0]  }
0x6a: {  	s0 =	simm.s32 $0x280;
	v13 =	vimm.s32 $0x0  }
.LBB2_6:
0x6b: {  	p0 =	sne.s32 s0, $0x18E80  }
.Ltmp4:
0x6c: {  	_ = 	snop;
	(pc) =	sbr.rel @p0 .LBB2_6-.Ltmp4, $4  }
0x6d: {  	_ = 	snop  }
0x6e: {  	s1 =	sshra.s32 s0, $0x2;
	s0 =	sadd.s32 $0x200, s0;
	vm0 =	vne.s32 v14, $0x0  }
0x6f: {  	v14 =	vld [tilespmem:s1+$0x0];
	v15 =	vsel vm0, $0x1, v2  }
0x70: {  	v13 =	vadd.s32 v15, v13  }
0x71: {  	_ =	sdelay $0x2  }
0x72: {  	vm0 =	vne.s32 v14, $0x0  }
0x73: {  	v14 =	vsel vm0, $0x1, v2  }
0x74: {  	v13 =	vadd.s32 v14, v13  }
0x75: {  	s1 =	simm.s32 $0x30;
	[tilespmem:$0x6420] =	vst v13  }
0x76: {  	v14 =	vld [tilespmem:s1+$0x0]  }
0x77: {  	s0 =	simm.s32 $0x2C0;
	v13 =	vimm.s32 $0x0  }
.LBB2_8:
0x78: {  	p0 =	sne.s32 s0, $0x18EC0  }
.Ltmp5:
0x79: {  	_ = 	snop;
	(pc) =	sbr.rel @p0 .LBB2_8-.Ltmp5, $4  }
0x7a: {  	_ = 	snop  }
0x7b: {  	s1 =	sshra.s32 s0, $0x2;
	s0 =	sadd.s32 $0x200, s0;
	vm0 =	vne.s32 v14, $0x0  }
0x7c: {  	v14 =	vld [tilespmem:s1+$0x0];
	v15 =	vsel vm0, $0x1, v2  }
0x7d: {  	v13 =	vadd.s32 v15, v13  }
0x7e: {  	_ =	sdelay $0x2  }
0x7f: {  	vm0 =	vne.s32 v14, $0x0  }
0x80: {  	v14 =	vsel vm0, $0x1, v2  }
0x81: {  	v13 =	vadd.s32 v14, v13  }
0x82: {  	s1 =	simm.s32 $0x40;
	[tilespmem:$0x6430] =	vst v13  }
0x83: {  	v14 =	vld [tilespmem:s1+$0x0]  }
0x84: {  	s0 =	simm.s32 $0x300;
	v13 =	vimm.s32 $0x0  }
.LBB2_10:
0x85: {  	p0 =	sne.s32 s0, $0x18F00  }
.Ltmp6:
0x86: {  	_ = 	snop;
	(pc) =	sbr.rel @p0 .LBB2_10-.Ltmp6, $4  }
0x87: {  	_ = 	snop  }
0x88: {  	s1 =	sshra.s32 s0, $0x2;
	s0 =	sadd.s32 $0x200, s0;
	vm0 =	vne.s32 v14, $0x0  }
0x89: {  	v14 =	vld [tilespmem:s1+$0x0];
	v15 =	vsel vm0, $0x1, v2  }
0x8a: {  	v13 =	vadd.s32 v15, v13  }
0x8b: {  	_ =	sdelay $0x2  }
0x8c: {  	vm0 =	vne.s32 v14, $0x0  }
0x8d: {  	v14 =	vsel vm0, $0x1, v2  }
0x8e: {  	v13 =	vadd.s32 v14, v13  }
0x8f: {  	s1 =	simm.s32 $0x50;
	[tilespmem:$0x6440] =	vst v13  }
0x90: {  	v14 =	vld [tilespmem:s1+$0x0]  }
0x91: {  	s0 =	simm.s32 $0x340;
	v13 =	vimm.s32 $0x0  }
.LBB2_12:
0x92: {  	p0 =	sne.s32 s0, $0x18F40  }
.Ltmp7:
0x93: {  	_ = 	snop;
	(pc) =	sbr.rel @p0 .LBB2_12-.Ltmp7, $4  }
0x94: {  	_ = 	snop  }
0x95: {  	s1 =	sshra.s32 s0, $0x2;
	s0 =	sadd.s32 $0x200, s0;
	vm0 =	vne.s32 v14, $0x0  }
0x96: {  	v14 =	vld [tilespmem:s1+$0x0];
	v15 =	vsel vm0, $0x1, v2  }
0x97: {  	v13 =	vadd.s32 v15, v13  }
0x98: {  	_ =	sdelay $0x2  }
0x99: {  	vm0 =	vne.s32 v14, $0x0  }
0x9a: {  	v14 =	vsel vm0, $0x1, v2  }
0x9b: {  	v13 =	vadd.s32 v14, v13  }
0x9c: {  	s1 =	simm.s32 $0x60;
	[tilespmem:$0x6450] =	vst v13  }
0x9d: {  	v14 =	vld [tilespmem:s1+$0x0]  }
0x9e: {  	s0 =	simm.s32 $0x380;
	v13 =	vimm.s32 $0x0  }
.LBB2_14:
0x9f: {  	p0 =	sne.s32 s0, $0x18F80  }
.Ltmp8:
0xa0: {  	_ = 	snop;
	(pc) =	sbr.rel @p0 .LBB2_14-.Ltmp8, $4  }
0xa1: {  	_ = 	snop  }
0xa2: {  	s1 =	sshra.s32 s0, $0x2;
	s0 =	sadd.s32 $0x200, s0;
	vm0 =	vne.s32 v14, $0x0  }
0xa3: {  	v14 =	vld [tilespmem:s1+$0x0];
	v15 =	vsel vm0, $0x1, v2  }
0xa4: {  	v13 =	vadd.s32 v15, v13  }
0xa5: {  	_ =	sdelay $0x2  }
0xa6: {  	vm0 =	vne.s32 v14, $0x0  }
0xa7: {  	v14 =	vsel vm0, $0x1, v2  }
0xa8: {  	v13 =	vadd.s32 v14, v13  }
0xa9: {  	s1 =	simm.s32 $0x70;
	[tilespmem:$0x6460] =	vst v13  }
0xaa: {  	v14 =	vld [tilespmem:s1+$0x0]  }
0xab: {  	s0 =	simm.s32 $0x3C0;
	v13 =	vimm.s32 $0x0  }
.LBB2_16:
0xac: {  	p0 =	sne.s32 s0, $0x18FC0  }
.Ltmp9:
0xad: {  	_ = 	snop;
	(pc) =	sbr.rel @p0 .LBB2_16-.Ltmp9, $4  }
0xae: {  	_ = 	snop  }
0xaf: {  	s1 =	sshra.s32 s0, $0x2;
	s0 =	sadd.s32 $0x200, s0;
	vm0 =	vne.s32 v14, $0x0  }
0xb0: {  	v14 =	vld [tilespmem:s1+$0x0];
	v15 =	vsel vm0, $0x1, v2  }
0xb1: {  	v13 =	vadd.s32 v15, v13  }
0xb2: {  	_ =	sdelay $0x2  }
0xb3: {  	vm0 =	vne.s32 v14, $0x0  }
0xb4: {  	v14 =	vsel vm0, $0x1, v2  }
0xb5: {  	v13 =	vadd.s32 v14, v13  }
0xb6: {  	s28 =	simm.s32 $0x0;
	s0 =	simm.s32 $0x80;
	s1 =	simm.s32 $0x6480;
	[tilespmem:$0x6470] =	vst v13  }
0xb7: {  	[tilespmem:s1], [sflag:$0x1] =	stream.indirect.gather [hbm4b:s4+s0], $0x40, s28, s0, $0xb8;
	[tilespmem:$0x14CC0] =	vst v63  }
0xb8: {  	s17 =	simm.s32 $0x80;
	s31 =	simm.s32 $0x8480  }
0xb9: {  	[tilespmem:s31], [sflag:$0x2] =	stream.indirect.gather [hbm4b:s4+s0], $0x40, s0, s0, $0xb8;
	[tilespmem:$0x14CC0] =	vst v63  }
.LBB2_18:
0xba: {  	p0 =	seq.s32 s28, $0x0  }
0xbb: {  	s0 =	simm.s32 @!p0 $0x3  }
0xbc: {  	_ =	swait.ge @!p0 [sflag:s0], $0x400  }
0xbd: {  	[sflag:s0] =	ssyncset.done @!p0 $0x0  }
0xbe: {  	[sflag:s0] =	ssyncadd.s32 @!p0 $0xFFFFFC00  }
0xbf: {  	_ =	swait.ge @!p0 [sflag:s0], $0x400  }
0xc0: {  	[sflag:s0] =	ssyncset.done @!p0 $0x0  }
0xc1: {  	[sflag:s0] =	ssyncadd.s32 @!p0 $0xFFFFFC00  }
0xc2: {  	_ =	swait.ge @!p0 [sflag:s0], $0x400  }
0xc3: {  	[sflag:s0] =	ssyncset.done @!p0 $0x0  }
0xc4: {  	[sflag:s0] =	ssyncadd.s32 @!p0 $0xFFFFFC00  }
0xc5: {  	_ =	swait.ge @!p0 [sflag:s0], $0x400  }
0xc6: {  	[sflag:s0] =	ssyncset.done @!p0 $0x0  }
0xc7: {  	[sflag:s0] =	ssyncadd.s32 @!p0 $0xFFFFFC00  }
0xc8: {  	_ =	swait.ge @!p0 [sflag:s0], $0x400  }
0xc9: {  	[sflag:s0] =	ssyncset.done @!p0 $0x0  }
0xca: {  	[sflag:s0] =	ssyncadd.s32 @!p0 $0xFFFFFC00  }
0xcb: {  	_ =	swait.ge @!p0 [sflag:s0], $0x400  }
0xcc: {  	[sflag:s0] =	ssyncset.done @!p0 $0x0  }
0xcd: {  	[sflag:s0] =	ssyncadd.s32 @!p0 $0xFFFFFC00  }
0xce: {  	_ =	swait.ge @!p0 [sflag:s0], $0x400  }
0xcf: {  	[sflag:s0] =	ssyncset.done @!p0 $0x0  }
0xd0: {  	[sflag:s0] =	ssyncadd.s32 @!p0 $0xFFFFFC00  }
0xd1: {  	_ =	swait.ge @!p0 [sflag:s0], $0x400  }
0xd2: {  	[sflag:s0] =	ssyncset.done @!p0 $0x0  }
0xd3: {  	[sflag:s0] =	ssyncadd.s32 @!p0 $0xFFFFFC00  }
0xd4: {  	_ =	swait.ge [sflag:s22], $0x2000  }
0xd5: {  	s29 =	sshll.u32 s28, $0x1;
	s30 =	simm.s32 $0x6500;
	[sflag:s22] =	ssyncset.done $0x0  }
0xd6: {  	s31 =	simm.s32 $0x0;
	s1 =	simm.s32 $0x0;
	v13 =	vmov s29;
	[sflag:s22] =	ssyncadd.s32 $0xFFFFE000  }
.LBB2_19:
0xd7: {  	s0 =	sshll.u32 s1, $0x4  }
0xd8: {  	v14 =	vld [tilespmem:s0+$0x6400];
	_ =	sdelay $0x3  }
0xd9: {  	s5 =	simm.s32 $0x0  }
0xda: {  	v15 =	vmov s5;
	v14 =	vadd.s32 v13, v14  }
0xdb: {  	s6 =	simm.s32 $0x1;
	v15 =	vperm.xlane v14, v15  }
0xdc: {  	v16 =	vmov s6  }
0xdd: {  	v18 =	vperm.xlane v14, v16;
	v16 =	vadd.s32 v0, v15;
	_ =	sdelay $0x1  }
0xde: {  	s15 =	simm.s32 $0x3;
	v19 =	vadd.s32 v0, v18  }
0xdf: {  	s18 =	simm.s32 $0x2;
	s19 =	sadd.s32 $0x0, s31;
	v17 =	vmov s15  }
0xe0: {  	v21 =	vmov s18;
	v22 =	vmov s19;
	v20 =	vperm.xlane v14, v17;
	v17 =	vld [tilespmem:s30+$0xFFFFFF80]  }
0xe1: {  	s5 =	sadd.s32 $0x1, s19;
	v26 =	vand.u32 $0x7C, v22;
	v24 =	vperm.xlane v14, v21;
	v16 =	vld.idx.msk [tilespmem:v16+s16+$0x0], $0xffff  }
0xe2: {  	v25 =	vld [tilespmem:s30+$0xFFFFFFC0];
	v23 =	vmov s5;
	v27 =	vadd.s32 v1, v26;
	v21 =	vadd.s32 v0, v20  }
0xe3: {  	s15 =	simm.s32 $0x6;
	v23 =	vand.u32 $0x7D, v23;
	v22 =	vadd.s32 v0, v24;
	v29 =	vadd.s32 v3, v15;
	v19 =	vld.idx.msk [tilespmem:v19+s16+$0x0], $0xffff  }
0xe4: {  	v35 =	vadd.s32 v5, v15;
	v58 =	vadd.s32 v7, v15;
	v15 =	vmov s15  }
0xe5: {  	v28 =	vld [tilespmem:s30+$0x0];
	v30 =	vadd.s32 v1, v23;
	v15 =	vperm.xlane v14, v15  }
0xe6: {  	v32 =	vld [tilespmem:s30+$0x40];
	s20 =	sadd.s32 $0x3, s19;
	v31 =	vadd.s32 v3, v18;
	v16 =	vadd.f32 v16, v17  }
0xe7: {  	v38 =	vadd.s32 v0, v15;
	v21 =	vld.idx.msk [tilespmem:v21+s16+$0x0], $0xffff;
	v17 =	vmov s20  }
0xe8: {  	s0 =	sadd.s32 $0x2, s19;
	v22 =	vld.idx.msk [tilespmem:v22+s16+$0x0], $0xffff;
	v33 =	vand.u32 $0x7F, v17;
	v17 =	vadd.f32 v19, v25;
	[tilespmem:v27+s23+$0x0] =	vst.idx.msk $0xffff, v16  }
0xe9: {  	v16 =	vmov s0;
	v19 =	vadd.s32 v1, v33;
	v27 =	vld [tilespmem:s30+$0xFFFFFF90]  }
0xea: {  	v25 =	vand.u32 $0x7E, v16;
	v16 =	vadd.s32 v3, v20;
	[tilespmem:v30+s23+$0x0] =	vst.idx.msk $0xffff, v17;
	v17 =	vld.idx.msk [tilespmem:v29+s16+$0x0], $0xffff  }
0xeb: {  	v29 =	vadd.s32 v1, v25;
	v30 =	vld.idx.msk [tilespmem:v31+s16+$0x0], $0xffff  }
0xec: {  	v21 =	vadd.f32 v21, v32;
	v31 =	vadd.s32 v3, v24;
	v55 =	vld [tilespmem:s30+$0xFFFFFFD0]  }
0xed: {  	v34 =	vadd.s32 v4, v26;
	v60 =	vld.idx.msk [tilespmem:v38+s16+$0x0], $0xffff;
	s0 =	sadd.s32 $0x100, s30  }
0xee: {  	v22 =	vadd.f32 v22, v28;
	v56 =	vld [tilespmem:s0+$0xFFFFFF80];
	[tilespmem:v19+s23+$0x0] =	vst.idx.msk $0xffff, v21;
	v19 =	vadd.s32 v4, v23  }
0xef: {  	v16 =	vld.idx.msk [tilespmem:v16+s16+$0x0], $0xffff  }
0xf0: {  	v17 =	vadd.f32 v17, v27;
	[tilespmem:v29+s23+$0x0] =	vst.idx.msk $0xffff, v22;
	v22 =	vld [tilespmem:s30+$0x50]  }
0xf1: {  	v21 =	vadd.s32 v5, v18;
	v27 =	vadd.f32 v30, v55;
	v28 =	vld.idx.msk [tilespmem:v31+s16+$0x0], $0xffff  }
0xf2: {  	v29 =	vadd.s32 v4, v33;
	[tilespmem:v34+s23+$0x0] =	vst.idx.msk $0xffff, v17;
	v40 =	vld [tilespmem:s30+$0x10]  }
0xf3: {  	v30 =	vld.idx.msk [tilespmem:v35+s16+$0x0], $0xffff;
	[tilespmem:v19+s23+$0x0] =	vst.idx.msk $0xffff, v27;
	v27 =	vadd.s32 v5, v20  }
0xf4: {  	s5 =	simm.s32 $0x4;
	v41 =	vadd.s32 v4, v25;
	v19 =	vld [tilespmem:s30+$0xFFFFFFA0]  }
0xf5: {  	v57 =	vld [tilespmem:s0+$0xFFFFFFC0];
	v17 =	vmov s5;
	v22 =	vadd.f32 v16, v22  }
0xf6: {  	s6 =	simm.s32 $0x5;
	v44 =	vadd.s32 v5, v24;
	v31 =	vadd.s32 v6, v26;
	v17 =	vperm.xlane v14, v17;
	v21 =	vld.idx.msk [tilespmem:v21+s16+$0x0], $0xffff  }
0xf7: {  	s18 =	simm.s32 $0x7;
	v16 =	vmov s6;
	v28 =	vadd.f32 v28, v40;
	[tilespmem:v29+s23+$0x0] =	vst.idx.msk $0xffff, v22;
	v29 =	vld [tilespmem:s0+$0x0]  }
0xf8: {  	v36 =	vmov s18;
	v16 =	vperm.xlane v14, v16;
	v22 =	vadd.s32 v0, v17;
	v27 =	vld.idx.msk [tilespmem:v27+s16+$0x0], $0xffff  }
0xf9: {  	v30 =	vadd.f32 v30, v19;
	v19 =	vperm.xlane v14, v36;
	v59 =	vld [tilespmem:s30+$0x60];
	[tilespmem:v41+s23+$0x0] =	vst.idx.msk $0xffff, v28  }
0xfa: {  	v37 =	vadd.s32 v0, v16;
	v50 =	vld [tilespmem:s30+$0x20]  }
0xfb: {  	v39 =	vadd.s32 v6, v33;
	v51 =	vld.idx.msk [tilespmem:v44+s16+$0x0], $0xffff;
	[tilespmem:v31+s23+$0x0] =	vst.idx.msk $0xffff, v30;
	v31 =	vadd.s32 v0, v19  }
0xfc: {  	v20 =	vadd.s32 v7, v20;
	v30 =	vld [tilespmem:s30+$0xFFFFFFE0]  }
0xfd: {  	v35 =	vld.idx.msk [tilespmem:v58+s16+$0x0], $0xffff  }
0xfe: {  	s19 =	sadd.s32 $0x4, s31;
	v42 =	vadd.s32 v6, v23;
	v22 =	vld.idx.msk [tilespmem:v22+s16+$0x0], $0xffff;
	v27 =	vadd.f32 v27, v59  }
0xff: {  	v43 =	vmov s19;
	s18 =	sadd.s32 $0x1, s19;
	v37 =	vld.idx.msk [tilespmem:v37+s16+$0x0], $0xffff  }
0x100: {  	v62 =	vmov s18;
	v61 =	vadd.s32 v7, v18;
	v18 =	vand.u32 $0x7C, v43;
	v31 =	vld.idx.msk [tilespmem:v31+s16+$0x0], $0xffff;
	[tilespmem:v39+s23+$0x0] =	vst.idx.msk $0xffff, v27  }
0x101: {  	s20 =	sadd.s32 $0x3, s19;
	v43 =	vadd.s32 v1, v18;
	v21 =	vadd.f32 v21, v30;
	v30 =	vld.idx.msk [tilespmem:v20+s16+$0x0], $0xffff;
	v20 =	vand.u32 $0x7D, v62  }
0x102: {  	v48 =	vmov s20;
	s5 =	sadd.s32 $0x2, s19;
	v63 =	vadd.s32 v3, v17;
	v27 =	vld [tilespmem:s0+$0x40];
	v49 =	vadd.s32 v1, v20  }
0x103: {  	v46 =	vld [tilespmem:s30+$0xFFFFFFB0];
	v32 =	vadd.f32 v22, v56;
	[tilespmem:v42+s23+$0x0] =	vst.idx.msk $0xffff, v21;
	v21 =	vmov s5;
	v22 =	vand.u32 $0x7F, v48  }
0x104: {  	v45 =	vadd.s32 v3, v16;
	v28 =	vld [tilespmem:s30+$0x70];
	v21 =	vand.u32 $0x7E, v21;
	v39 =	vadd.s32 v1, v22  }
0x105: {  	v38 =	vld.idx.msk [tilespmem:v61+s16+$0x0], $0xffff;
	v52 =	vadd.s32 v1, v21  }
0x106: {  	v53 =	vadd.s32 v3, v19;
	v34 =	vadd.f32 v37, v57;
	v62 =	vld [tilespmem:s30+$0xFFFFFFF0];
	[tilespmem:v43+s23+$0x0] =	vst.idx.msk $0xffff, v32  }
0x107: {  	v24 =	vadd.s32 v7, v24;
	v54 =	vld [tilespmem:s0+$0xFFFFFF90];
	v27 =	vadd.f32 v31, v27;
	v31 =	vadd.s32 v6, v25  }
0x108: {  	v33 =	vadd.s32 v8, v33;
	v29 =	vadd.f32 v60, v29;
	v55 =	vld.idx.msk [tilespmem:v63+s16+$0x0], $0xffff;
	[tilespmem:v49+s23+$0x0] =	vst.idx.msk $0xffff, v34  }
0x109: {  	v57 =	vadd.s32 v3, v15;
	v56 =	vld.idx.msk [tilespmem:v45+s16+$0x0], $0xffff;
	[tilespmem:v39+s23+$0x0] =	vst.idx.msk $0xffff, v27;
	v27 =	vadd.s32 v8, v26  }
0x10a: {  	v58 =	vld [tilespmem:s0+$0xFFFFFFD0];
	v26 =	vadd.f32 v51, v50;
	[tilespmem:v52+s23+$0x0] =	vst.idx.msk $0xffff, v29;
	v29 =	vadd.s32 v4, v18  }
0x10b: {  	v60 =	vadd.s32 v5, v17;
	v28 =	vadd.f32 v30, v28;
	v59 =	vld.idx.msk [tilespmem:v53+s16+$0x0], $0xffff  }
0x10c: {  	v35 =	vadd.f32 v35, v46;
	v30 =	vadd.s32 v4, v20;
	v61 =	vld [tilespmem:s0+$0x50];
	[tilespmem:v31+s23+$0x0] =	vst.idx.msk $0xffff, v26  }
0x10d: {  	[tilespmem:v33+s23+$0x0] =	vst.idx.msk $0xffff, v28;
	v31 =	vadd.f32 v55, v54;
	v26 =	vld.idx.msk [tilespmem:v24+s16+$0x0], $0xffff  }
0x10e: {  	v33 =	vadd.s32 v5, v16;
	v24 =	vadd.s32 v8, v23;
	v23 =	vld.idx.msk [tilespmem:v57+s16+$0x0], $0xffff;
	[tilespmem:v27+s23+$0x0] =	vst.idx.msk $0xffff, v35  }
0x10f: {  	v63 =	vadd.f32 v56, v58;
	v27 =	vld [tilespmem:s30+$0x30];
	[tilespmem:v29+s23+$0x0] =	vst.idx.msk $0xffff, v31  }
0x110: {  	v32 =	vadd.s32 v5, v19;
	v25 =	vadd.s32 v8, v25;
	v28 =	vadd.s32 v4, v22;
	v29 =	vld.idx.msk [tilespmem:v60+s16+$0x0], $0xffff  }
0x111: {  	s20 =	simm.s32 $0x8;
	s19 =	smov.u32 s0;
	v34 =	vadd.f32 v59, v61;
	[tilespmem:v30+s23+$0x0] =	vst.idx.msk $0xffff, v63;
	v31 =	vld [tilespmem:s0+$0xFFFFFFA0];
	v30 =	vadd.f32 v38, v62  }
.LBB2_20:
0x112: {  	s5 =	sadd.s32 $0x1, s20  }
0x113: {  	v35 =	vmov s20;
	v36 =	vadd.s32 v6, v18;
	v33 =	vld.idx.msk [tilespmem:v33+s16+$0x0], $0xffff;
	s0 =	sadd.s32 $0x100, s0;
	s6 =	smov.u32 s20;
	s18 =	sadd.s32 $0x4, s20  }
0x114: {  	p0 =	slt.u32 s20, $0xC;
	v35 =	vperm.xlane v14, v35;
	v37 =	vld [tilespmem:s0+$0xFFFFFF80];
	v38 =	vmov s5;
	s5 =	sadd.s32 $0x2, s6;
	[tilespmem:v24+s23+$0x0] =	vst.idx.msk $0xffff, v30;
	v24 =	vadd.f32 v26, v27  }
0x115: {  	v26 =	vperm.xlane v14, v38;
	v27 =	vld [tilespmem:s0+$0xFFFFFFC0];
	v30 =	vmov s5;
	s5 =	sadd.s32 $0x3, s6;
	v38 =	vadd.s32 v7, v17;
	[tilespmem:v28+s23+$0x0] =	vst.idx.msk $0xffff, v34  }
0x116: {  	v28 =	vadd.s32 v0, v35;
	v30 =	vperm.xlane v14, v30;
	v34 =	vld [tilespmem:s0+$0x0];
	v39 =	vmov s5;
	[tilespmem:v25+s23+$0x0] =	vst.idx.msk $0xffff, v24;
	v17 =	vmovc v35  }
0x117: {  	v24 =	vadd.s32 v0, v26;
	v25 =	vperm.xlane v14, v39;
	v29 =	vadd.f32 v29, v31;
	v31 =	vld.idx.msk [tilespmem:v32+s16+$0x0], $0xffff  }
0x118: {  	v32 =	vadd.s32 v0, v30;
	v35 =	vld [tilespmem:s19+$0x60]  }
0x119: {  	v39 =	vadd.s32 v0, v25;
	[tilespmem:v36+s23+$0x0] =	vst.idx.msk $0xffff, v29;
	v29 =	vld [tilespmem:s19+$0xFFFFFFE0]  }
0x11a: {  	v40 =	vadd.s32 v6, v22;
	v36 =	vld.idx.msk [tilespmem:v38+s16+$0x0], $0xffff;
	v38 =	vadd.s32 v7, v16;
	v16 =	vmov v26  }
0x11b: {  	v42 =	vadd.s32 v5, v15;
	v43 =	vadd.s32 v7, v19;
	s5 =	sadd.s32 s6, s31;
	v19 =	vmovc v25;
	v26 =	vadd.s32 v6, v20;
	v41 =	vld [tilespmem:s19+$0x10]  }
0x11c: {  	v45 =	vadd.s32 v4, v21;
	v44 =	vadd.s32 v3, v17;
	s6 =	sadd.s32 $0x1, s5;
	s20 =	sadd.s32 $0x2, s5;
	v25 =	vmov s5;
	s5 =	sadd.s32 $0x3, s5;
	v28 =	vld.idx.msk [tilespmem:v28+s16+$0x0], $0xffff  }
0x11d: {  	v46 =	vmov s6;
	v47 =	vmov s20;
	v24 =	vld.idx.msk [tilespmem:v24+s16+$0x0], $0xffff;
	v31 =	vadd.f32 v31, v35  }
0x11e: {  	v25 =	vand.u32 $0x7C, v25;
	v35 =	vmov s5;
	v32 =	vld.idx.msk [tilespmem:v32+s16+$0x0], $0xffff;
	v29 =	vadd.f32 v33, v29  }
0x11f: {  	v46 =	vand.u32 $0x7D, v46;
	v47 =	vand.u32 $0x7E, v47;
	v33 =	vadd.s32 v1, v25;
	v39 =	vld.idx.msk [tilespmem:v39+s16+$0x0], $0xffff;
	[tilespmem:v40+s23+$0x0] =	vst.idx.msk $0xffff, v31  }
0x120: {  	v31 =	vadd.s32 v3, v16;
	v40 =	vadd.s32 v1, v47;
	v48 =	vld [tilespmem:s0+$0x40];
	v23 =	vadd.f32 v23, v41  }
0x121: {  	v49 =	vadd.s32 v3, v30;
	v35 =	vand.u32 $0x7F, v35;
	v41 =	vadd.s32 v1, v46;
	v43 =	vld.idx.msk [tilespmem:v43+s16+$0x0], $0xffff  }
0x122: {  	v51 =	vadd.s32 v3, v19;
	v50 =	vadd.s32 v1, v35;
	[tilespmem:v45+s23+$0x0] =	vst.idx.msk $0xffff, v23;
	v23 =	vld [tilespmem:s19+$0x70]  }
0x123: {  	v28 =	vadd.f32 v28, v37;
	v24 =	vadd.f32 v24, v27;
	[tilespmem:v26+s23+$0x0] =	vst.idx.msk $0xffff, v29;
	v26 =	vld [tilespmem:s19+$0x20]  }
0x124: {  	v27 =	vadd.f32 v32, v34;
	v29 =	vadd.s32 v8, v22;
	v22 =	vmov v35;
	v37 =	vld.idx.msk [tilespmem:v38+s16+$0x0], $0xffff  }
0x125: {  	[tilespmem:v33+s23+$0x0] =	vst.idx.msk $0xffff, v28;
	v28 =	vadd.f32 v39, v48;
	v32 =	vld.idx.msk [tilespmem:v42+s16+$0x0], $0xffff  }
0x126: {  	v33 =	vld [tilespmem:s0+$0xFFFFFF90];
	[tilespmem:v40+s23+$0x0] =	vst.idx.msk $0xffff, v27  }
0x127: {  	v27 =	vadd.s32 v6, v21;
	[tilespmem:v41+s23+$0x0] =	vst.idx.msk $0xffff, v24;
	v24 =	vld [tilespmem:s19+$0xFFFFFFB0];
	v23 =	vadd.f32 v43, v23  }
0x128: {  	v35 =	vadd.s32 v7, v15;
	v15 =	vmov v30;
	v34 =	vld.idx.msk [tilespmem:v44+s16+$0x0], $0xffff;
	[tilespmem:v50+s23+$0x0] =	vst.idx.msk $0xffff, v28  }
0x129: {  	v30 =	vld.idx.msk [tilespmem:v31+s16+$0x0], $0xffff;
	v31 =	vadd.s32 v8, v18;
	[tilespmem:v29+s23+$0x0] =	vst.idx.msk $0xffff, v23;
	v18 =	vmov v25  }
0x12a: {  	v38 =	vadd.s32 v4, v46;
	v23 =	vld [tilespmem:s0+$0xFFFFFFD0]  }
0x12b: {  	v25 =	vadd.s32 v4, v18;
	v26 =	vadd.f32 v32, v26;
	v39 =	vld.idx.msk [tilespmem:v51+s16+$0x0], $0xffff  }
0x12c: {  	v28 =	vadd.s32 v4, v22;
	v29 =	vadd.s32 v5, v17;
	v32 =	vld [tilespmem:s0+$0x50];
	v36 =	vadd.f32 v36, v24  }
0x12d: {  	v24 =	vadd.s32 v8, v20;
	v20 =	vmov v46;
	v40 =	vld [tilespmem:s19+$0xFFFFFFF0];
	[tilespmem:v27+s23+$0x0] =	vst.idx.msk $0xffff, v26  }
.Ltmp10:
0x12e: {  	v34 =	vadd.f32 v34, v33;
	v33 =	vadd.s32 v5, v16;
	[tilespmem:v31+s23+$0x0] =	vst.idx.msk $0xffff, v36;
	v26 =	vld.idx.msk [tilespmem:v35+s16+$0x0], $0xffff;
	(pc) =	sbr.rel @p0 .LBB2_20-.Ltmp10, $4  }
0x12f: {  	v30 =	vadd.f32 v30, v23;
	v27 =	vld [tilespmem:s19+$0x30];
	s19 =	smov.u32 s0  }
0x130: {  	[tilespmem:v25+s23+$0x0] =	vst.idx.msk $0xffff, v34;
	v23 =	vld.idx.msk [tilespmem:v49+s16+$0x0], $0xffff;
	v25 =	vadd.s32 v8, v21;
	v21 =	vmov v47  }
0x131: {  	v29 =	vld.idx.msk [tilespmem:v29+s16+$0x0], $0xffff;
	[tilespmem:v38+s23+$0x0] =	vst.idx.msk $0xffff, v30;
	v34 =	vadd.f32 v39, v32  }
0x132: {  	s20 =	smov.u32 s18;
	v32 =	vadd.s32 v5, v19;
	v31 =	vld [tilespmem:s0+$0xFFFFFFA0];
	v30 =	vadd.f32 v37, v40  }
0x133: {  	_ = 	snop  }
0x134: {  	v14 =	vld [tilespmem:s19+$0x10];
	_ =	sdelay $0x1  }
0x135: {  	v46 =	vadd.s32 v4, v21  }
0x136: {  	v33 =	vld.idx.msk [tilespmem:v33+s16+$0x0], $0xffff  }
0x137: {  	[tilespmem:v28+s23+$0x0] =	vst.idx.msk $0xffff, v34;
	v35 =	vadd.s32 v5, v15;
	v47 =	vld [tilespmem:s19+$0xFFFFFFE0]  }
0x138: {  	v36 =	vadd.s32 v6, v18;
	v32 =	vld.idx.msk [tilespmem:v32+s16+$0x0], $0xffff;
	v14 =	vadd.f32 v23, v14  }
0x139: {  	v17 =	vadd.s32 v7, v17;
	v34 =	vld [tilespmem:s19+$0x60]  }
0x13a: {  	v49 =	vadd.s32 v6, v20;
	[tilespmem:v46+s23+$0x0] =	vst.idx.msk $0xffff, v14  }
0x13b: {  	v37 =	vadd.s32 v6, v22;
	v16 =	vadd.s32 v7, v16;
	v48 =	vadd.f32 v29, v31;
	v50 =	vld [tilespmem:s19+$0x20]  }
0x13c: {  	v52 =	vld.idx.msk [tilespmem:v35+s16+$0x0], $0xffff  }
0x13d: {  	v53 =	vadd.f32 v33, v47;
	[tilespmem:v36+s23+$0x0] =	vst.idx.msk $0xffff, v48;
	v14 =	vadd.s32 v7, v19  }
0x13e: {  	v54 =	vadd.s32 v6, v21;
	v51 =	vadd.f32 v32, v34;
	v17 =	vld.idx.msk [tilespmem:v17+s16+$0x0], $0xffff  }
0x13f: {  	v15 =	vadd.s32 v7, v15;
	[tilespmem:v49+s23+$0x0] =	vst.idx.msk $0xffff, v53;
	v56 =	vld [tilespmem:s19+$0xFFFFFFB0]  }
0x140: {  	[tilespmem:v37+s23+$0x0] =	vst.idx.msk $0xffff, v51;
	v16 =	vld.idx.msk [tilespmem:v16+s16+$0x0], $0xffff  }
0x141: {  	v31 =	vld [tilespmem:s19+$0x70];
	v55 =	vadd.f32 v52, v50  }
0x142: {  	v14 =	vld.idx.msk [tilespmem:v14+s16+$0x0], $0xffff  }
0x143: {  	v57 =	vld [tilespmem:s19+$0xFFFFFFF0];
	[tilespmem:v54+s23+$0x0] =	vst.idx.msk $0xffff, v55  }
0x144: {  	v58 =	vadd.s32 v8, v22;
	v15 =	vld.idx.msk [tilespmem:v15+s16+$0x0], $0xffff  }
0x145: {  	v59 =	vadd.s32 v8, v18;
	v60 =	vld [tilespmem:s19+$0x30]  }
0x146: {  	v62 =	vadd.s32 v8, v20;
	s1 =	sadd.s32 $0x1, s1;
	v61 =	vadd.f32 v26, v27  }
0x147: {  	v63 =	vadd.s32 v8, v21;
	[tilespmem:v24+s23+$0x0] =	vst.idx.msk $0xffff, v30;
	p0 =	sne.s32 s1, $0x8;
	v14 =	vadd.f32 v14, v31  }
.Ltmp11:
0x148: {  	[tilespmem:v25+s23+$0x0] =	vst.idx.msk $0xffff, v61;
	v17 =	vadd.f32 v17, v56;
	(pc) =	sbr.rel @p0 .LBB2_19-.Ltmp11, $4  }
0x149: {  	[tilespmem:v58+s23+$0x0] =	vst.idx.msk $0xffff, v14;
	v14 =	vadd.f32 v16, v57  }
0x14a: {  	[tilespmem:v59+s23+$0x0] =	vst.idx.msk $0xffff, v17;
	v15 =	vadd.f32 v15, v60  }
0x14b: {  	[tilespmem:v62+s23+$0x0] =	vst.idx.msk $0xffff, v14  }
0x14c: {  	s31 =	sadd.s32 $0x10, s31;
	s30 =	sadd.s32 $0x400, s30;
	[tilespmem:v63+s23+$0x0] =	vst.idx.msk $0xffff, v15  }
0x14d: {  	s0 =	sshll.u32 s28, $0x10  }
0x14e: {  	s0 =	sor.u32 s7, s0  }
0x14f: {  	s1 =	sadd.s32 s2, s0  }
0x150: {  	[hbm4b:s1+s3] =	stream.linear.scatter [tilespmem:s23], [sflag:$0x3], $0x80, $0x38;
	[tilespmem:$0x14CC0] =	vst v63  }
0x151: {  	s6 =	simm.s32 $0xA508;
	s5 =	sadd.s32 $0x10, s1  }
0x152: {  	[hbm4b:s5+s3] =	stream.linear.scatter [tilespmem:s6], [sflag:$0x3], $0x80, $0x38;
	[tilespmem:$0x14CC0] =	vst v63  }
0x153: {  	s20 =	simm.s32 $0xA590;
	s19 =	sadd.s32 $0x20, s1  }
0x154: {  	[hbm4b:s19+s3] =	stream.linear.scatter [tilespmem:s20], [sflag:$0x3], $0x80, $0x38;
	[tilespmem:$0x14CC0] =	vst v63  }
0x155: {  	s31 =	simm.s32 $0xA618;
	s30 =	sadd.s32 $0x30, s1  }
0x156: {  	[hbm4b:s30+s3] =	stream.linear.scatter [tilespmem:s31], [sflag:$0x3], $0x80, $0x38;
	[tilespmem:$0x14CC0] =	vst v63  }
0x157: {  	s15 =	simm.s32 $0xA6A0;
	s6 =	sadd.s32 $0x40, s1  }
0x158: {  	[hbm4b:s6+s3] =	stream.linear.scatter [tilespmem:s15], [sflag:$0x3], $0x80, $0x38;
	[tilespmem:$0x14CC0] =	vst v63  }
0x159: {  	s18 =	sadd.s32 $0x50, s1;
	s19 =	simm.s32 $0xA728  }
0x15a: {  	[hbm4b:s18+s3] =	stream.linear.scatter [tilespmem:s19], [sflag:$0x3], $0x80, $0x38;
	[tilespmem:$0x14CC0] =	vst v63  }
0x15b: {  	s20 =	sadd.s32 $0x60, s1;
	s30 =	simm.s32 $0xA7B0  }
0x15c: {  	[hbm4b:s20+s3] =	stream.linear.scatter [tilespmem:s30], [sflag:$0x3], $0x80, $0x38;
	[tilespmem:$0x14CC0] =	vst v63  }
0x15d: {  	s1 =	sadd.s32 $0x70, s1;
	s31 =	simm.s32 $0xA838  }
0x15e: {  	[hbm4b:s1+s3] =	stream.linear.scatter [tilespmem:s31], [sflag:$0x3], $0x80, $0x38;
	[tilespmem:$0x14CC0] =	vst v63  }
0x15f: {  	s6 =	simm.s32 $0xA8C0;
	s1 =	sadd.s32 s0, s8  }
0x160: {  	[hbm4b:s1+s3] =	stream.linear.scatter [tilespmem:s6], [sflag:$0x3], $0x80, $0x38;
	[tilespmem:$0x14CC0] =	vst v63  }
0x161: {  	s18 =	simm.s32 $0xA948;
	s15 =	sadd.s32 $0x10, s1  }
0x162: {  	[hbm4b:s15+s3] =	stream.linear.scatter [tilespmem:s18], [sflag:$0x3], $0x80, $0x38;
	[tilespmem:$0x14CC0] =	vst v63  }
0x163: {  	s20 =	simm.s32 $0xA9D0;
	s19 =	sadd.s32 $0x20, s1  }
0x164: {  	[hbm4b:s19+s3] =	stream.linear.scatter [tilespmem:s20], [sflag:$0x3], $0x80, $0x38;
	[tilespmem:$0x14CC0] =	vst v63  }
0x165: {  	s31 =	simm.s32 $0xAA58;
	s30 =	sadd.s32 $0x30, s1  }
0x166: {  	[hbm4b:s30+s3] =	stream.linear.scatter [tilespmem:s31], [sflag:$0x3], $0x80, $0x38;
	[tilespmem:$0x14CC0] =	vst v63  }
0x167: {  	s6 =	sadd.s32 $0x40, s1;
	s15 =	simm.s32 $0xAAE0  }
0x168: {  	[hbm4b:s6+s3] =	stream.linear.scatter [tilespmem:s15], [sflag:$0x3], $0x80, $0x38;
	[tilespmem:$0x14CC0] =	vst v63  }
0x169: {  	s18 =	sadd.s32 $0x50, s1;
	s19 =	simm.s32 $0xAB68  }
0x16a: {  	[hbm4b:s18+s3] =	stream.linear.scatter [tilespmem:s19], [sflag:$0x3], $0x80, $0x38;
	[tilespmem:$0x14CC0] =	vst v63  }
0x16b: {  	s20 =	sadd.s32 $0x60, s1;
	s30 =	simm.s32 $0xABF0  }
0x16c: {  	[hbm4b:s20+s3] =	stream.linear.scatter [tilespmem:s30], [sflag:$0x3], $0x80, $0x38;
	[tilespmem:$0x14CC0] =	vst v63  }
0x16d: {  	s1 =	sadd.s32 $0x70, s1;
	s31 =	simm.s32 $0xAC78  }
0x16e: {  	[hbm4b:s1+s3] =	stream.linear.scatter [tilespmem:s31], [sflag:$0x3], $0x80, $0x38;
	[tilespmem:$0x14CC0] =	vst v63  }
0x16f: {  	s6 =	simm.s32 $0xAD00;
	s1 =	sadd.s32 s0, s9  }
0x170: {  	[hbm4b:s1+s3] =	stream.linear.scatter [tilespmem:s6], [sflag:$0x3], $0x80, $0x38;
	[tilespmem:$0x14CC0] =	vst v63  }
0x171: {  	s18 =	simm.s32 $0xAD88;
	s15 =	sadd.s32 $0x10, s1  }
0x172: {  	[hbm4b:s15+s3] =	stream.linear.scatter [tilespmem:s18], [sflag:$0x3], $0x80, $0x38;
	[tilespmem:$0x14CC0] =	vst v63  }
0x173: {  	s20 =	simm.s32 $0xAE10;
	s19 =	sadd.s32 $0x20, s1  }
0x174: {  	[hbm4b:s19+s3] =	stream.linear.scatter [tilespmem:s20], [sflag:$0x3], $0x80, $0x38;
	[tilespmem:$0x14CC0] =	vst v63  }
0x175: {  	s31 =	simm.s32 $0xAE98;
	s30 =	sadd.s32 $0x30, s1  }
0x176: {  	[hbm4b:s30+s3] =	stream.linear.scatter [tilespmem:s31], [sflag:$0x3], $0x80, $0x38;
	[tilespmem:$0x14CC0] =	vst v63  }
0x177: {  	s6 =	sadd.s32 $0x40, s1;
	s15 =	simm.s32 $0xAF20  }
0x178: {  	[hbm4b:s6+s3] =	stream.linear.scatter [tilespmem:s15], [sflag:$0x3], $0x80, $0x38;
	[tilespmem:$0x14CC0] =	vst v63  }
0x179: {  	s18 =	sadd.s32 $0x50, s1;
	s19 =	simm.s32 $0xAFA8  }
0x17a: {  	[hbm4b:s18+s3] =	stream.linear.scatter [tilespmem:s19], [sflag:$0x3], $0x80, $0x38;
	[tilespmem:$0x14CC0] =	vst v63  }
0x17b: {  	s20 =	sadd.s32 $0x60, s1;
	s30 =	simm.s32 $0xB030  }
0x17c: {  	[hbm4b:s20+s3] =	stream.linear.scatter [tilespmem:s30], [sflag:$0x3], $0x80, $0x38;
	[tilespmem:$0x14CC0] =	vst v63  }
0x17d: {  	s1 =	sadd.s32 $0x70, s1;
	s31 =	simm.s32 $0xB0B8  }
0x17e: {  	[hbm4b:s1+s3] =	stream.linear.scatter [tilespmem:s31], [sflag:$0x3], $0x80, $0x38;
	[tilespmem:$0x14CC0] =	vst v63  }
0x17f: {  	s6 =	simm.s32 $0xB140;
	s1 =	sadd.s32 s0, s10  }
0x180: {  	[hbm4b:s1+s3] =	stream.linear.scatter [tilespmem:s6], [sflag:$0x3], $0x80, $0x38;
	[tilespmem:$0x14CC0] =	vst v63  }
0x181: {  	s18 =	simm.s32 $0xB1C8;
	s15 =	sadd.s32 $0x10, s1  }
0x182: {  	[hbm4b:s15+s3] =	stream.linear.scatter [tilespmem:s18], [sflag:$0x3], $0x80, $0x38;
	[tilespmem:$0x14CC0] =	vst v63  }
0x183: {  	s20 =	simm.s32 $0xB250;
	s19 =	sadd.s32 $0x20, s1  }
0x184: {  	[hbm4b:s19+s3] =	stream.linear.scatter [tilespmem:s20], [sflag:$0x3], $0x80, $0x38;
	[tilespmem:$0x14CC0] =	vst v63  }
0x185: {  	s31 =	simm.s32 $0xB2D8;
	s30 =	sadd.s32 $0x30, s1  }
0x186: {  	[hbm4b:s30+s3] =	stream.linear.scatter [tilespmem:s31], [sflag:$0x3], $0x80, $0x38;
	[tilespmem:$0x14CC0] =	vst v63  }
0x187: {  	s6 =	sadd.s32 $0x40, s1;
	s15 =	simm.s32 $0xB360  }
0x188: {  	[hbm4b:s6+s3] =	stream.linear.scatter [tilespmem:s15], [sflag:$0x3], $0x80, $0x38;
	[tilespmem:$0x14CC0] =	vst v63  }
0x189: {  	s18 =	sadd.s32 $0x50, s1;
	s19 =	simm.s32 $0xB3E8  }
0x18a: {  	[hbm4b:s18+s3] =	stream.linear.scatter [tilespmem:s19], [sflag:$0x3], $0x80, $0x38;
	[tilespmem:$0x14CC0] =	vst v63  }
0x18b: {  	s20 =	sadd.s32 $0x60, s1;
	s30 =	simm.s32 $0xB470  }
0x18c: {  	[hbm4b:s20+s3] =	stream.linear.scatter [tilespmem:s30], [sflag:$0x3], $0x80, $0x38;
	[tilespmem:$0x14CC0] =	vst v63  }
0x18d: {  	s1 =	sadd.s32 $0x70, s1;
	s31 =	simm.s32 $0xB4F8  }
0x18e: {  	[hbm4b:s1+s3] =	stream.linear.scatter [tilespmem:s31], [sflag:$0x3], $0x80, $0x38;
	[tilespmem:$0x14CC0] =	vst v63  }
0x18f: {  	s6 =	simm.s32 $0xB580;
	s1 =	sadd.s32 s0, s11  }
0x190: {  	[hbm4b:s1+s3] =	stream.linear.scatter [tilespmem:s6], [sflag:$0x3], $0x80, $0x38;
	[tilespmem:$0x14CC0] =	vst v63  }
0x191: {  	s18 =	simm.s32 $0xB608;
	s15 =	sadd.s32 $0x10, s1  }
0x192: {  	[hbm4b:s15+s3] =	stream.linear.scatter [tilespmem:s18], [sflag:$0x3], $0x80, $0x38;
	[tilespmem:$0x14CC0] =	vst v63  }
0x193: {  	s20 =	simm.s32 $0xB690;
	s19 =	sadd.s32 $0x20, s1  }
0x194: {  	[hbm4b:s19+s3] =	stream.linear.scatter [tilespmem:s20], [sflag:$0x3], $0x80, $0x38;
	[tilespmem:$0x14CC0] =	vst v63  }
0x195: {  	s31 =	simm.s32 $0xB718;
	s30 =	sadd.s32 $0x30, s1  }
0x196: {  	[hbm4b:s30+s3] =	stream.linear.scatter [tilespmem:s31], [sflag:$0x3], $0x80, $0x38;
	[tilespmem:$0x14CC0] =	vst v63  }
0x197: {  	s6 =	sadd.s32 $0x40, s1;
	s15 =	simm.s32 $0xB7A0  }
0x198: {  	[hbm4b:s6+s3] =	stream.linear.scatter [tilespmem:s15], [sflag:$0x3], $0x80, $0x38;
	[tilespmem:$0x14CC0] =	vst v63  }
0x199: {  	s18 =	sadd.s32 $0x50, s1;
	s19 =	simm.s32 $0xB828  }
0x19a: {  	[hbm4b:s18+s3] =	stream.linear.scatter [tilespmem:s19], [sflag:$0x3], $0x80, $0x38;
	[tilespmem:$0x14CC0] =	vst v63  }
0x19b: {  	s20 =	sadd.s32 $0x60, s1;
	s30 =	simm.s32 $0xB8B0  }
0x19c: {  	[hbm4b:s20+s3] =	stream.linear.scatter [tilespmem:s30], [sflag:$0x3], $0x80, $0x38;
	[tilespmem:$0x14CC0] =	vst v63  }
0x19d: {  	s1 =	sadd.s32 $0x70, s1;
	s31 =	simm.s32 $0xB938  }
0x19e: {  	[hbm4b:s1+s3] =	stream.linear.scatter [tilespmem:s31], [sflag:$0x3], $0x80, $0x38;
	[tilespmem:$0x14CC0] =	vst v63  }
0x19f: {  	s6 =	simm.s32 $0xB9C0;
	s1 =	sadd.s32 s0, s12  }
0x1a0: {  	[hbm4b:s1+s3] =	stream.linear.scatter [tilespmem:s6], [sflag:$0x3], $0x80, $0x38;
	[tilespmem:$0x14CC0] =	vst v63  }
0x1a1: {  	s18 =	simm.s32 $0xBA48;
	s15 =	sadd.s32 $0x10, s1  }
0x1a2: {  	[hbm4b:s15+s3] =	stream.linear.scatter [tilespmem:s18], [sflag:$0x3], $0x80, $0x38;
	[tilespmem:$0x14CC0] =	vst v63  }
0x1a3: {  	s20 =	simm.s32 $0xBAD0;
	s19 =	sadd.s32 $0x20, s1  }
0x1a4: {  	[hbm4b:s19+s3] =	stream.linear.scatter [tilespmem:s20], [sflag:$0x3], $0x80, $0x38;
	[tilespmem:$0x14CC0] =	vst v63  }
0x1a5: {  	s31 =	simm.s32 $0xBB58;
	s30 =	sadd.s32 $0x30, s1  }
0x1a6: {  	[hbm4b:s30+s3] =	stream.linear.scatter [tilespmem:s31], [sflag:$0x3], $0x80, $0x38;
	[tilespmem:$0x14CC0] =	vst v63  }
0x1a7: {  	s6 =	sadd.s32 $0x40, s1;
	s15 =	simm.s32 $0xBBE0  }
0x1a8: {  	[hbm4b:s6+s3] =	stream.linear.scatter [tilespmem:s15], [sflag:$0x3], $0x80, $0x38;
	[tilespmem:$0x14CC0] =	vst v63  }
0x1a9: {  	s18 =	sadd.s32 $0x50, s1;
	s19 =	simm.s32 $0xBC68  }
0x1aa: {  	[hbm4b:s18+s3] =	stream.linear.scatter [tilespmem:s19], [sflag:$0x3], $0x80, $0x38;
	[tilespmem:$0x14CC0] =	vst v63  }
0x1ab: {  	s20 =	sadd.s32 $0x60, s1;
	s30 =	simm.s32 $0xBCF0  }
0x1ac: {  	[hbm4b:s20+s3] =	stream.linear.scatter [tilespmem:s30], [sflag:$0x3], $0x80, $0x38;
	[tilespmem:$0x14CC0] =	vst v63  }
0x1ad: {  	s1 =	sadd.s32 $0x70, s1;
	s31 =	simm.s32 $0xBD78  }
0x1ae: {  	[hbm4b:s1+s3] =	stream.linear.scatter [tilespmem:s31], [sflag:$0x3], $0x80, $0x38;
	[tilespmem:$0x14CC0] =	vst v63  }
0x1af: {  	s6 =	simm.s32 $0xBE00;
	s1 =	sadd.s32 s0, s13  }
0x1b0: {  	[hbm4b:s1+s3] =	stream.linear.scatter [tilespmem:s6], [sflag:$0x3], $0x80, $0x38;
	[tilespmem:$0x14CC0] =	vst v63  }
0x1b1: {  	s18 =	simm.s32 $0xBE88;
	s15 =	sadd.s32 $0x10, s1  }
0x1b2: {  	[hbm4b:s15+s3] =	stream.linear.scatter [tilespmem:s18], [sflag:$0x3], $0x80, $0x38;
	[tilespmem:$0x14CC0] =	vst v63  }
0x1b3: {  	s20 =	simm.s32 $0xBF10;
	s19 =	sadd.s32 $0x20, s1  }
0x1b4: {  	[hbm4b:s19+s3] =	stream.linear.scatter [tilespmem:s20], [sflag:$0x3], $0x80, $0x38;
	[tilespmem:$0x14CC0] =	vst v63  }
0x1b5: {  	s31 =	simm.s32 $0xBF98;
	s30 =	sadd.s32 $0x30, s1  }
0x1b6: {  	[hbm4b:s30+s3] =	stream.linear.scatter [tilespmem:s31], [sflag:$0x3], $0x80, $0x38;
	[tilespmem:$0x14CC0] =	vst v63  }
0x1b7: {  	s6 =	sadd.s32 $0x40, s1;
	s15 =	simm.s32 $0xC020  }
0x1b8: {  	[hbm4b:s6+s3] =	stream.linear.scatter [tilespmem:s15], [sflag:$0x3], $0x80, $0x38;
	[tilespmem:$0x14CC0] =	vst v63  }
0x1b9: {  	s18 =	sadd.s32 $0x50, s1;
	s19 =	simm.s32 $0xC0A8  }
0x1ba: {  	[hbm4b:s18+s3] =	stream.linear.scatter [tilespmem:s19], [sflag:$0x3], $0x80, $0x38;
	[tilespmem:$0x14CC0] =	vst v63  }
0x1bb: {  	s20 =	sadd.s32 $0x60, s1;
	s30 =	simm.s32 $0xC130  }
0x1bc: {  	[hbm4b:s20+s3] =	stream.linear.scatter [tilespmem:s30], [sflag:$0x3], $0x80, $0x38;
	[tilespmem:$0x14CC0] =	vst v63  }
0x1bd: {  	s1 =	sadd.s32 $0x70, s1;
	s31 =	simm.s32 $0xC1B8  }
0x1be: {  	[hbm4b:s1+s3] =	stream.linear.scatter [tilespmem:s31], [sflag:$0x3], $0x80, $0x38;
	[tilespmem:$0x14CC0] =	vst v63  }
0x1bf: {  	s0 =	sadd.s32 s0, s14;
	s6 =	simm.s32 $0xC240  }
0x1c0: {  	[hbm4b:s0+s3] =	stream.linear.scatter [tilespmem:s6], [sflag:$0x3], $0x80, $0x38;
	[tilespmem:$0x14CC0] =	vst v63  }
0x1c1: {  	s15 =	sadd.s32 $0x10, s0;
	s18 =	simm.s32 $0xC2C8  }
0x1c2: {  	[hbm4b:s15+s3] =	stream.linear.scatter [tilespmem:s18], [sflag:$0x3], $0x80, $0x38;
	[tilespmem:$0x14CC0] =	vst v63  }
0x1c3: {  	s19 =	sadd.s32 $0x20, s0;
	s20 =	simm.s32 $0xC350  }
0x1c4: {  	[hbm4b:s19+s3] =	stream.linear.scatter [tilespmem:s20], [sflag:$0x3], $0x80, $0x38;
	[tilespmem:$0x14CC0] =	vst v63  }
0x1c5: {  	s30 =	sadd.s32 $0x30, s0;
	s31 =	simm.s32 $0xC3D8  }
0x1c6: {  	[hbm4b:s30+s3] =	stream.linear.scatter [tilespmem:s31], [sflag:$0x3], $0x80, $0x38;
	[tilespmem:$0x14CC0] =	vst v63  }
0x1c7: {  	s6 =	sadd.s32 $0x40, s0;
	s15 =	simm.s32 $0xC460  }
0x1c8: {  	[hbm4b:s6+s3] =	stream.linear.scatter [tilespmem:s15], [sflag:$0x3], $0x80, $0x38;
	[tilespmem:$0x14CC0] =	vst v63  }
0x1c9: {  	p0 =	seq.s32 s28, $0x63;
	s18 =	sadd.s32 $0x50, s0;
	s19 =	simm.s32 $0xC4E8  }
0x1ca: {  	[hbm4b:s18+s3] =	stream.linear.scatter [tilespmem:s19], [sflag:$0x3], $0x80, $0x38;
	[tilespmem:$0x14CC0] =	vst v63  }
0x1cb: {  	p1 =	seq.s32 @!p0 s28, $0x0;
	s20 =	sadd.s32 $0x60, s0;
	s30 =	simm.s32 $0xC570  }
0x1cc: {  	[hbm4b:s20+s3] =	stream.linear.scatter [tilespmem:s30], [sflag:$0x3], $0x80, $0x38;
	[tilespmem:$0x14CC0] =	vst v63  }
0x1cd: {  	p1 =	por p0, !p1;
	s0 =	sadd.s32 $0x70, s0;
	s31 =	simm.s32 $0xC5F8  }
0x1ce: {  	[hbm4b:s0+s3] =	stream.linear.scatter [tilespmem:s31], [sflag:$0x3], $0x80, $0x38;
	[tilespmem:$0x14CC0] =	vst v63  }
.Ltmp12:
0x1cf: {  	_ = 	snop;
	(pc) =	sbr.rel @!p1 .LBB2_24-.Ltmp12, $4  }
0x1d0: {  	s0 =	sshll.u32 @!p0 s28, $0x8  }
0x1d1: {  	s29 =	sor.u32 @!p0 $0x1, s29;
	s0 =	sand.u32 @!p0 $0x3FFFFF00, s0  }
0x1d2: {  	s5 =	simm.s32 @!p0 $0x6480;
	s1 =	simm.s32 @!p0 $0x80;
	s0 =	sadd.s32 @!p0 $0x100, s0  }
0x1d3: {  	[tilespmem:s5], [sflag:$0x1] =	stream.indirect.gather @!p0 [hbm4b:s4+s1], $0x40, s0, s1, $0xb8;
	[tilespmem:$0x14CC0] =	vst v63  }
0x1d4: {  	_ =	swait.ge [sflag:s26], $0x400  }
0x1d5: {  	[sflag:s26] =	ssyncset.done $0x0  }
0x1d6: {  	[sflag:s26] =	ssyncadd.s32 $0xFFFFFC00  }
0x1d7: {  	_ =	swait.ge [sflag:s26], $0x400  }
0x1d8: {  	[sflag:s26] =	ssyncset.done $0x0  }
0x1d9: {  	[sflag:s26] =	ssyncadd.s32 $0xFFFFFC00  }
0x1da: {  	_ =	swait.ge [sflag:s26], $0x400  }
0x1db: {  	[sflag:s26] =	ssyncset.done $0x0  }
0x1dc: {  	[sflag:s26] =	ssyncadd.s32 $0xFFFFFC00  }
0x1dd: {  	_ =	swait.ge [sflag:s26], $0x400  }
0x1de: {  	[sflag:s26] =	ssyncset.done $0x0  }
0x1df: {  	[sflag:s26] =	ssyncadd.s32 $0xFFFFFC00  }
0x1e0: {  	_ =	swait.ge [sflag:s26], $0x400  }
0x1e1: {  	[sflag:s26] =	ssyncset.done $0x0  }
0x1e2: {  	[sflag:s26] =	ssyncadd.s32 $0xFFFFFC00  }
0x1e3: {  	_ =	swait.ge [sflag:s26], $0x400  }
0x1e4: {  	[sflag:s26] =	ssyncset.done $0x0  }
0x1e5: {  	[sflag:s26] =	ssyncadd.s32 $0xFFFFFC00  }
0x1e6: {  	_ =	swait.ge [sflag:s26], $0x400  }
0x1e7: {  	[sflag:s26] =	ssyncset.done $0x0  }
0x1e8: {  	[sflag:s26] =	ssyncadd.s32 $0xFFFFFC00  }
0x1e9: {  	_ =	swait.ge [sflag:s26], $0x400  }
0x1ea: {  	[sflag:s26] =	ssyncset.done $0x0  }
0x1eb: {  	s29 =	simm.s32 @p0 $0xC7;
	[sflag:s26] =	ssyncadd.s32 $0xFFFFFC00  }
.LBB2_24:
0x1ec: {  	_ =	swait.ge [sflag:s21], $0x2000  }
0x1ed: {  	s30 =	simm.s32 $0x0;
	s31 =	simm.s32 $0x8570;
	[sflag:s21] =	ssyncset.done $0x0  }
0x1ee: {  	v13 =	vmov s29;
	s1 =	simm.s32 $0x0;
	s0 =	simm.s32 $0x0;
	[sflag:s21] =	ssyncadd.s32 $0xFFFFE000  }
.LBB2_25:
0x1ef: {  	s5 =	sshll.u32 s0, $0x4  }
0x1f0: {  	v14 =	vld [tilespmem:s5+$0x6400];
	_ =	sdelay $0x4  }
0x1f1: {  	v15 =	vmov s30;
	v14 =	vadd.s32 v13, v14  }
0x1f2: {  	s6 =	simm.s32 $0x1;
	v15 =	vperm.xlane v14, v15  }
0x1f3: {  	v16 =	vmov s6  }
0x1f4: {  	v18 =	vperm.xlane v14, v16;
	v16 =	vadd.s32 v0, v15;
	_ =	sdelay $0x1  }
0x1f5: {  	s15 =	simm.s32 $0x3;
	v19 =	vadd.s32 v0, v18  }
0x1f6: {  	s18 =	simm.s32 $0x2;
	v17 =	vmov s15  }
0x1f7: {  	s19 =	sadd.s32 $0x0, s1;
	v21 =	vmov s18;
	v20 =	vperm.xlane v14, v17;
	v17 =	vld [tilespmem:s31+$0xFFFFFF10]  }
0x1f8: {  	v22 =	vmov s19;
	v24 =	vperm.xlane v14, v21;
	v16 =	vld.idx.msk [tilespmem:v16+s16+$0x0], $0xffff  }
0x1f9: {  	v25 =	vld [tilespmem:s31+$0xFFFFFF50];
	s6 =	sadd.s32 $0x1, s19;
	v26 =	vand.u32 $0x7C, v22;
	v21 =	vadd.s32 v0, v20  }
0x1fa: {  	v23 =	vmov s6;
	v27 =	vadd.s32 v9, v26;
	v22 =	vadd.s32 v0, v24;
	v19 =	vld.idx.msk [tilespmem:v19+s16+$0x0], $0xffff  }
0x1fb: {  	v23 =	vand.u32 $0x7D, v23  }
0x1fc: {  	v28 =	vld [tilespmem:s31+$0xFFFFFF90];
	v30 =	vadd.s32 v9, v23;
	v29 =	vadd.s32 v3, v15  }
0x1fd: {  	v32 =	vld [tilespmem:s31+$0xFFFFFFD0];
	s20 =	sadd.s32 $0x3, s19;
	v31 =	vadd.s32 v3, v18;
	v16 =	vadd.f32 v16, v17  }
0x1fe: {  	v21 =	vld.idx.msk [tilespmem:v21+s16+$0x0], $0xffff;
	v17 =	vmov s20  }
0x1ff: {  	s5 =	sadd.s32 $0x2, s19;
	v22 =	vld.idx.msk [tilespmem:v22+s16+$0x0], $0xffff;
	v33 =	vand.u32 $0x7F, v17;
	v17 =	vadd.f32 v19, v25;
	[tilespmem:v27+s23+$0x0] =	vst.idx.msk $0xffff, v16  }
0x200: {  	v16 =	vmov s5;
	v19 =	vadd.s32 v9, v33;
	v27 =	vld [tilespmem:s31+$0xFFFFFF20]  }
0x201: {  	v25 =	vand.u32 $0x7E, v16;
	v16 =	vadd.s32 v3, v20;
	[tilespmem:v30+s23+$0x0] =	vst.idx.msk $0xffff, v17;
	v17 =	vld.idx.msk [tilespmem:v29+s16+$0x0], $0xffff  }
0x202: {  	v34 =	vadd.s32 v10, v26;
	v29 =	vadd.s32 v9, v25;
	v30 =	vld.idx.msk [tilespmem:v31+s16+$0x0], $0xffff  }
0x203: {  	s19 =	sadd.s32 $0x100, s31;
	v35 =	vadd.s32 v5, v15;
	v21 =	vadd.f32 v21, v32;
	s20 =	simm.s32 $0x6;
	v31 =	vadd.s32 v3, v24;
	v55 =	vld [tilespmem:s31+$0xFFFFFF60]  }
0x204: {  	v56 =	vld [tilespmem:s19+$0xFFFFFF10];
	v58 =	vadd.s32 v7, v15;
	v22 =	vadd.f32 v22, v28;
	v15 =	vmov s20  }
0x205: {  	v57 =	vld [tilespmem:s19+$0xFFFFFF50];
	v15 =	vperm.xlane v14, v15;
	[tilespmem:v19+s23+$0x0] =	vst.idx.msk $0xffff, v21;
	v19 =	vadd.s32 v10, v23  }
0x206: {  	v16 =	vld.idx.msk [tilespmem:v16+s16+$0x0], $0xffff  }
0x207: {  	v38 =	vadd.s32 v0, v15;
	v17 =	vadd.f32 v17, v27;
	[tilespmem:v29+s23+$0x0] =	vst.idx.msk $0xffff, v22;
	v22 =	vld [tilespmem:s31+$0xFFFFFFE0]  }
0x208: {  	v21 =	vadd.s32 v5, v18;
	v27 =	vadd.f32 v30, v55;
	v28 =	vld.idx.msk [tilespmem:v31+s16+$0x0], $0xffff  }
0x209: {  	v29 =	vadd.s32 v10, v33;
	[tilespmem:v34+s23+$0x0] =	vst.idx.msk $0xffff, v17;
	v40 =	vld [tilespmem:s31+$0xFFFFFFA0]  }
0x20a: {  	v30 =	vld.idx.msk [tilespmem:v35+s16+$0x0], $0xffff;
	[tilespmem:v19+s23+$0x0] =	vst.idx.msk $0xffff, v27;
	v27 =	vadd.s32 v5, v20  }
0x20b: {  	s15 =	simm.s32 $0x4;
	v41 =	vadd.s32 v10, v25;
	v19 =	vld [tilespmem:s31+$0xFFFFFF30]  }
0x20c: {  	v60 =	vld.idx.msk [tilespmem:v38+s16+$0x0], $0xffff;
	v17 =	vmov s15;
	v22 =	vadd.f32 v16, v22  }
0x20d: {  	s18 =	simm.s32 $0x5;
	v44 =	vadd.s32 v5, v24;
	v31 =	vadd.s32 v11, v26;
	v17 =	vperm.xlane v14, v17;
	v21 =	vld.idx.msk [tilespmem:v21+s16+$0x0], $0xffff  }
0x20e: {  	s6 =	simm.s32 $0x7;
	v16 =	vmov s18;
	v28 =	vadd.f32 v28, v40;
	[tilespmem:v29+s23+$0x0] =	vst.idx.msk $0xffff, v22;
	v29 =	vld [tilespmem:s19+$0xFFFFFF90]  }
0x20f: {  	v36 =	vmov s6;
	v16 =	vperm.xlane v14, v16;
	v22 =	vadd.s32 v0, v17;
	v27 =	vld.idx.msk [tilespmem:v27+s16+$0x0], $0xffff  }
0x210: {  	v30 =	vadd.f32 v30, v19;
	v19 =	vperm.xlane v14, v36;
	v59 =	vld [tilespmem:s31+$0xFFFFFFF0];
	[tilespmem:v41+s23+$0x0] =	vst.idx.msk $0xffff, v28  }
0x211: {  	v37 =	vadd.s32 v0, v16;
	v50 =	vld [tilespmem:s31+$0xFFFFFFB0]  }
0x212: {  	v39 =	vadd.s32 v11, v33;
	v51 =	vld.idx.msk [tilespmem:v44+s16+$0x0], $0xffff;
	[tilespmem:v31+s23+$0x0] =	vst.idx.msk $0xffff, v30;
	v31 =	vadd.s32 v0, v19  }
0x213: {  	v20 =	vadd.s32 v7, v20;
	v30 =	vld [tilespmem:s31+$0xFFFFFF70]  }
0x214: {  	v35 =	vld.idx.msk [tilespmem:v58+s16+$0x0], $0xffff  }
0x215: {  	v42 =	vadd.s32 v11, v23;
	s15 =	sadd.s32 $0x4, s1;
	v22 =	vld.idx.msk [tilespmem:v22+s16+$0x0], $0xffff;
	v27 =	vadd.f32 v27, v59  }
0x216: {  	v43 =	vmov s15;
	s18 =	sadd.s32 $0x1, s15;
	v37 =	vld.idx.msk [tilespmem:v37+s16+$0x0], $0xffff  }
0x217: {  	v61 =	vadd.s32 v7, v18;
	v18 =	vand.u32 $0x7C, v43;
	v62 =	vmov s18;
	v31 =	vld.idx.msk [tilespmem:v31+s16+$0x0], $0xffff;
	[tilespmem:v39+s23+$0x0] =	vst.idx.msk $0xffff, v27  }
0x218: {  	s20 =	sadd.s32 $0x3, s15;
	v43 =	vadd.s32 v9, v18;
	v21 =	vadd.f32 v21, v30;
	v30 =	vld.idx.msk [tilespmem:v20+s16+$0x0], $0xffff;
	v20 =	vand.u32 $0x7D, v62  }
0x219: {  	s5 =	sadd.s32 $0x2, s15;
	v48 =	vmov s20;
	v63 =	vadd.s32 v3, v17;
	v27 =	vld [tilespmem:s19+$0xFFFFFFD0];
	v49 =	vadd.s32 v9, v20  }
0x21a: {  	v46 =	vld [tilespmem:s31+$0xFFFFFF40];
	v32 =	vadd.f32 v22, v56;
	[tilespmem:v42+s23+$0x0] =	vst.idx.msk $0xffff, v21;
	v21 =	vmov s5;
	v22 =	vand.u32 $0x7F, v48  }
0x21b: {  	v45 =	vadd.s32 v3, v16;
	v28 =	vld [tilespmem:s31+$0x0];
	v21 =	vand.u32 $0x7E, v21;
	v39 =	vadd.s32 v9, v22  }
0x21c: {  	v38 =	vld.idx.msk [tilespmem:v61+s16+$0x0], $0xffff;
	v52 =	vadd.s32 v9, v21  }
0x21d: {  	v53 =	vadd.s32 v3, v19;
	v34 =	vadd.f32 v37, v57;
	v62 =	vld [tilespmem:s31+$0xFFFFFF80];
	[tilespmem:v43+s23+$0x0] =	vst.idx.msk $0xffff, v32  }
0x21e: {  	v24 =	vadd.s32 v7, v24;
	v54 =	vld [tilespmem:s19+$0xFFFFFF20];
	v27 =	vadd.f32 v31, v27;
	v31 =	vadd.s32 v11, v25  }
0x21f: {  	v33 =	vadd.s32 v12, v33;
	v29 =	vadd.f32 v60, v29;
	v55 =	vld.idx.msk [tilespmem:v63+s16+$0x0], $0xffff;
	[tilespmem:v49+s23+$0x0] =	vst.idx.msk $0xffff, v34  }
0x220: {  	v57 =	vadd.s32 v3, v15;
	v56 =	vld.idx.msk [tilespmem:v45+s16+$0x0], $0xffff;
	[tilespmem:v39+s23+$0x0] =	vst.idx.msk $0xffff, v27;
	v27 =	vadd.s32 v12, v26  }
0x221: {  	v58 =	vld [tilespmem:s19+$0xFFFFFF60];
	v26 =	vadd.f32 v51, v50;
	[tilespmem:v52+s23+$0x0] =	vst.idx.msk $0xffff, v29;
	v29 =	vadd.s32 v10, v18  }
0x222: {  	v60 =	vadd.s32 v5, v17;
	v28 =	vadd.f32 v30, v28;
	v59 =	vld.idx.msk [tilespmem:v53+s16+$0x0], $0xffff  }
0x223: {  	v35 =	vadd.f32 v35, v46;
	v30 =	vadd.s32 v10, v20;
	v61 =	vld [tilespmem:s19+$0xFFFFFFE0];
	[tilespmem:v31+s23+$0x0] =	vst.idx.msk $0xffff, v26  }
0x224: {  	[tilespmem:v33+s23+$0x0] =	vst.idx.msk $0xffff, v28;
	v31 =	vadd.f32 v55, v54;
	v26 =	vld.idx.msk [tilespmem:v24+s16+$0x0], $0xffff  }
0x225: {  	v33 =	vadd.s32 v5, v16;
	v24 =	vadd.s32 v12, v23;
	v23 =	vld.idx.msk [tilespmem:v57+s16+$0x0], $0xffff;
	[tilespmem:v27+s23+$0x0] =	vst.idx.msk $0xffff, v35  }
0x226: {  	v63 =	vadd.f32 v56, v58;
	v27 =	vld [tilespmem:s31+$0xFFFFFFC0];
	[tilespmem:v29+s23+$0x0] =	vst.idx.msk $0xffff, v31  }
0x227: {  	v32 =	vadd.s32 v5, v19;
	v25 =	vadd.s32 v12, v25;
	v28 =	vadd.s32 v10, v22;
	v29 =	vld.idx.msk [tilespmem:v60+s16+$0x0], $0xffff  }
0x228: {  	s20 =	simm.s32 $0x8;
	s18 =	smov.u32 s19;
	v34 =	vadd.f32 v59, v61;
	[tilespmem:v30+s23+$0x0] =	vst.idx.msk $0xffff, v63;
	v31 =	vld [tilespmem:s19+$0xFFFFFF30];
	v30 =	vadd.f32 v38, v62  }
.LBB2_26:
0x229: {  	s6 =	sadd.s32 $0x1, s20  }
0x22a: {  	v35 =	vmov s20;
	v36 =	vadd.s32 v11, v18;
	v33 =	vld.idx.msk [tilespmem:v33+s16+$0x0], $0xffff;
	s19 =	sadd.s32 $0x100, s19;
	s15 =	smov.u32 s20;
	s5 =	sadd.s32 $0x4, s20  }
0x22b: {  	p1 =	slt.u32 s20, $0xC;
	v35 =	vperm.xlane v14, v35;
	v37 =	vld [tilespmem:s19+$0xFFFFFF10];
	v38 =	vmov s6;
	s6 =	sadd.s32 $0x2, s15;
	[tilespmem:v24+s23+$0x0] =	vst.idx.msk $0xffff, v30;
	v24 =	vadd.f32 v26, v27  }
0x22c: {  	v26 =	vperm.xlane v14, v38;
	v27 =	vld [tilespmem:s19+$0xFFFFFF50];
	v30 =	vmov s6;
	s6 =	sadd.s32 $0x3, s15;
	v38 =	vadd.s32 v7, v17;
	[tilespmem:v28+s23+$0x0] =	vst.idx.msk $0xffff, v34  }
0x22d: {  	v28 =	vadd.s32 v0, v35;
	v30 =	vperm.xlane v14, v30;
	v34 =	vld [tilespmem:s19+$0xFFFFFF90];
	v39 =	vmov s6;
	[tilespmem:v25+s23+$0x0] =	vst.idx.msk $0xffff, v24;
	v17 =	vmovc v35  }
0x22e: {  	v24 =	vadd.s32 v0, v26;
	v25 =	vperm.xlane v14, v39;
	v29 =	vadd.f32 v29, v31;
	v31 =	vld.idx.msk [tilespmem:v32+s16+$0x0], $0xffff  }
0x22f: {  	v32 =	vadd.s32 v0, v30;
	v35 =	vld [tilespmem:s18+$0xFFFFFFF0]  }
0x230: {  	v39 =	vadd.s32 v0, v25;
	[tilespmem:v36+s23+$0x0] =	vst.idx.msk $0xffff, v29;
	v29 =	vld [tilespmem:s18+$0xFFFFFF70]  }
0x231: {  	v40 =	vadd.s32 v11, v22;
	v36 =	vld.idx.msk [tilespmem:v38+s16+$0x0], $0xffff;
	v38 =	vadd.s32 v7, v16;
	v16 =	vmov v26  }
0x232: {  	v42 =	vadd.s32 v5, v15;
	v43 =	vadd.s32 v7, v19;
	s6 =	sadd.s32 s15, s1;
	v19 =	vmovc v25;
	v26 =	vadd.s32 v11, v20;
	v41 =	vld [tilespmem:s18+$0xFFFFFFA0]  }
0x233: {  	v45 =	vadd.s32 v10, v21;
	v44 =	vadd.s32 v3, v17;
	s15 =	sadd.s32 $0x1, s6;
	s20 =	sadd.s32 $0x2, s6;
	v25 =	vmov s6;
	s6 =	sadd.s32 $0x3, s6;
	v28 =	vld.idx.msk [tilespmem:v28+s16+$0x0], $0xffff  }
0x234: {  	v46 =	vmov s15;
	v47 =	vmov s20;
	v24 =	vld.idx.msk [tilespmem:v24+s16+$0x0], $0xffff;
	v31 =	vadd.f32 v31, v35  }
0x235: {  	v25 =	vand.u32 $0x7C, v25;
	v35 =	vmov s6;
	v32 =	vld.idx.msk [tilespmem:v32+s16+$0x0], $0xffff;
	v29 =	vadd.f32 v33, v29  }
0x236: {  	v46 =	vand.u32 $0x7D, v46;
	v47 =	vand.u32 $0x7E, v47;
	v33 =	vadd.s32 v9, v25;
	v39 =	vld.idx.msk [tilespmem:v39+s16+$0x0], $0xffff;
	[tilespmem:v40+s23+$0x0] =	vst.idx.msk $0xffff, v31  }
0x237: {  	v31 =	vadd.s32 v3, v16;
	v40 =	vadd.s32 v9, v47;
	v48 =	vld [tilespmem:s19+$0xFFFFFFD0];
	v23 =	vadd.f32 v23, v41  }
0x238: {  	v49 =	vadd.s32 v3, v30;
	v35 =	vand.u32 $0x7F, v35;
	v41 =	vadd.s32 v9, v46;
	v43 =	vld.idx.msk [tilespmem:v43+s16+$0x0], $0xffff  }
0x239: {  	v51 =	vadd.s32 v3, v19;
	v50 =	vadd.s32 v9, v35;
	[tilespmem:v45+s23+$0x0] =	vst.idx.msk $0xffff, v23;
	v23 =	vld [tilespmem:s18+$0x0]  }
0x23a: {  	v28 =	vadd.f32 v28, v37;
	v24 =	vadd.f32 v24, v27;
	[tilespmem:v26+s23+$0x0] =	vst.idx.msk $0xffff, v29;
	v26 =	vld [tilespmem:s18+$0xFFFFFFB0]  }
0x23b: {  	v27 =	vadd.f32 v32, v34;
	v29 =	vadd.s32 v12, v22;
	v22 =	vmov v35;
	v37 =	vld.idx.msk [tilespmem:v38+s16+$0x0], $0xffff  }
0x23c: {  	[tilespmem:v33+s23+$0x0] =	vst.idx.msk $0xffff, v28;
	v28 =	vadd.f32 v39, v48;
	v32 =	vld.idx.msk [tilespmem:v42+s16+$0x0], $0xffff  }
0x23d: {  	v33 =	vld [tilespmem:s19+$0xFFFFFF20];
	[tilespmem:v40+s23+$0x0] =	vst.idx.msk $0xffff, v27  }
0x23e: {  	v27 =	vadd.s32 v11, v21;
	[tilespmem:v41+s23+$0x0] =	vst.idx.msk $0xffff, v24;
	v24 =	vld [tilespmem:s18+$0xFFFFFF40];
	v23 =	vadd.f32 v43, v23  }
0x23f: {  	v35 =	vadd.s32 v7, v15;
	v15 =	vmov v30;
	v34 =	vld.idx.msk [tilespmem:v44+s16+$0x0], $0xffff;
	[tilespmem:v50+s23+$0x0] =	vst.idx.msk $0xffff, v28  }
0x240: {  	v30 =	vld.idx.msk [tilespmem:v31+s16+$0x0], $0xffff;
	v31 =	vadd.s32 v12, v18;
	[tilespmem:v29+s23+$0x0] =	vst.idx.msk $0xffff, v23;
	v18 =	vmov v25  }
0x241: {  	v38 =	vadd.s32 v10, v46;
	v23 =	vld [tilespmem:s19+$0xFFFFFF60]  }
0x242: {  	v25 =	vadd.s32 v10, v18;
	v26 =	vadd.f32 v32, v26;
	v39 =	vld.idx.msk [tilespmem:v51+s16+$0x0], $0xffff  }
0x243: {  	v28 =	vadd.s32 v10, v22;
	v29 =	vadd.s32 v5, v17;
	v32 =	vld [tilespmem:s19+$0xFFFFFFE0];
	v36 =	vadd.f32 v36, v24  }
0x244: {  	v24 =	vadd.s32 v12, v20;
	v20 =	vmov v46;
	v40 =	vld [tilespmem:s18+$0xFFFFFF80];
	[tilespmem:v27+s23+$0x0] =	vst.idx.msk $0xffff, v26  }
.Ltmp13:
0x245: {  	v34 =	vadd.f32 v34, v33;
	v33 =	vadd.s32 v5, v16;
	[tilespmem:v31+s23+$0x0] =	vst.idx.msk $0xffff, v36;
	v26 =	vld.idx.msk [tilespmem:v35+s16+$0x0], $0xffff;
	(pc) =	sbr.rel @p1 .LBB2_26-.Ltmp13, $4  }
0x246: {  	v30 =	vadd.f32 v30, v23;
	v27 =	vld [tilespmem:s18+$0xFFFFFFC0];
	s18 =	smov.u32 s19  }
0x247: {  	[tilespmem:v25+s23+$0x0] =	vst.idx.msk $0xffff, v34;
	v23 =	vld.idx.msk [tilespmem:v49+s16+$0x0], $0xffff;
	v25 =	vadd.s32 v12, v21;
	v21 =	vmov v47  }
0x248: {  	v29 =	vld.idx.msk [tilespmem:v29+s16+$0x0], $0xffff;
	[tilespmem:v38+s23+$0x0] =	vst.idx.msk $0xffff, v30;
	v34 =	vadd.f32 v39, v32  }
0x249: {  	s20 =	smov.u32 s5;
	v32 =	vadd.s32 v5, v19;
	v31 =	vld [tilespmem:s19+$0xFFFFFF30];
	v30 =	vadd.f32 v37, v40  }
0x24a: {  	_ = 	snop  }
0x24b: {  	v14 =	vld [tilespmem:s18+$0xFFFFFFA0];
	_ =	sdelay $0x1  }
0x24c: {  	v46 =	vadd.s32 v10, v21  }
0x24d: {  	v33 =	vld.idx.msk [tilespmem:v33+s16+$0x0], $0xffff  }
0x24e: {  	[tilespmem:v28+s23+$0x0] =	vst.idx.msk $0xffff, v34;
	v35 =	vadd.s32 v5, v15;
	v47 =	vld [tilespmem:s18+$0xFFFFFF70]  }
0x24f: {  	v36 =	vadd.s32 v11, v18;
	v32 =	vld.idx.msk [tilespmem:v32+s16+$0x0], $0xffff;
	v14 =	vadd.f32 v23, v14  }
0x250: {  	v17 =	vadd.s32 v7, v17;
	v34 =	vld [tilespmem:s18+$0xFFFFFFF0]  }
0x251: {  	v49 =	vadd.s32 v11, v20;
	[tilespmem:v46+s23+$0x0] =	vst.idx.msk $0xffff, v14  }
0x252: {  	v37 =	vadd.s32 v11, v22;
	v16 =	vadd.s32 v7, v16;
	v48 =	vadd.f32 v29, v31;
	v50 =	vld [tilespmem:s18+$0xFFFFFFB0]  }
0x253: {  	v52 =	vld.idx.msk [tilespmem:v35+s16+$0x0], $0xffff  }
0x254: {  	v53 =	vadd.f32 v33, v47;
	[tilespmem:v36+s23+$0x0] =	vst.idx.msk $0xffff, v48;
	v14 =	vadd.s32 v7, v19  }
0x255: {  	v54 =	vadd.s32 v11, v21;
	v51 =	vadd.f32 v32, v34;
	v17 =	vld.idx.msk [tilespmem:v17+s16+$0x0], $0xffff  }
0x256: {  	v15 =	vadd.s32 v7, v15;
	[tilespmem:v49+s23+$0x0] =	vst.idx.msk $0xffff, v53;
	v56 =	vld [tilespmem:s18+$0xFFFFFF40]  }
0x257: {  	[tilespmem:v37+s23+$0x0] =	vst.idx.msk $0xffff, v51;
	v16 =	vld.idx.msk [tilespmem:v16+s16+$0x0], $0xffff  }
0x258: {  	v31 =	vld [tilespmem:s18+$0x0];
	v55 =	vadd.f32 v52, v50  }
0x259: {  	v14 =	vld.idx.msk [tilespmem:v14+s16+$0x0], $0xffff  }
0x25a: {  	v57 =	vld [tilespmem:s18+$0xFFFFFF80];
	[tilespmem:v54+s23+$0x0] =	vst.idx.msk $0xffff, v55  }
0x25b: {  	v58 =	vadd.s32 v12, v22;
	v15 =	vld.idx.msk [tilespmem:v15+s16+$0x0], $0xffff  }
0x25c: {  	v59 =	vadd.s32 v12, v18;
	v60 =	vld [tilespmem:s18+$0xFFFFFFC0]  }
0x25d: {  	v62 =	vadd.s32 v12, v20;
	s0 =	sadd.s32 $0x1, s0;
	v61 =	vadd.f32 v26, v27  }
0x25e: {  	v63 =	vadd.s32 v12, v21;
	[tilespmem:v24+s23+$0x0] =	vst.idx.msk $0xffff, v30;
	p1 =	sne.s32 s0, $0x8;
	v14 =	vadd.f32 v14, v31  }
.Ltmp14:
0x25f: {  	[tilespmem:v25+s23+$0x0] =	vst.idx.msk $0xffff, v61;
	v17 =	vadd.f32 v17, v56;
	(pc) =	sbr.rel @p1 .LBB2_25-.Ltmp14, $4  }
0x260: {  	[tilespmem:v58+s23+$0x0] =	vst.idx.msk $0xffff, v14;
	v14 =	vadd.f32 v16, v57  }
0x261: {  	[tilespmem:v59+s23+$0x0] =	vst.idx.msk $0xffff, v17;
	v15 =	vadd.f32 v15, v60  }
0x262: {  	[tilespmem:v62+s23+$0x0] =	vst.idx.msk $0xffff, v14  }
0x263: {  	s1 =	sadd.s32 $0x10, s1;
	s31 =	sadd.s32 $0x400, s31;
	[tilespmem:v63+s23+$0x0] =	vst.idx.msk $0xffff, v15  }
0x264: {  	s0 =	sshll.u32 s29, $0xF  }
0x265: {  	s0 =	sor.u32 s7, s0  }
0x266: {  	s5 =	simm.s32 $0xC680;
	s1 =	sadd.s32 s2, s0  }
0x267: {  	[hbm4b:s1+s3] =	stream.linear.scatter [tilespmem:s5], [sflag:$0x4], $0x80, $0x38;
	[tilespmem:$0x14CC0] =	vst v63  }
0x268: {  	s6 =	simm.s32 $0xC708;
	s29 =	sadd.s32 $0x10, s1  }
0x269: {  	[hbm4b:s29+s3] =	stream.linear.scatter [tilespmem:s6], [sflag:$0x4], $0x80, $0x38;
	[tilespmem:$0x14CC0] =	vst v63  }
0x26a: {  	s31 =	simm.s32 $0xC790;
	s30 =	sadd.s32 $0x20, s1  }
0x26b: {  	[hbm4b:s30+s3] =	stream.linear.scatter [tilespmem:s31], [sflag:$0x4], $0x80, $0x38;
	[tilespmem:$0x14CC0] =	vst v63  }
0x26c: {  	s15 =	simm.s32 $0xC818;
	s6 =	sadd.s32 $0x30, s1  }
0x26d: {  	[hbm4b:s6+s3] =	stream.linear.scatter [tilespmem:s15], [sflag:$0x4], $0x80, $0x38;
	[tilespmem:$0x14CC0] =	vst v63  }
0x26e: {  	s19 =	simm.s32 $0xC8A0;
	s18 =	sadd.s32 $0x40, s1  }
0x26f: {  	[hbm4b:s18+s3] =	stream.linear.scatter [tilespmem:s19], [sflag:$0x4], $0x80, $0x38;
	[tilespmem:$0x14CC0] =	vst v63  }
0x270: {  	s20 =	sadd.s32 $0x50, s1;
	s29 =	simm.s32 $0xC928  }
0x271: {  	[hbm4b:s20+s3] =	stream.linear.scatter [tilespmem:s29], [sflag:$0x4], $0x80, $0x38;
	[tilespmem:$0x14CC0] =	vst v63  }
0x272: {  	s30 =	sadd.s32 $0x60, s1;
	s31 =	simm.s32 $0xC9B0  }
0x273: {  	[hbm4b:s30+s3] =	stream.linear.scatter [tilespmem:s31], [sflag:$0x4], $0x80, $0x38;
	[tilespmem:$0x14CC0] =	vst v63  }
0x274: {  	s1 =	sadd.s32 $0x70, s1;
	s6 =	simm.s32 $0xCA38  }
0x275: {  	[hbm4b:s1+s3] =	stream.linear.scatter [tilespmem:s6], [sflag:$0x4], $0x80, $0x38;
	[tilespmem:$0x14CC0] =	vst v63  }
0x276: {  	s15 =	simm.s32 $0xCAC0;
	s1 =	sadd.s32 s0, s8  }
0x277: {  	[hbm4b:s1+s3] =	stream.linear.scatter [tilespmem:s15], [sflag:$0x4], $0x80, $0x38;
	[tilespmem:$0x14CC0] =	vst v63  }
0x278: {  	s19 =	simm.s32 $0xCB48;
	s18 =	sadd.s32 $0x10, s1  }
0x279: {  	[hbm4b:s18+s3] =	stream.linear.scatter [tilespmem:s19], [sflag:$0x4], $0x80, $0x38;
	[tilespmem:$0x14CC0] =	vst v63  }
0x27a: {  	s29 =	simm.s32 $0xCBD0;
	s20 =	sadd.s32 $0x20, s1  }
0x27b: {  	[hbm4b:s20+s3] =	stream.linear.scatter [tilespmem:s29], [sflag:$0x4], $0x80, $0x38;
	[tilespmem:$0x14CC0] =	vst v63  }
0x27c: {  	s31 =	simm.s32 $0xCC58;
	s30 =	sadd.s32 $0x30, s1  }
0x27d: {  	[hbm4b:s30+s3] =	stream.linear.scatter [tilespmem:s31], [sflag:$0x4], $0x80, $0x38;
	[tilespmem:$0x14CC0] =	vst v63  }
0x27e: {  	s6 =	sadd.s32 $0x40, s1;
	s15 =	simm.s32 $0xCCE0  }
0x27f: {  	[hbm4b:s6+s3] =	stream.linear.scatter [tilespmem:s15], [sflag:$0x4], $0x80, $0x38;
	[tilespmem:$0x14CC0] =	vst v63  }
0x280: {  	s18 =	sadd.s32 $0x50, s1;
	s19 =	simm.s32 $0xCD68  }
0x281: {  	[hbm4b:s18+s3] =	stream.linear.scatter [tilespmem:s19], [sflag:$0x4], $0x80, $0x38;
	[tilespmem:$0x14CC0] =	vst v63  }
0x282: {  	s20 =	sadd.s32 $0x60, s1;
	s29 =	simm.s32 $0xCDF0  }
0x283: {  	[hbm4b:s20+s3] =	stream.linear.scatter [tilespmem:s29], [sflag:$0x4], $0x80, $0x38;
	[tilespmem:$0x14CC0] =	vst v63  }
0x284: {  	s1 =	sadd.s32 $0x70, s1;
	s30 =	simm.s32 $0xCE78  }
0x285: {  	[hbm4b:s1+s3] =	stream.linear.scatter [tilespmem:s30], [sflag:$0x4], $0x80, $0x38;
	[tilespmem:$0x14CC0] =	vst v63  }
0x286: {  	s31 =	simm.s32 $0xCF00;
	s1 =	sadd.s32 s0, s9  }
0x287: {  	[hbm4b:s1+s3] =	stream.linear.scatter [tilespmem:s31], [sflag:$0x4], $0x80, $0x38;
	[tilespmem:$0x14CC0] =	vst v63  }
0x288: {  	s15 =	simm.s32 $0xCF88;
	s6 =	sadd.s32 $0x10, s1  }
0x289: {  	[hbm4b:s6+s3] =	stream.linear.scatter [tilespmem:s15], [sflag:$0x4], $0x80, $0x38;
	[tilespmem:$0x14CC0] =	vst v63  }
0x28a: {  	s19 =	simm.s32 $0xD010;
	s18 =	sadd.s32 $0x20, s1  }
0x28b: {  	[hbm4b:s18+s3] =	stream.linear.scatter [tilespmem:s19], [sflag:$0x4], $0x80, $0x38;
	[tilespmem:$0x14CC0] =	vst v63  }
0x28c: {  	s29 =	simm.s32 $0xD098;
	s20 =	sadd.s32 $0x30, s1  }
0x28d: {  	[hbm4b:s20+s3] =	stream.linear.scatter [tilespmem:s29], [sflag:$0x4], $0x80, $0x38;
	[tilespmem:$0x14CC0] =	vst v63  }
0x28e: {  	s30 =	sadd.s32 $0x40, s1;
	s31 =	simm.s32 $0xD120  }
0x28f: {  	[hbm4b:s30+s3] =	stream.linear.scatter [tilespmem:s31], [sflag:$0x4], $0x80, $0x38;
	[tilespmem:$0x14CC0] =	vst v63  }
0x290: {  	s6 =	sadd.s32 $0x50, s1;
	s15 =	simm.s32 $0xD1A8  }
0x291: {  	[hbm4b:s6+s3] =	stream.linear.scatter [tilespmem:s15], [sflag:$0x4], $0x80, $0x38;
	[tilespmem:$0x14CC0] =	vst v63  }
0x292: {  	s18 =	sadd.s32 $0x60, s1;
	s19 =	simm.s32 $0xD230  }
0x293: {  	[hbm4b:s18+s3] =	stream.linear.scatter [tilespmem:s19], [sflag:$0x4], $0x80, $0x38;
	[tilespmem:$0x14CC0] =	vst v63  }
0x294: {  	s1 =	sadd.s32 $0x70, s1;
	s20 =	simm.s32 $0xD2B8  }
0x295: {  	[hbm4b:s1+s3] =	stream.linear.scatter [tilespmem:s20], [sflag:$0x4], $0x80, $0x38;
	[tilespmem:$0x14CC0] =	vst v63  }
0x296: {  	s29 =	simm.s32 $0xD340;
	s1 =	sadd.s32 s0, s10  }
0x297: {  	[hbm4b:s1+s3] =	stream.linear.scatter [tilespmem:s29], [sflag:$0x4], $0x80, $0x38;
	[tilespmem:$0x14CC0] =	vst v63  }
0x298: {  	s31 =	simm.s32 $0xD3C8;
	s30 =	sadd.s32 $0x10, s1  }
0x299: {  	[hbm4b:s30+s3] =	stream.linear.scatter [tilespmem:s31], [sflag:$0x4], $0x80, $0x38;
	[tilespmem:$0x14CC0] =	vst v63  }
0x29a: {  	s15 =	simm.s32 $0xD450;
	s6 =	sadd.s32 $0x20, s1  }
0x29b: {  	[hbm4b:s6+s3] =	stream.linear.scatter [tilespmem:s15], [sflag:$0x4], $0x80, $0x38;
	[tilespmem:$0x14CC0] =	vst v63  }
0x29c: {  	s19 =	simm.s32 $0xD4D8;
	s18 =	sadd.s32 $0x30, s1  }
0x29d: {  	[hbm4b:s18+s3] =	stream.linear.scatter [tilespmem:s19], [sflag:$0x4], $0x80, $0x38;
	[tilespmem:$0x14CC0] =	vst v63  }
0x29e: {  	s20 =	sadd.s32 $0x40, s1;
	s29 =	simm.s32 $0xD560  }
0x29f: {  	[hbm4b:s20+s3] =	stream.linear.scatter [tilespmem:s29], [sflag:$0x4], $0x80, $0x38;
	[tilespmem:$0x14CC0] =	vst v63  }
0x2a0: {  	s30 =	sadd.s32 $0x50, s1;
	s31 =	simm.s32 $0xD5E8  }
0x2a1: {  	[hbm4b:s30+s3] =	stream.linear.scatter [tilespmem:s31], [sflag:$0x4], $0x80, $0x38;
	[tilespmem:$0x14CC0] =	vst v63  }
0x2a2: {  	s6 =	sadd.s32 $0x60, s1;
	s15 =	simm.s32 $0xD670  }
0x2a3: {  	[hbm4b:s6+s3] =	stream.linear.scatter [tilespmem:s15], [sflag:$0x4], $0x80, $0x38;
	[tilespmem:$0x14CC0] =	vst v63  }
0x2a4: {  	s1 =	sadd.s32 $0x70, s1;
	s18 =	simm.s32 $0xD6F8  }
0x2a5: {  	[hbm4b:s1+s3] =	stream.linear.scatter [tilespmem:s18], [sflag:$0x4], $0x80, $0x38;
	[tilespmem:$0x14CC0] =	vst v63  }
0x2a6: {  	s19 =	simm.s32 $0xD780;
	s1 =	sadd.s32 s0, s11  }
0x2a7: {  	[hbm4b:s1+s3] =	stream.linear.scatter [tilespmem:s19], [sflag:$0x4], $0x80, $0x38;
	[tilespmem:$0x14CC0] =	vst v63  }
0x2a8: {  	s29 =	simm.s32 $0xD808;
	s20 =	sadd.s32 $0x10, s1  }
0x2a9: {  	[hbm4b:s20+s3] =	stream.linear.scatter [tilespmem:s29], [sflag:$0x4], $0x80, $0x38;
	[tilespmem:$0x14CC0] =	vst v63  }
0x2aa: {  	s31 =	simm.s32 $0xD890;
	s30 =	sadd.s32 $0x20, s1  }
0x2ab: {  	[hbm4b:s30+s3] =	stream.linear.scatter [tilespmem:s31], [sflag:$0x4], $0x80, $0x38;
	[tilespmem:$0x14CC0] =	vst v63  }
0x2ac: {  	s15 =	simm.s32 $0xD918;
	s6 =	sadd.s32 $0x30, s1  }
0x2ad: {  	[hbm4b:s6+s3] =	stream.linear.scatter [tilespmem:s15], [sflag:$0x4], $0x80, $0x38;
	[tilespmem:$0x14CC0] =	vst v63  }
0x2ae: {  	s18 =	sadd.s32 $0x40, s1;
	s19 =	simm.s32 $0xD9A0  }
0x2af: {  	[hbm4b:s18+s3] =	stream.linear.scatter [tilespmem:s19], [sflag:$0x4], $0x80, $0x38;
	[tilespmem:$0x14CC0] =	vst v63  }
0x2b0: {  	s20 =	sadd.s32 $0x50, s1;
	s29 =	simm.s32 $0xDA28  }
0x2b1: {  	[hbm4b:s20+s3] =	stream.linear.scatter [tilespmem:s29], [sflag:$0x4], $0x80, $0x38;
	[tilespmem:$0x14CC0] =	vst v63  }
0x2b2: {  	s30 =	sadd.s32 $0x60, s1;
	s31 =	simm.s32 $0xDAB0  }
0x2b3: {  	[hbm4b:s30+s3] =	stream.linear.scatter [tilespmem:s31], [sflag:$0x4], $0x80, $0x38;
	[tilespmem:$0x14CC0] =	vst v63  }
0x2b4: {  	s1 =	sadd.s32 $0x70, s1;
	s6 =	simm.s32 $0xDB38  }
0x2b5: {  	[hbm4b:s1+s3] =	stream.linear.scatter [tilespmem:s6], [sflag:$0x4], $0x80, $0x38;
	[tilespmem:$0x14CC0] =	vst v63  }
0x2b6: {  	s15 =	simm.s32 $0xDBC0;
	s1 =	sadd.s32 s0, s12  }
0x2b7: {  	[hbm4b:s1+s3] =	stream.linear.scatter [tilespmem:s15], [sflag:$0x4], $0x80, $0x38;
	[tilespmem:$0x14CC0] =	vst v63  }
0x2b8: {  	s19 =	simm.s32 $0xDC48;
	s18 =	sadd.s32 $0x10, s1  }
0x2b9: {  	[hbm4b:s18+s3] =	stream.linear.scatter [tilespmem:s19], [sflag:$0x4], $0x80, $0x38;
	[tilespmem:$0x14CC0] =	vst v63  }
0x2ba: {  	s29 =	simm.s32 $0xDCD0;
	s20 =	sadd.s32 $0x20, s1  }
0x2bb: {  	[hbm4b:s20+s3] =	stream.linear.scatter [tilespmem:s29], [sflag:$0x4], $0x80, $0x38;
	[tilespmem:$0x14CC0] =	vst v63  }
0x2bc: {  	s31 =	simm.s32 $0xDD58;
	s30 =	sadd.s32 $0x30, s1  }
0x2bd: {  	[hbm4b:s30+s3] =	stream.linear.scatter [tilespmem:s31], [sflag:$0x4], $0x80, $0x38;
	[tilespmem:$0x14CC0] =	vst v63  }
0x2be: {  	s6 =	sadd.s32 $0x40, s1;
	s15 =	simm.s32 $0xDDE0  }
0x2bf: {  	[hbm4b:s6+s3] =	stream.linear.scatter [tilespmem:s15], [sflag:$0x4], $0x80, $0x38;
	[tilespmem:$0x14CC0] =	vst v63  }
0x2c0: {  	s18 =	sadd.s32 $0x50, s1;
	s19 =	simm.s32 $0xDE68  }
0x2c1: {  	[hbm4b:s18+s3] =	stream.linear.scatter [tilespmem:s19], [sflag:$0x4], $0x80, $0x38;
	[tilespmem:$0x14CC0] =	vst v63  }
0x2c2: {  	s20 =	sadd.s32 $0x60, s1;
	s29 =	simm.s32 $0xDEF0  }
0x2c3: {  	[hbm4b:s20+s3] =	stream.linear.scatter [tilespmem:s29], [sflag:$0x4], $0x80, $0x38;
	[tilespmem:$0x14CC0] =	vst v63  }
0x2c4: {  	s1 =	sadd.s32 $0x70, s1;
	s30 =	simm.s32 $0xDF78  }
0x2c5: {  	[hbm4b:s1+s3] =	stream.linear.scatter [tilespmem:s30], [sflag:$0x4], $0x80, $0x38;
	[tilespmem:$0x14CC0] =	vst v63  }
0x2c6: {  	s31 =	simm.s32 $0xE000;
	s1 =	sadd.s32 s0, s13  }
0x2c7: {  	[hbm4b:s1+s3] =	stream.linear.scatter [tilespmem:s31], [sflag:$0x4], $0x80, $0x38;
	[tilespmem:$0x14CC0] =	vst v63  }
0x2c8: {  	s15 =	simm.s32 $0xE088;
	s6 =	sadd.s32 $0x10, s1  }
0x2c9: {  	[hbm4b:s6+s3] =	stream.linear.scatter [tilespmem:s15], [sflag:$0x4], $0x80, $0x38;
	[tilespmem:$0x14CC0] =	vst v63  }
0x2ca: {  	s19 =	simm.s32 $0xE110;
	s18 =	sadd.s32 $0x20, s1  }
0x2cb: {  	[hbm4b:s18+s3] =	stream.linear.scatter [tilespmem:s19], [sflag:$0x4], $0x80, $0x38;
	[tilespmem:$0x14CC0] =	vst v63  }
0x2cc: {  	s29 =	simm.s32 $0xE198;
	s20 =	sadd.s32 $0x30, s1  }
0x2cd: {  	[hbm4b:s20+s3] =	stream.linear.scatter [tilespmem:s29], [sflag:$0x4], $0x80, $0x38;
	[tilespmem:$0x14CC0] =	vst v63  }
0x2ce: {  	s30 =	sadd.s32 $0x40, s1;
	s31 =	simm.s32 $0xE220  }
0x2cf: {  	[hbm4b:s30+s3] =	stream.linear.scatter [tilespmem:s31], [sflag:$0x4], $0x80, $0x38;
	[tilespmem:$0x14CC0] =	vst v63  }
0x2d0: {  	s6 =	sadd.s32 $0x50, s1;
	s15 =	simm.s32 $0xE2A8  }
0x2d1: {  	[hbm4b:s6+s3] =	stream.linear.scatter [tilespmem:s15], [sflag:$0x4], $0x80, $0x38;
	[tilespmem:$0x14CC0] =	vst v63  }
0x2d2: {  	s18 =	sadd.s32 $0x60, s1;
	s19 =	simm.s32 $0xE330  }
0x2d3: {  	[hbm4b:s18+s3] =	stream.linear.scatter [tilespmem:s19], [sflag:$0x4], $0x80, $0x38;
	[tilespmem:$0x14CC0] =	vst v63  }
0x2d4: {  	s1 =	sadd.s32 $0x70, s1;
	s20 =	simm.s32 $0xE3B8  }
0x2d5: {  	[hbm4b:s1+s3] =	stream.linear.scatter [tilespmem:s20], [sflag:$0x4], $0x80, $0x38;
	[tilespmem:$0x14CC0] =	vst v63  }
0x2d6: {  	s0 =	sadd.s32 s0, s14;
	s29 =	simm.s32 $0xE440  }
0x2d7: {  	[hbm4b:s0+s3] =	stream.linear.scatter [tilespmem:s29], [sflag:$0x4], $0x80, $0x38;
	[tilespmem:$0x14CC0] =	vst v63  }
0x2d8: {  	s30 =	sadd.s32 $0x10, s0;
	s31 =	simm.s32 $0xE4C8  }
0x2d9: {  	[hbm4b:s30+s3] =	stream.linear.scatter [tilespmem:s31], [sflag:$0x4], $0x80, $0x38;
	[tilespmem:$0x14CC0] =	vst v63  }
0x2da: {  	s5 =	sadd.s32 $0x20, s0;
	s6 =	simm.s32 $0xE550  }
0x2db: {  	[hbm4b:s5+s3] =	stream.linear.scatter [tilespmem:s6], [sflag:$0x4], $0x80, $0x38;
	[tilespmem:$0x14CC0] =	vst v63  }
0x2dc: {  	s15 =	sadd.s32 $0x30, s0;
	s18 =	simm.s32 $0xE5D8  }
0x2dd: {  	[hbm4b:s15+s3] =	stream.linear.scatter [tilespmem:s18], [sflag:$0x4], $0x80, $0x38;
	[tilespmem:$0x14CC0] =	vst v63  }
0x2de: {  	s19 =	sadd.s32 $0x40, s0;
	s20 =	simm.s32 $0xE660  }
0x2df: {  	[hbm4b:s19+s3] =	stream.linear.scatter [tilespmem:s20], [sflag:$0x4], $0x80, $0x38;
	[tilespmem:$0x14CC0] =	vst v63  }
0x2e0: {  	s29 =	sadd.s32 $0x50, s0;
	s30 =	simm.s32 $0xE6E8  }
0x2e1: {  	[hbm4b:s29+s3] =	stream.linear.scatter [tilespmem:s30], [sflag:$0x4], $0x80, $0x38;
	[tilespmem:$0x14CC0] =	vst v63  }
.Ltmp15:
0x2e2: {  	_ = 	snop;
	(pc) =	sbr.rel @p0 .LBB2_30-.Ltmp15, $4  }
0x2e3: {  	s31 =	sadd.s32 $0x60, s0  }
0x2e4: {  	[hbm4b:s31+s3] =	stream.linear.scatter [tilespmem:s24], [sflag:$0x4], $0x80, $0x38;
	[tilespmem:$0x14CC0] =	vst v63  }
0x2e5: {  	s0 =	sadd.s32 $0x70, s0  }
0x2e6: {  	[hbm4b:s0+s3] =	stream.linear.scatter [tilespmem:s25], [sflag:$0x4], $0x80, $0x38;
	[tilespmem:$0x14CC0] =	vst v63  }
.Ltmp16:
0x2e7: {  	(pc) =	sbr.rel .LBB2_18-.Ltmp16, $4  }
0x2e8: {  	s0 =	sshll.u32 s28, $0x8  }
0x2e9: {  	s0 =	sand.u32 $0x3FFFFF00, s0  }
0x2ea: {  	s1 =	simm.s32 $0x8480;
	s28 =	sadd.s32 $0x1, s28;
	s0 =	sadd.s32 $0x180, s0  }
0x2eb: {  	[tilespmem:s1], [sflag:$0x2] =	stream.indirect.gather [hbm4b:s4+s17], $0x40, s0, s17, $0xb8;
	[tilespmem:$0x14CC0] =	vst v63  }
.LBB2_31:
0x2ec: {  	_ =	sfence.sel $0x180000  }
0x2ed: {  	[bflag:$0x0] =	sbarrier.arrive $0xFFFF  }
0x2ee: {  	_ =	strace $0x90000047  }
0x2ef: {  	s0 =	stileid.u32;
	[bflag:$0x2] =	sbarrier.arrive $0xFFFF  }
0x2f0: {  	p0 =	sne.s32 s0, $0x0;
	s0 =	rddreg [dreg:$0x2]  }
0x2f1: {  	s0 =	sadd.s32 @!p0 $0x100000, s0  }
0x2f2: {  	[sflag:s0] =	ssyncadd.tile.s32 @!p0 $0x1;
	_ =	shalt  }
.Lfunc_end2:
_tile_overlayer_lowered:
.L_overlay_start_2:
0x2f3: {  	(tag) =	ssettag $0x2  }
0x2f4: {  	s0 =	rddreg [dreg:$0x0];
	s2 =	stileid.u32  }
0x2f5: {  	s1 =	rddreg [dreg:$0x1];
	p0 =	sne.s32 s2, $0x0  }
0x2f6: {  	s3 =	rddreg [dreg:$0x2];
	[bflag:$0x3] =	sbarrier.arrive $0xFFFF;
	s2 =	simm.s32 @!p0 $0x1C05  }
0x2f7: {  	[timem:s3], [sflag:s2] =	dma.local @!p0 [hbm:s0], s1  }
0x2f8: {  	s0 =	simm.s32 @!p0 $0x5  }
0x2f9: {  	_ =	swait.ge @!p0 [sflag:s0], s1  }
0x2fa: {  	s1 =	ssub.s32 @!p0 $0x0, s1;
	[sflag:s0] =	ssyncset.done @!p0 $0x0  }
0x2fb: {  	[sflag:s0] =	ssyncadd.s32 @!p0 s1  }
0x2fc: {  	[bflag:$0x3] =	sbarrier.arrive $0xFFFF  }
0x2fd: {  	_ =	shalt  }

</sc_bundles>
